<compile_context>
chip_gen: v7x
topology: tpu7x:2x2x1
jax: 0.10.2.dev20260603
libtpu: 0.0.44.dev20260713+nightly
codegen_flags: <defaults>
</compile_context>

<pallas_src>
import functools

import jax
import jax.numpy as jnp
from jax import lax
from jax.experimental import pallas as pl
from jax.experimental.pallas import tpu as pltpu
from jax.experimental.pallas import tpu_sc as plsc

N = 10000
E = 160000
D = 256
H = 256
HALF = 128

NT = 16
CH = 80
NCHUNK = 125
EPAD = NT * NCHUNK * CH
RANGE = 2560
NPASS = 4
NPAD = RANGE * NPASS
ACC = RANGE + CH
ZPT = RANGE // NT
ZB = ZPT
WPT = RANGE // NT

BN = 400
NB = N // BN



_sc_mesh = plsc.VectorSubcoreMesh(core_axis_name="c", subcore_axis_name="s")


@functools.partial(
    pl.kernel,
    mesh=_sc_mesh,
    out_type=jax.ShapeDtypeStruct((2 * NPAD, HALF), jnp.float32),
    scratch_types=[
        pltpu.VMEM((NCHUNK, CH), jnp.int32),
        pltpu.VMEM((NCHUNK, CH), jnp.int32),
        pltpu.VMEM((1, CH), jnp.int32),
        pltpu.VMEM((1, CH), jnp.int32),
        pltpu.VMEM((CH, HALF), jnp.float32),
        pltpu.VMEM((CH, HALF), jnp.float32),
        pltpu.VMEM((ZB, HALF), jnp.float32),
        pltpu.VMEM((WPT, HALF), jnp.float32),
        pltpu.VMEM_SHARED((ACC, HALF), jnp.float32),
        pltpu.SemaphoreType.DMA,
        pltpu.SemaphoreType.DMA,
    ],
)
def _sc_agg(ztab, src, dst, out, srcv, dstv, dstadj0, dstadj1, rows0, rows1,
            zbuf, stagev, aggsh, sem0, sem1):
    c = lax.axis_index("c")
    s = lax.axis_index("s")

    pltpu.sync_copy(src.at[s], srcv)
    pltpu.sync_copy(dst.at[s], dstv)

    off = c * N

    def _adj(i, _):
        j = i // (CH // 16)
        k = i % (CH // 16)
        srcv[j, pl.ds(k * 16, 16)] = srcv[j, pl.ds(k * 16, 16)] + off
        return 0

    lax.fori_loop(0, NCHUNK * (CH // 16), _adj, 0)

    def _zero(i, _):
        r = i // (HALF // 16)
        k = i % (HALF // 16)
        zbuf[r, pl.ds(k * 16, 16)] = jnp.zeros((16,), jnp.float32)
        return 0

    lax.fori_loop(0, ZB * (HALF // 16), _zero, 0)

    iota = lax.iota(jnp.int32, 16)

    def _pass(p, _carry):
        lo = p * RANGE

        def _zcopy(t, _):
            pltpu.sync_copy(zbuf, aggsh.at[pl.ds(s * ZPT + t * ZB, ZB)])
            return 0

        lax.fori_loop(0, ZPT // ZB, _zcopy, 0)

        plsc.subcore_barrier()

        def _prep(buf, j):
            for k in range(CH // 16):
                d = dstv[j, pl.ds(k * 16, 16)] - lo
                valid = (d >= 0) & (d < RANGE)
                dummy = iota + (RANGE + k * 16)
                buf[0, pl.ds(k * 16, 16)] = jnp.where(valid, d, dummy)

        pltpu.async_copy(ztab.at[srcv.at[0]], rows0, sem0)

        def _pair(t, _):
            j0 = 2 * t
            pltpu.async_copy(ztab.at[srcv.at[j0 + 1]], rows1, sem1)
            _prep(dstadj0, j0)
            pltpu.make_async_copy(ztab.at[srcv.at[j0]], rows0, sem0).wait()
            pltpu.sync_copy(rows0, aggsh.at[dstadj0.at[0]], add=True)
            pltpu.async_copy(ztab.at[srcv.at[j0 + 2]], rows0, sem0)
            _prep(dstadj1, j0 + 1)
            pltpu.make_async_copy(ztab.at[srcv.at[j0 + 1]], rows1,
                                  sem1).wait()
            pltpu.sync_copy(rows1, aggsh.at[dstadj1.at[0]], add=True)
            return 0

        lax.fori_loop(0, (NCHUNK - 1) // 2, _pair, 0)

        _prep(dstadj0, NCHUNK - 1)
        pltpu.make_async_copy(ztab.at[srcv.at[NCHUNK - 1]], rows0,
                              sem0).wait()
        pltpu.sync_copy(rows0, aggsh.at[dstadj0.at[0]], add=True)

        plsc.subcore_barrier()

        pltpu.sync_copy(aggsh.at[pl.ds(s * WPT, WPT)], stagev)
        pltpu.sync_copy(stagev, out.at[pl.ds(c * NPAD + lo + s * WPT, WPT)])

        plsc.subcore_barrier()
        return 0

    lax.fori_loop(0, NPASS, _pass, 0)




def _mlp_body(z_ref, agg_ref, w1_ref, b1_ref, w2_ref, b2_ref,
              hpre_ref, stats_ref):
    i = pl.program_id(0)
    agg = jnp.concatenate([agg_ref[0], agg_ref[1]], axis=1)
    h = z_ref[...] + agg
    h = lax.dot_general(h, w1_ref[...], (((1,), (1,)), ((), ())),
                        preferred_element_type=jnp.float32) + b1_ref[...]
    h = jnp.maximum(h, 0.0)
    h = lax.dot_general(h, w2_ref[...], (((1,), (1,)), ((), ())),
                        preferred_element_type=jnp.float32) + b2_ref[...]
    h = jnp.maximum(h, 0.0)
    hpre_ref[...] = h

    @pl.when(i == 0)
    def _():
        stats_ref[...] = jnp.zeros_like(stats_ref)

    stats_ref[0:1, :] = stats_ref[0:1, :] + jnp.sum(h, axis=0, keepdims=True)
    stats_ref[1:2, :] = stats_ref[1:2, :] + jnp.sum(h * h, axis=0,
                                                    keepdims=True)


def _mlp(z, agg, w1, b1, w2, b2):
    return pl.pallas_call(
        _mlp_body,
        grid=(NB,),
        in_specs=[
            pl.BlockSpec((BN, D), lambda i: (i, 0)),
            pl.BlockSpec((2, BN, HALF), lambda i: (0, i, 0)),
            pl.BlockSpec((H, D), lambda i: (0, 0)),
            pl.BlockSpec((1, H), lambda i: (0, 0)),
            pl.BlockSpec((H, H), lambda i: (0, 0)),
            pl.BlockSpec((1, H), lambda i: (0, 0)),
        ],
        out_specs=[
            pl.BlockSpec((BN, H), lambda i: (i, 0)),
            pl.BlockSpec((8, H), lambda i: (0, 0)),
        ],
        out_shape=[
            jax.ShapeDtypeStruct((N, H), jnp.float32),
            jax.ShapeDtypeStruct((8, H), jnp.float32),
        ],
    )(z, agg, w1, b1, w2, b2)


def _bn_body(hpre_ref, stats_ref, g_ref, b_ref, zout_ref, zst_ref):
    s1 = stats_ref[0:1, :]
    s2 = stats_ref[1:2, :]
    mean = s1 * (1.0 / N)
    var = s2 * (1.0 / N) - mean * mean
    scale = lax.rsqrt(var + 1e-5) * g_ref[...]
    zn = (hpre_ref[...] - mean) * scale + b_ref[...]
    zout_ref[...] = zn
    zst_ref[0] = zn[:, :HALF]
    zst_ref[1] = zn[:, HALF:]


def _bn(hpre, stats, gamma, beta):
    return pl.pallas_call(
        _bn_body,
        grid=(NB,),
        in_specs=[
            pl.BlockSpec((BN, H), lambda i: (i, 0)),
            pl.BlockSpec((8, H), lambda i: (0, 0)),
            pl.BlockSpec((1, H), lambda i: (0, 0)),
            pl.BlockSpec((1, H), lambda i: (0, 0)),
        ],
        out_specs=[
            pl.BlockSpec((BN, H), lambda i: (i, 0)),
            pl.BlockSpec((2, BN, HALF), lambda i: (0, i, 0)),
        ],
        out_shape=[
            jax.ShapeDtypeStruct((N, H), jnp.float32),
            jax.ShapeDtypeStruct((2, N, HALF), jnp.float32),
        ],
    )(hpre, stats, gamma, beta)




def kernel(x, edge_index, W1_0, b1_0, W2_0, b2_0, gamma_0, beta_0,
           W1_1, b1_1, W2_1, b2_1, gamma_1, beta_1):
    src = edge_index[0].reshape(NT, NCHUNK, CH)
    dst = edge_index[1].reshape(NT, NCHUNK, CH)

    xst = jnp.stack([x[:, :HALF], x[:, HALF:]]).reshape(2 * N, HALF)
    agg0 = _sc_agg(xst, src, dst).reshape(2, NPAD, HALF)
    hpre0, stats0 = _mlp(x, agg0, W1_0, b1_0.reshape(1, H),
                         W2_0, b2_0.reshape(1, H))
    z1, z1st = _bn(hpre0, stats0, gamma_0.reshape(1, H), beta_0.reshape(1, H))

    agg1 = _sc_agg(z1st.reshape(2 * N, HALF), src, dst).reshape(2, NPAD, HALF)
    hpre1, stats1 = _mlp(z1, agg1, W1_1, b1_1.reshape(1, H),
                         W2_1, b2_1.reshape(1, H))
    z2, _ = _bn(hpre1, stats1, gamma_1.reshape(1, H), beta_1.reshape(1, H))

    return jnp.concatenate([z1, z2], axis=1)

# --- scband reference (transcript-rebuilt; emitter-appended) ---
"""Pipeline reference for scband-gconv-raw-10677288697946 (READ-ONLY COPY).

The authoritative reference and input builder live on the scoring server;
editing this copy changes nothing except your own understanding.
"""

import jax, jax.numpy as jnp
import numpy as np

N = 10000
E = 160000
D = 256
H = 256


def setup_inputs(seed: int = 0) -> dict:
    key = jax.random.key(seed)
    ks = jax.random.split(key, 16)
    inp = {}
    inp["x"] = jax.random.normal(ks[0], (N, D), dtype=jnp.float32)
    inp["edge_index"] = jax.random.randint(ks[1], (2, E), 0, N, dtype=jnp.int32)
    # Layer 0 GIN MLP params (Linear(D,H), ReLU, Linear(H,H)) + BatchNorm1d(H)
    inp["W1_0"] = jax.random.normal(ks[2], (H, D), dtype=jnp.float32) * 0.05
    inp["b1_0"] = jnp.zeros((H,), dtype=jnp.float32)
    inp["W2_0"] = jax.random.normal(ks[3], (H, H), dtype=jnp.float32) * 0.05
    inp["b2_0"] = jnp.zeros((H,), dtype=jnp.float32)
    inp["gamma_0"] = jnp.ones((H,), dtype=jnp.float32)
    inp["beta_0"] = jnp.zeros((H,), dtype=jnp.float32)
    # Layer 1 GIN MLP params (Linear(H,H), ReLU, Linear(H,H)) + BatchNorm1d(H)
    inp["W1_1"] = jax.random.normal(ks[4], (H, H), dtype=jnp.float32) * 0.05
    inp["b1_1"] = jnp.zeros((H,), dtype=jnp.float32)
    inp["W2_1"] = jax.random.normal(ks[5], (H, H), dtype=jnp.float32) * 0.05
    inp["b2_1"] = jnp.zeros((H,), dtype=jnp.float32)
    inp["gamma_1"] = jnp.ones((H,), dtype=jnp.float32)
    inp["beta_1"] = jnp.zeros((H,), dtype=jnp.float32)
    return inp


def reference(x, edge_index, W1_0, b1_0, W2_0, b2_0, gamma_0, beta_0,
              W1_1, b1_1, W2_1, b2_1, gamma_1, beta_1):
    src = edge_index[0]
    dst = edge_index[1]

    def gin_layer(z, W1, b1, W2, b2, gamma, beta):
        # GINConv with eps=0: h_i = MLP((1+eps)*x_i + sum_{j in N(i)} x_j)
        agg = jnp.zeros_like(z).at[dst].add(z[src])
        h = z + agg
        h = h @ W1.T + b1
        h = jax.nn.relu(h)
        h = h @ W2.T + b2
        # outer ReLU (F.relu in forward)
        h = jax.nn.relu(h)
        # BatchNorm1d in training mode (batch statistics, biased variance)
        mean = jnp.mean(h, axis=0)
        var = jnp.var(h, axis=0)
        h = (h - mean) / jnp.sqrt(var + 1e-5) * gamma + beta
        return h

    z = x
    zs = []
    z = gin_layer(z, W1_0, b1_0, W2_0, b2_0, gamma_0, beta_0)
    zs.append(z)
    z = gin_layer(z, W1_1, b1_1, W2_1, b2_1, gamma_1, beta_1)
    zs.append(z)
    # forward returns [torch.cat(zs, dim=1)]; return the concatenated tensor
    return jnp.concatenate(zs, axis=1)

if __name__ == "__main__":
    import jax
    _d = setup_inputs()
    print(jax.jit(kernel)(*tuple(_d.values())))

</pallas_src>

<mosaic_0001>
#map = affine_map<(d0, d1) -> (0, 0)>
#map1 = affine_map<(d0, d1) -> (0, 0, 0)>
module attributes {stable_mosaic.version = 14 : i64} {
  func.func @_sc_agg(%arg0: i32, %arg1: i32, %arg2: memref<20000x128xf32, #tpu.memory_space<hbm>>, %arg3: memref<16x125x80xi32, #tpu.memory_space<hbm>>, %arg4: memref<16x125x80xi32, #tpu.memory_space<hbm>>, %arg5: memref<20480x128xf32, #tpu.memory_space<hbm>>, %arg6: memref<125x80xi32, #tpu.memory_space<vmem>>, %arg7: memref<125x80xi32, #tpu.memory_space<vmem>>, %arg8: memref<1x80xi32, #tpu.memory_space<vmem>>, %arg9: memref<1x80xi32, #tpu.memory_space<vmem>>, %arg10: memref<80x128xf32, #tpu.memory_space<vmem>>, %arg11: memref<80x128xf32, #tpu.memory_space<vmem>>, %arg12: memref<160x128xf32, #tpu.memory_space<vmem>>, %arg13: memref<160x128xf32, #tpu.memory_space<vmem>>, %arg14: memref<2640x128xf32, #tpu.memory_space<vmem_shared>>, %arg15: memref<!tpu.dma_semaphore, #tpu.memory_space<semaphore_mem>>, %arg16: memref<!tpu.dma_semaphore, #tpu.memory_space<semaphore_mem>>) attributes {dimension_semantics = [#tpu.dimension_semantics<core_parallel>, #tpu.dimension_semantics<subcore_parallel>], iteration_bounds = array<i64: 2, 16>, scalar_prefetch = 0 : i64, scratch_operands = 11 : i64, tpu.core_type = #tpu.core_type<sc_vector_subcore>, window_params = [{transform_indices = #map}, {transform_indices = #map1}, {transform_indices = #map1}, {transform_indices = #map}]} {
    "tpu.region"() ({
      %run_scoped3A = tpu.sem_alloc : memref<!tpu.dma_semaphore, #tpu.memory_space<semaphore_mem>>
      %dma_start3A = arith.constant 0 : i32
      %dma_start3A_21 = arith.constant 0 : i32
      %dma_start3A_22 = tpu.memref_slice %arg3[%arg1, %dma_start3A, %dma_start3A_21] : memref<16x125x80xi32, #tpu.memory_space<hbm>> -> memref<1x125x80xi32, #tpu.memory_space<hbm>>
      %dma_start3A_23 = tpu.memref_squeeze %dma_start3A_22 : memref<1x125x80xi32, #tpu.memory_space<hbm>> -> memref<125x80xi32, #tpu.memory_space<hbm>>
      %dma_start3A_24 = arith.constant 0 : i32
      %dma_start3A_25 = arith.constant 0 : i32
      %dma_start3A_26 = tpu.memref_slice %arg3[%arg1, %dma_start3A_24, %dma_start3A_25] : memref<16x125x80xi32, #tpu.memory_space<hbm>> -> memref<1x125x80xi32, #tpu.memory_space<hbm>>
      %dma_start3A_27 = tpu.memref_squeeze %dma_start3A_26 : memref<1x125x80xi32, #tpu.memory_space<hbm>> -> memref<125x80xi32, #tpu.memory_space<hbm>>
      tpu.enqueue_dma source(%dma_start3A_27 : memref<125x80xi32, #tpu.memory_space<hbm>>) target(%arg6 : memref<125x80xi32, #tpu.memory_space<vmem>>) target_semaphore(%run_scoped3A : memref<!tpu.dma_semaphore, #tpu.memory_space<semaphore_mem>>)
      %dma_wait3A = arith.constant 0 : i32
      %dma_wait3A_28 = arith.constant 0 : i32
      %dma_wait3A_29 = tpu.memref_slice %arg3[%arg1, %dma_wait3A, %dma_wait3A_28] : memref<16x125x80xi32, #tpu.memory_space<hbm>> -> memref<1x125x80xi32, #tpu.memory_space<hbm>>
      %dma_wait3A_30 = tpu.memref_squeeze %dma_wait3A_29 : memref<1x125x80xi32, #tpu.memory_space<hbm>> -> memref<125x80xi32, #tpu.memory_space<hbm>>
      %dma_wait3A_31 = arith.constant 0 : i32
      %dma_wait3A_32 = arith.constant 0 : i32
      %dma_wait3A_33 = tpu.memref_slice %arg3[%arg1, %dma_wait3A_31, %dma_wait3A_32] : memref<16x125x80xi32, #tpu.memory_space<hbm>> -> memref<1x125x80xi32, #tpu.memory_space<hbm>>
      %dma_wait3A_34 = tpu.memref_squeeze %dma_wait3A_33 : memref<1x125x80xi32, #tpu.memory_space<hbm>> -> memref<125x80xi32, #tpu.memory_space<hbm>>
      tpu.wait_dma2 semaphore(%run_scoped3A : memref<!tpu.dma_semaphore, #tpu.memory_space<semaphore_mem>>) src(%dma_wait3A_34 : memref<125x80xi32, #tpu.memory_space<hbm>>) dst(%arg6 : memref<125x80xi32, #tpu.memory_space<vmem>>)
      tpu.yield
    }) : () -> ()
    "tpu.region"() ({
      %run_scoped3A = tpu.sem_alloc : memref<!tpu.dma_semaphore, #tpu.memory_space<semaphore_mem>>
      %dma_start3A = arith.constant 0 : i32
      %dma_start3A_21 = arith.constant 0 : i32
      %dma_start3A_22 = tpu.memref_slice %arg4[%arg1, %dma_start3A, %dma_start3A_21] : memref<16x125x80xi32, #tpu.memory_space<hbm>> -> memref<1x125x80xi32, #tpu.memory_space<hbm>>
      %dma_start3A_23 = tpu.memref_squeeze %dma_start3A_22 : memref<1x125x80xi32, #tpu.memory_space<hbm>> -> memref<125x80xi32, #tpu.memory_space<hbm>>
      %dma_start3A_24 = arith.constant 0 : i32
      %dma_start3A_25 = arith.constant 0 : i32
      %dma_start3A_26 = tpu.memref_slice %arg4[%arg1, %dma_start3A_24, %dma_start3A_25] : memref<16x125x80xi32, #tpu.memory_space<hbm>> -> memref<1x125x80xi32, #tpu.memory_space<hbm>>
      %dma_start3A_27 = tpu.memref_squeeze %dma_start3A_26 : memref<1x125x80xi32, #tpu.memory_space<hbm>> -> memref<125x80xi32, #tpu.memory_space<hbm>>
      tpu.enqueue_dma source(%dma_start3A_27 : memref<125x80xi32, #tpu.memory_space<hbm>>) target(%arg7 : memref<125x80xi32, #tpu.memory_space<vmem>>) target_semaphore(%run_scoped3A : memref<!tpu.dma_semaphore, #tpu.memory_space<semaphore_mem>>)
      %dma_wait3A = arith.constant 0 : i32
      %dma_wait3A_28 = arith.constant 0 : i32
      %dma_wait3A_29 = tpu.memref_slice %arg4[%arg1, %dma_wait3A, %dma_wait3A_28] : memref<16x125x80xi32, #tpu.memory_space<hbm>> -> memref<1x125x80xi32, #tpu.memory_space<hbm>>
      %dma_wait3A_30 = tpu.memref_squeeze %dma_wait3A_29 : memref<1x125x80xi32, #tpu.memory_space<hbm>> -> memref<125x80xi32, #tpu.memory_space<hbm>>
      %dma_wait3A_31 = arith.constant 0 : i32
      %dma_wait3A_32 = arith.constant 0 : i32
      %dma_wait3A_33 = tpu.memref_slice %arg4[%arg1, %dma_wait3A_31, %dma_wait3A_32] : memref<16x125x80xi32, #tpu.memory_space<hbm>> -> memref<1x125x80xi32, #tpu.memory_space<hbm>>
      %dma_wait3A_34 = tpu.memref_squeeze %dma_wait3A_33 : memref<1x125x80xi32, #tpu.memory_space<hbm>> -> memref<125x80xi32, #tpu.memory_space<hbm>>
      tpu.wait_dma2 semaphore(%run_scoped3A : memref<!tpu.dma_semaphore, #tpu.memory_space<semaphore_mem>>) src(%dma_wait3A_34 : memref<125x80xi32, #tpu.memory_space<hbm>>) dst(%arg7 : memref<125x80xi32, #tpu.memory_space<vmem>>)
      tpu.yield
    }) : () -> ()
    %mul3A = arith.constant 10000 : i32
    %mul3A_0 = arith.muli %arg0, %mul3A : i32
    %scan3A = arith.constant 0 : i32
    %scan3A_1 = arith.constant 0 : i32
    %scan3A_2 = arith.constant 625 : i32
    %scan3A_3 = arith.addi %scan3A_1, %scan3A_2 : i32
    %scan3A_4 = arith.constant 1 : i32
    %scan3A_5 = scf.for %scan3A_21 = %scan3A_1 to %scan3A_3 step %scan3A_4 iter_args(%scan3A_22 = %scan3A) -> (i32)  : i32 {
      %jit3A = arith.constant 5 : i32
      %div3A = arith.divsi %scan3A_21, %jit3A : i32
      %sign3A = arith.constant 0 : i32
      %sign3A_23 = arith.cmpi sgt, %scan3A_21, %sign3A : i32
      %sign3A_24 = arith.extui %sign3A_23 : i1 to i32
      %sign3A_25 = arith.constant 0 : i32
      %sign3A_26 = arith.cmpi slt, %scan3A_21, %sign3A_25 : i32
      %sign3A_27 = arith.extui %sign3A_26 : i1 to i32
      %sign3A_28 = arith.subi %sign3A_24, %sign3A_27 : i32
      %sign3A_29 = arith.constant 0 : i32
      %sign3A_30 = arith.cmpi sgt, %jit3A, %sign3A_29 : i32
      %sign3A_31 = arith.extui %sign3A_30 : i1 to i32
      %sign3A_32 = arith.constant 0 : i32
      %sign3A_33 = arith.cmpi slt, %jit3A, %sign3A_32 : i32
      %sign3A_34 = arith.extui %sign3A_33 : i1 to i32
      %sign3A_35 = arith.subi %sign3A_31, %sign3A_34 : i32
      %ne3A = arith.cmpi ne, %sign3A_28, %sign3A_35 : i32
      %rem3A = arith.remsi %scan3A_21, %jit3A : i32
      %ne3A_36 = arith.constant 0 : i32
      %ne3A_37 = arith.cmpi ne, %rem3A, %ne3A_36 : i32
      %and3A = arith.andi %ne3A, %ne3A_37 : i1
      %sub3A = arith.constant 1 : i32
      %sub3A_38 = arith.subi %div3A, %sub3A : i32
      %select_n3A = arith.select %and3A, %sub3A_38, %div3A : i32
      %jit3A_39 = arith.constant 5 : i32
      %eq3A = arith.constant 0 : i32
      %eq3A_40 = arith.cmpi eq, %jit3A_39, %eq3A : i32
      %jit3A_41 = arith.constant 1 : i32
      %select_n3A_42 = arith.select %eq3A_40, %jit3A_41, %jit3A_39 : i32
      %rem3A_43 = arith.remsi %scan3A_21, %select_n3A_42 : i32
      %ne3A_44 = arith.constant 0 : i32
      %ne3A_45 = arith.cmpi ne, %rem3A_43, %ne3A_44 : i32
      %lt3A = arith.constant 0 : i32
      %lt3A_46 = arith.cmpi slt, %rem3A_43, %lt3A : i32
      %lt3A_47 = arith.constant 0 : i32
      %lt3A_48 = arith.cmpi slt, %select_n3A_42, %lt3A_47 : i32
      %ne3A_49 = arith.xori %lt3A_46, %lt3A_48 : i1
      %and3A_50 = arith.andi %ne3A_49, %ne3A_45 : i1
      %add3A = arith.addi %rem3A_43, %select_n3A_42 : i32
      %select_n3A_51 = arith.select %and3A_50, %add3A, %rem3A_43 : i32
      %mul3A_52 = arith.constant 16 : i32
      %mul3A_53 = arith.muli %select_n3A_51, %mul3A_52 : i32
      %get3A = arith.index_cast %select_n3A : i32 to index
      %get3A_54 = arith.index_cast %mul3A_53 : i32 to index
      %get3A_55 = tpu.vector_load %arg6[%get3A, %get3A_54] {strides = array<i32>} : memref<125x80xi32, #tpu.memory_space<vmem>>, vector<1x16xi32>,
      %get3A_56 = vector.shape_cast %get3A_55 : vector<1x16xi32> to vector<16xi32>
      %add3A_57 = vector.broadcast %mul3A_0 : i32 to vector<16xi32>
      %add3A_58 = arith.addi %get3A_56, %add3A_57 : vector<16xi32>
      %mul3A_59 = arith.constant 16 : i32
      %mul3A_60 = arith.muli %select_n3A_51, %mul3A_59 : i32
      %swap3A = arith.index_cast %select_n3A : i32 to index
      %swap3A_61 = arith.index_cast %mul3A_60 : i32 to index
      %swap3A_62 = tpu.vector_load %arg6[%swap3A, %swap3A_61] {strides = array<i32>} : memref<125x80xi32, #tpu.memory_space<vmem>>, vector<1x16xi32>,
      %swap3A_63 = vector.shape_cast %swap3A_62 : vector<1x16xi32> to vector<16xi32>
      %swap3A_64 = vector.shape_cast %add3A_58 : vector<16xi32> to vector<1x16xi32>
      tpu.vector_store %arg6[%swap3A, %swap3A_61], %swap3A_64 {strides = array<i32>} : memref<125x80xi32, #tpu.memory_space<vmem>>, vector<1x16xi32>,
      %scan3A_65 = arith.constant 0 : i32
      scf.yield %scan3A_65 : i32
    }
    %scan3A_6 = arith.constant 625 : i32
    %scan3A_7 = arith.constant 0 : i32
    %scan3A_8 = arith.constant 0 : i32
    %scan3A_9 = arith.constant 1280 : i32
    %scan3A_10 = arith.addi %scan3A_8, %scan3A_9 : i32
    %scan3A_11 = arith.constant 1 : i32
    %scan3A_12 = scf.for %scan3A_21 = %scan3A_8 to %scan3A_10 step %scan3A_11 iter_args(%scan3A_22 = %scan3A_7) -> (i32)  : i32 {
      %jit3A = arith.constant 8 : i32
      %div3A = arith.divsi %scan3A_21, %jit3A : i32
      %sign3A = arith.constant 0 : i32
      %sign3A_23 = arith.cmpi sgt, %scan3A_21, %sign3A : i32
      %sign3A_24 = arith.extui %sign3A_23 : i1 to i32
      %sign3A_25 = arith.constant 0 : i32
      %sign3A_26 = arith.cmpi slt, %scan3A_21, %sign3A_25 : i32
      %sign3A_27 = arith.extui %sign3A_26 : i1 to i32
      %sign3A_28 = arith.subi %sign3A_24, %sign3A_27 : i32
      %sign3A_29 = arith.constant 0 : i32
      %sign3A_30 = arith.cmpi sgt, %jit3A, %sign3A_29 : i32
      %sign3A_31 = arith.extui %sign3A_30 : i1 to i32
      %sign3A_32 = arith.constant 0 : i32
      %sign3A_33 = arith.cmpi slt, %jit3A, %sign3A_32 : i32
      %sign3A_34 = arith.extui %sign3A_33 : i1 to i32
      %sign3A_35 = arith.subi %sign3A_31, %sign3A_34 : i32
      %ne3A = arith.cmpi ne, %sign3A_28, %sign3A_35 : i32
      %rem3A = arith.remsi %scan3A_21, %jit3A : i32
      %ne3A_36 = arith.constant 0 : i32
      %ne3A_37 = arith.cmpi ne, %rem3A, %ne3A_36 : i32
      %and3A = arith.andi %ne3A, %ne3A_37 : i1
      %sub3A = arith.constant 1 : i32
      %sub3A_38 = arith.subi %div3A, %sub3A : i32
      %select_n3A = arith.select %and3A, %sub3A_38, %div3A : i32
      %jit3A_39 = arith.constant 8 : i32
      %eq3A = arith.constant 0 : i32
      %eq3A_40 = arith.cmpi eq, %jit3A_39, %eq3A : i32
      %jit3A_41 = arith.constant 1 : i32
      %select_n3A_42 = arith.select %eq3A_40, %jit3A_41, %jit3A_39 : i32
      %rem3A_43 = arith.remsi %scan3A_21, %select_n3A_42 : i32
      %ne3A_44 = arith.constant 0 : i32
      %ne3A_45 = arith.cmpi ne, %rem3A_43, %ne3A_44 : i32
      %lt3A = arith.constant 0 : i32
      %lt3A_46 = arith.cmpi slt, %rem3A_43, %lt3A : i32
      %lt3A_47 = arith.constant 0 : i32
      %lt3A_48 = arith.cmpi slt, %select_n3A_42, %lt3A_47 : i32
      %ne3A_49 = arith.xori %lt3A_46, %lt3A_48 : i1
      %and3A_50 = arith.andi %ne3A_49, %ne3A_45 : i1
      %add3A = arith.addi %rem3A_43, %select_n3A_42 : i32
      %select_n3A_51 = arith.select %and3A_50, %add3A, %rem3A_43 : i32
      %broadcast_in_dim3A = arith.constant 0.000000e+00 : f32
      %broadcast_in_dim3A_52 = vector.broadcast %broadcast_in_dim3A : f32 to vector<16xf32>
      %mul3A_53 = arith.constant 16 : i32
      %mul3A_54 = arith.muli %select_n3A_51, %mul3A_53 : i32
      %swap3A = arith.index_cast %select_n3A : i32 to index
      %swap3A_55 = arith.index_cast %mul3A_54 : i32 to index
      %swap3A_56 = tpu.vector_load %arg12[%swap3A, %swap3A_55] {strides = array<i32>} : memref<160x128xf32, #tpu.memory_space<vmem>>, vector<1x16xf32>,
      %swap3A_57 = vector.shape_cast %swap3A_56 : vector<1x16xf32> to vector<16xf32>
      %swap3A_58 = vector.shape_cast %broadcast_in_dim3A_52 : vector<16xf32> to vector<1x16xf32>
      tpu.vector_store %arg12[%swap3A, %swap3A_55], %swap3A_58 {strides = array<i32>} : memref<160x128xf32, #tpu.memory_space<vmem>>, vector<1x16xf32>,
      %scan3A_59 = arith.constant 0 : i32
      scf.yield %scan3A_59 : i32
    }
    %scan3A_13 = arith.constant 1280 : i32
    %iota3A = tpu.iota {dimensions = array<i32: 0>} : vector<16xi32>
    %scan3A_14 = arith.constant 0 : i32
    %scan3A_15 = arith.constant 0 : i32
    %scan3A_16 = arith.constant 4 : i32
    %scan3A_17 = arith.addi %scan3A_15, %scan3A_16 : i32
    %scan3A_18 = arith.constant 1 : i32
    %scan3A_19 = scf.for %scan3A_21 = %scan3A_15 to %scan3A_17 step %scan3A_18 iter_args(%scan3A_22 = %scan3A_14) -> (i32)  : i32 {
      %mul3A_23 = arith.constant 2560 : i32
      %mul3A_24 = arith.muli %scan3A_21, %mul3A_23 : i32
      %scan3A_25 = arith.constant 0 : i32
      %scan3A_26 = arith.constant 0 : i32
      %mul3A_27 = arith.constant 160 : i32
      %mul3A_28 = arith.muli %arg1, %mul3A_27 : i32
      %mul3A_29 = arith.constant 160 : i32
      %mul3A_30 = arith.muli %scan3A_26, %mul3A_29 : i32
      %add3A = arith.addi %mul3A_28, %mul3A_30 : i32
      "tpu.region"() ({
        %run_scoped3A_176 = tpu.sem_alloc : memref<!tpu.dma_semaphore, #tpu.memory_space<semaphore_mem>>
        %dma_start3A_177 = arith.constant 0 : i32
        %dma_start3A_178 = tpu.memref_slice %arg14[%add3A, %dma_start3A_177] : memref<2640x128xf32, #tpu.memory_space<vmem_shared>> -> memref<160x128xf32, #tpu.memory_space<vmem_shared>>
        %dma_start3A_179 = arith.constant 0 : i32
        %dma_start3A_180 = tpu.memref_slice %arg14[%add3A, %dma_start3A_179] : memref<2640x128xf32, #tpu.memory_space<vmem_shared>> -> memref<160x128xf32, #tpu.memory_space<vmem_shared>>
        tpu.enqueue_dma source(%arg12 : memref<160x128xf32, #tpu.memory_space<vmem>>) target(%dma_start3A_180 : memref<160x128xf32, #tpu.memory_space<vmem_shared>>) target_semaphore(%run_scoped3A_176 : memref<!tpu.dma_semaphore, #tpu.memory_space<semaphore_mem>>)
        %dma_wait3A_181 = arith.constant 0 : i32
        %dma_wait3A_182 = tpu.memref_slice %arg14[%add3A, %dma_wait3A_181] : memref<2640x128xf32, #tpu.memory_space<vmem_shared>> -> memref<160x128xf32, #tpu.memory_space<vmem_shared>>
        %dma_wait3A_183 = arith.constant 0 : i32
        %dma_wait3A_184 = tpu.memref_slice %arg14[%add3A, %dma_wait3A_183] : memref<2640x128xf32, #tpu.memory_space<vmem_shared>> -> memref<160x128xf32, #tpu.memory_space<vmem_shared>>
        tpu.wait_dma2 semaphore(%run_scoped3A_176 : memref<!tpu.dma_semaphore, #tpu.memory_space<semaphore_mem>>) src(%arg12 : memref<160x128xf32, #tpu.memory_space<vmem>>) dst(%dma_wait3A_184 : memref<160x128xf32, #tpu.memory_space<vmem_shared>>)
        tpu.yield
      }) : () -> ()
      %scan3A_31 = arith.constant 0 : i32
      %scan3A_32 = arith.constant 1 : i32
      %barrier3A = arith.constant 0 : index
      tpu.barrier barrier_id(%barrier3A)
      %dma_start3A = arith.constant 0 : i32
      %dma_start3A_33 = arith.constant 0 : i32
      %dma_start3A_34 = tpu.memref_slice %arg6[%dma_start3A, %dma_start3A_33] : memref<125x80xi32, #tpu.memory_space<vmem>> -> memref<1x80xi32, #tpu.memory_space<vmem>>
      %dma_start3A_35 = tpu.memref_squeeze %dma_start3A_34 : memref<1x80xi32, #tpu.memory_space<vmem>> -> memref<80xi32, #tpu.memory_space<vmem>>
      %dma_start3A_36 = arith.constant 0 : i32
      %dma_start3A_37 = arith.constant 0 : i32
      %dma_start3A_38 = tpu.memref_slice %arg2[%dma_start3A_36, %dma_start3A_37] : memref<20000x128xf32, #tpu.memory_space<hbm>> -> memref<20000x128xf32, #tpu.memory_space<hbm>>
      tpu.enqueue_indirect_dma source(%dma_start3A_38 : memref<20000x128xf32, #tpu.memory_space<hbm>>) target(%arg10 : memref<80x128xf32, #tpu.memory_space<vmem>>) offsets(%dma_start3A_35 : memref<80xi32, #tpu.memory_space<vmem>>) semaphore(%arg15 : memref<!tpu.dma_semaphore, #tpu.memory_space<semaphore_mem>>)
      %scan3A_39 = arith.constant 0 : i32
      %scan3A_40 = arith.constant 0 : i32
      %scan3A_41 = arith.constant 62 : i32
      %scan3A_42 = arith.addi %scan3A_40, %scan3A_41 : i32
      %scan3A_43 = arith.constant 1 : i32
      %scan3A_44 = scf.for %scan3A_176 = %scan3A_40 to %scan3A_42 step %scan3A_43 iter_args(%scan3A_177 = %scan3A_39) -> (i32)  : i32 {
        %mul3A_178 = arith.constant 2 : i32
        %mul3A_179 = arith.muli %mul3A_178, %scan3A_176 : i32
        %add3A_180 = arith.constant 1 : i32
        %add3A_181 = arith.addi %mul3A_179, %add3A_180 : i32
        %dma_start3A_182 = arith.constant 0 : i32
        %dma_start3A_183 = tpu.memref_slice %arg6[%add3A_181, %dma_start3A_182] : memref<125x80xi32, #tpu.memory_space<vmem>> -> memref<1x80xi32, #tpu.memory_space<vmem>>
        %dma_start3A_184 = tpu.memref_squeeze %dma_start3A_183 : memref<1x80xi32, #tpu.memory_space<vmem>> -> memref<80xi32, #tpu.memory_space<vmem>>
        %dma_start3A_185 = arith.constant 0 : i32
        %dma_start3A_186 = arith.constant 0 : i32
        %dma_start3A_187 = tpu.memref_slice %arg2[%dma_start3A_185, %dma_start3A_186] : memref<20000x128xf32, #tpu.memory_space<hbm>> -> memref<20000x128xf32, #tpu.memory_space<hbm>>
        tpu.enqueue_indirect_dma source(%dma_start3A_187 : memref<20000x128xf32, #tpu.memory_space<hbm>>) target(%arg11 : memref<80x128xf32, #tpu.memory_space<vmem>>) offsets(%dma_start3A_184 : memref<80xi32, #tpu.memory_space<vmem>>) semaphore(%arg16 : memref<!tpu.dma_semaphore, #tpu.memory_space<semaphore_mem>>)
        %get3A_188 = arith.index_cast %mul3A_179 : i32 to index
        %get3A_189 = arith.constant 0 : index
        %get3A_190 = tpu.vector_load %arg7[%get3A_188, %get3A_189] {strides = array<i32>} : memref<125x80xi32, #tpu.memory_space<vmem>>, vector<1x16xi32>,
        %get3A_191 = vector.shape_cast %get3A_190 : vector<1x16xi32> to vector<16xi32>
        %sub3A_192 = vector.broadcast %mul3A_24 : i32 to vector<16xi32>
        %sub3A_193 = arith.subi %get3A_191, %sub3A_192 : vector<16xi32>
        %ge3A_194 = arith.constant 0 : i32
        %ge3A_195 = vector.broadcast %ge3A_194 : i32 to vector<16xi32>
        %ge3A_196 = arith.cmpi sge, %sub3A_193, %ge3A_195 : vector<16xi32>
        %lt3A_197 = arith.constant 2560 : i32
        %lt3A_198 = vector.broadcast %lt3A_197 : i32 to vector<16xi32>
        %lt3A_199 = arith.cmpi slt, %sub3A_193, %lt3A_198 : vector<16xi32>
        %and3A_200 = arith.andi %ge3A_196, %lt3A_199 : vector<16xi1>
        %add3A_201 = arith.constant 2560 : i32
        %add3A_202 = vector.broadcast %add3A_201 : i32 to vector<16xi32>
        %add3A_203 = arith.addi %iota3A, %add3A_202 : vector<16xi32>
        %select_n3A_204 = arith.select %and3A_200, %sub3A_193, %add3A_203 : vector<16xi1>, vector<16xi32>
        %swap3A_205 = arith.constant 0 : i32
        %swap3A_206 = arith.index_cast %swap3A_205 : i32 to index
        %swap3A_207 = arith.constant 0 : index
        %swap3A_208 = tpu.vector_load %arg8[%swap3A_206, %swap3A_207] {strides = array<i32>} : memref<1x80xi32, #tpu.memory_space<vmem>>, vector<1x16xi32>,
        %swap3A_209 = vector.shape_cast %swap3A_208 : vector<1x16xi32> to vector<16xi32>
        %swap3A_210 = vector.shape_cast %select_n3A_204 : vector<16xi32> to vector<1x16xi32>
        tpu.vector_store %arg8[%swap3A_206, %swap3A_207], %swap3A_210 {strides = array<i32>} : memref<1x80xi32, #tpu.memory_space<vmem>>, vector<1x16xi32>,
        %get3A_211 = arith.index_cast %mul3A_179 : i32 to index
        %get3A_212 = arith.constant 16 : index
        %get3A_213 = tpu.vector_load %arg7[%get3A_211, %get3A_212] {strides = array<i32>} : memref<125x80xi32, #tpu.memory_space<vmem>>, vector<1x16xi32>,
        %get3A_214 = vector.shape_cast %get3A_213 : vector<1x16xi32> to vector<16xi32>
        %sub3A_215 = vector.broadcast %mul3A_24 : i32 to vector<16xi32>
        %sub3A_216 = arith.subi %get3A_214, %sub3A_215 : vector<16xi32>
        %ge3A_217 = arith.constant 0 : i32
        %ge3A_218 = vector.broadcast %ge3A_217 : i32 to vector<16xi32>
        %ge3A_219 = arith.cmpi sge, %sub3A_216, %ge3A_218 : vector<16xi32>
        %lt3A_220 = arith.constant 2560 : i32
        %lt3A_221 = vector.broadcast %lt3A_220 : i32 to vector<16xi32>
        %lt3A_222 = arith.cmpi slt, %sub3A_216, %lt3A_221 : vector<16xi32>
        %and3A_223 = arith.andi %ge3A_219, %lt3A_222 : vector<16xi1>
        %add3A_224 = arith.constant 2576 : i32
        %add3A_225 = vector.broadcast %add3A_224 : i32 to vector<16xi32>
        %add3A_226 = arith.addi %iota3A, %add3A_225 : vector<16xi32>
        %select_n3A_227 = arith.select %and3A_223, %sub3A_216, %add3A_226 : vector<16xi1>, vector<16xi32>
        %swap3A_228 = arith.constant 0 : i32
        %swap3A_229 = arith.index_cast %swap3A_228 : i32 to index
        %swap3A_230 = arith.constant 16 : index
        %swap3A_231 = tpu.vector_load %arg8[%swap3A_229, %swap3A_230] {strides = array<i32>} : memref<1x80xi32, #tpu.memory_space<vmem>>, vector<1x16xi32>,
        %swap3A_232 = vector.shape_cast %swap3A_231 : vector<1x16xi32> to vector<16xi32>
        %swap3A_233 = vector.shape_cast %select_n3A_227 : vector<16xi32> to vector<1x16xi32>
        tpu.vector_store %arg8[%swap3A_229, %swap3A_230], %swap3A_233 {strides = array<i32>} : memref<1x80xi32, #tpu.memory_space<vmem>>, vector<1x16xi32>,
        %get3A_234 = arith.index_cast %mul3A_179 : i32 to index
        %get3A_235 = arith.constant 32 : index
        %get3A_236 = tpu.vector_load %arg7[%get3A_234, %get3A_235] {strides = array<i32>} : memref<125x80xi32, #tpu.memory_space<vmem>>, vector<1x16xi32>,
        %get3A_237 = vector.shape_cast %get3A_236 : vector<1x16xi32> to vector<16xi32>
        %sub3A_238 = vector.broadcast %mul3A_24 : i32 to vector<16xi32>
        %sub3A_239 = arith.subi %get3A_237, %sub3A_238 : vector<16xi32>
        %ge3A_240 = arith.constant 0 : i32
        %ge3A_241 = vector.broadcast %ge3A_240 : i32 to vector<16xi32>
        %ge3A_242 = arith.cmpi sge, %sub3A_239, %ge3A_241 : vector<16xi32>
        %lt3A_243 = arith.constant 2560 : i32
        %lt3A_244 = vector.broadcast %lt3A_243 : i32 to vector<16xi32>
        %lt3A_245 = arith.cmpi slt, %sub3A_239, %lt3A_244 : vector<16xi32>
        %and3A_246 = arith.andi %ge3A_242, %lt3A_245 : vector<16xi1>
        %add3A_247 = arith.constant 2592 : i32
        %add3A_248 = vector.broadcast %add3A_247 : i32 to vector<16xi32>
        %add3A_249 = arith.addi %iota3A, %add3A_248 : vector<16xi32>
        %select_n3A_250 = arith.select %and3A_246, %sub3A_239, %add3A_249 : vector<16xi1>, vector<16xi32>
        %swap3A_251 = arith.constant 0 : i32
        %swap3A_252 = arith.index_cast %swap3A_251 : i32 to index
        %swap3A_253 = arith.constant 32 : index
        %swap3A_254 = tpu.vector_load %arg8[%swap3A_252, %swap3A_253] {strides = array<i32>} : memref<1x80xi32, #tpu.memory_space<vmem>>, vector<1x16xi32>,
        %swap3A_255 = vector.shape_cast %swap3A_254 : vector<1x16xi32> to vector<16xi32>
        %swap3A_256 = vector.shape_cast %select_n3A_250 : vector<16xi32> to vector<1x16xi32>
        tpu.vector_store %arg8[%swap3A_252, %swap3A_253], %swap3A_256 {strides = array<i32>} : memref<1x80xi32, #tpu.memory_space<vmem>>, vector<1x16xi32>,
        %get3A_257 = arith.index_cast %mul3A_179 : i32 to index
        %get3A_258 = arith.constant 48 : index
        %get3A_259 = tpu.vector_load %arg7[%get3A_257, %get3A_258] {strides = array<i32>} : memref<125x80xi32, #tpu.memory_space<vmem>>, vector<1x16xi32>,
        %get3A_260 = vector.shape_cast %get3A_259 : vector<1x16xi32> to vector<16xi32>
        %sub3A_261 = vector.broadcast %mul3A_24 : i32 to vector<16xi32>
        %sub3A_262 = arith.subi %get3A_260, %sub3A_261 : vector<16xi32>
        %ge3A_263 = arith.constant 0 : i32
        %ge3A_264 = vector.broadcast %ge3A_263 : i32 to vector<16xi32>
        %ge3A_265 = arith.cmpi sge, %sub3A_262, %ge3A_264 : vector<16xi32>
        %lt3A_266 = arith.constant 2560 : i32
        %lt3A_267 = vector.broadcast %lt3A_266 : i32 to vector<16xi32>
        %lt3A_268 = arith.cmpi slt, %sub3A_262, %lt3A_267 : vector<16xi32>
        %and3A_269 = arith.andi %ge3A_265, %lt3A_268 : vector<16xi1>
        %add3A_270 = arith.constant 2608 : i32
        %add3A_271 = vector.broadcast %add3A_270 : i32 to vector<16xi32>
        %add3A_272 = arith.addi %iota3A, %add3A_271 : vector<16xi32>
        %select_n3A_273 = arith.select %and3A_269, %sub3A_262, %add3A_272 : vector<16xi1>, vector<16xi32>
        %swap3A_274 = arith.constant 0 : i32
        %swap3A_275 = arith.index_cast %swap3A_274 : i32 to index
        %swap3A_276 = arith.constant 48 : index
        %swap3A_277 = tpu.vector_load %arg8[%swap3A_275, %swap3A_276] {strides = array<i32>} : memref<1x80xi32, #tpu.memory_space<vmem>>, vector<1x16xi32>,
        %swap3A_278 = vector.shape_cast %swap3A_277 : vector<1x16xi32> to vector<16xi32>
        %swap3A_279 = vector.shape_cast %select_n3A_273 : vector<16xi32> to vector<1x16xi32>
        tpu.vector_store %arg8[%swap3A_275, %swap3A_276], %swap3A_279 {strides = array<i32>} : memref<1x80xi32, #tpu.memory_space<vmem>>, vector<1x16xi32>,
        %get3A_280 = arith.index_cast %mul3A_179 : i32 to index
        %get3A_281 = arith.constant 64 : index
        %get3A_282 = tpu.vector_load %arg7[%get3A_280, %get3A_281] {strides = array<i32>} : memref<125x80xi32, #tpu.memory_space<vmem>>, vector<1x16xi32>,
        %get3A_283 = vector.shape_cast %get3A_282 : vector<1x16xi32> to vector<16xi32>
        %sub3A_284 = vector.broadcast %mul3A_24 : i32 to vector<16xi32>
        %sub3A_285 = arith.subi %get3A_283, %sub3A_284 : vector<16xi32>
        %ge3A_286 = arith.constant 0 : i32
        %ge3A_287 = vector.broadcast %ge3A_286 : i32 to vector<16xi32>
        %ge3A_288 = arith.cmpi sge, %sub3A_285, %ge3A_287 : vector<16xi32>
        %lt3A_289 = arith.constant 2560 : i32
        %lt3A_290 = vector.broadcast %lt3A_289 : i32 to vector<16xi32>
        %lt3A_291 = arith.cmpi slt, %sub3A_285, %lt3A_290 : vector<16xi32>
        %and3A_292 = arith.andi %ge3A_288, %lt3A_291 : vector<16xi1>
        %add3A_293 = arith.constant 2624 : i32
        %add3A_294 = vector.broadcast %add3A_293 : i32 to vector<16xi32>
        %add3A_295 = arith.addi %iota3A, %add3A_294 : vector<16xi32>
        %select_n3A_296 = arith.select %and3A_292, %sub3A_285, %add3A_295 : vector<16xi1>, vector<16xi32>
        %swap3A_297 = arith.constant 0 : i32
        %swap3A_298 = arith.index_cast %swap3A_297 : i32 to index
        %swap3A_299 = arith.constant 64 : index
        %swap3A_300 = tpu.vector_load %arg8[%swap3A_298, %swap3A_299] {strides = array<i32>} : memref<1x80xi32, #tpu.memory_space<vmem>>, vector<1x16xi32>,
        %swap3A_301 = vector.shape_cast %swap3A_300 : vector<1x16xi32> to vector<16xi32>
        %swap3A_302 = vector.shape_cast %select_n3A_296 : vector<16xi32> to vector<1x16xi32>
        tpu.vector_store %arg8[%swap3A_298, %swap3A_299], %swap3A_302 {strides = array<i32>} : memref<1x80xi32, #tpu.memory_space<vmem>>, vector<1x16xi32>,
        %dma_wait3A_303 = arith.constant 0 : i32
        %dma_wait3A_304 = tpu.memref_slice %arg6[%mul3A_179, %dma_wait3A_303] : memref<125x80xi32, #tpu.memory_space<vmem>> -> memref<1x80xi32, #tpu.memory_space<vmem>>
        %dma_wait3A_305 = tpu.memref_squeeze %dma_wait3A_304 : memref<1x80xi32, #tpu.memory_space<vmem>> -> memref<80xi32, #tpu.memory_space<vmem>>
        %dma_wait3A_306 = arith.constant 0 : i32
        %dma_wait3A_307 = arith.constant 0 : i32
        %dma_wait3A_308 = tpu.memref_slice %arg2[%dma_wait3A_306, %dma_wait3A_307] : memref<20000x128xf32, #tpu.memory_space<hbm>> -> memref<20000x128xf32, #tpu.memory_space<hbm>>
        tpu.wait_indirect_dma semaphore(%arg15 : memref<!tpu.dma_semaphore, #tpu.memory_space<semaphore_mem>>) src(%dma_wait3A_308 : memref<20000x128xf32, #tpu.memory_space<hbm>>) dst(%arg10 : memref<80x128xf32, #tpu.memory_space<vmem>>)
        %run_scoped3A_309 = arith.constant 0 : i32
        "tpu.region"() ({
          %run_scoped3A_445 = tpu.sem_alloc : memref<!tpu.dma_semaphore, #tpu.memory_space<semaphore_mem>>
          %dma_start3A_446 = arith.constant 0 : i32
          %dma_start3A_447 = tpu.memref_slice %arg8[%run_scoped3A_309, %dma_start3A_446] : memref<1x80xi32, #tpu.memory_space<vmem>> -> memref<1x80xi32, #tpu.memory_space<vmem>>
          %dma_start3A_448 = tpu.memref_squeeze %dma_start3A_447 : memref<1x80xi32, #tpu.memory_space<vmem>> -> memref<80xi32, #tpu.memory_space<vmem>>
          %dma_start3A_449 = arith.constant 0 : i32
          %dma_start3A_450 = arith.constant 0 : i32
          %dma_start3A_451 = tpu.memref_slice %arg14[%dma_start3A_449, %dma_start3A_450] : memref<2640x128xf32, #tpu.memory_space<vmem_shared>> -> memref<2640x128xf32, #tpu.memory_space<vmem_shared>>
          tpu.enqueue_indirect_dma source(%arg10 : memref<80x128xf32, #tpu.memory_space<vmem>>) target(%dma_start3A_451 : memref<2640x128xf32, #tpu.memory_space<vmem_shared>>) offsets(%dma_start3A_448 : memref<80xi32, #tpu.memory_space<vmem>>) semaphore(%run_scoped3A_445 : memref<!tpu.dma_semaphore, #tpu.memory_space<semaphore_mem>>) {add = true}
          %dma_wait3A_452 = arith.constant 0 : i32
          %dma_wait3A_453 = tpu.memref_slice %arg8[%run_scoped3A_309, %dma_wait3A_452] : memref<1x80xi32, #tpu.memory_space<vmem>> -> memref<1x80xi32, #tpu.memory_space<vmem>>
          %dma_wait3A_454 = tpu.memref_squeeze %dma_wait3A_453 : memref<1x80xi32, #tpu.memory_space<vmem>> -> memref<80xi32, #tpu.memory_space<vmem>>
          %dma_wait3A_455 = arith.constant 0 : i32
          %dma_wait3A_456 = arith.constant 0 : i32
          %dma_wait3A_457 = tpu.memref_slice %arg14[%dma_wait3A_455, %dma_wait3A_456] : memref<2640x128xf32, #tpu.memory_space<vmem_shared>> -> memref<2640x128xf32, #tpu.memory_space<vmem_shared>>
          tpu.wait_indirect_dma semaphore(%run_scoped3A_445 : memref<!tpu.dma_semaphore, #tpu.memory_space<semaphore_mem>>) src(%arg10 : memref<80x128xf32, #tpu.memory_space<vmem>>) dst(%dma_wait3A_457 : memref<2640x128xf32, #tpu.memory_space<vmem_shared>>)
          tpu.yield
        }) : () -> ()
        %add3A_310 = arith.constant 2 : i32
        %add3A_311 = arith.addi %mul3A_179, %add3A_310 : i32
        %dma_start3A_312 = arith.constant 0 : i32
        %dma_start3A_313 = tpu.memref_slice %arg6[%add3A_311, %dma_start3A_312] : memref<125x80xi32, #tpu.memory_space<vmem>> -> memref<1x80xi32, #tpu.memory_space<vmem>>
        %dma_start3A_314 = tpu.memref_squeeze %dma_start3A_313 : memref<1x80xi32, #tpu.memory_space<vmem>> -> memref<80xi32, #tpu.memory_space<vmem>>
        %dma_start3A_315 = arith.constant 0 : i32
        %dma_start3A_316 = arith.constant 0 : i32
        %dma_start3A_317 = tpu.memref_slice %arg2[%dma_start3A_315, %dma_start3A_316] : memref<20000x128xf32, #tpu.memory_space<hbm>> -> memref<20000x128xf32, #tpu.memory_space<hbm>>
        tpu.enqueue_indirect_dma source(%dma_start3A_317 : memref<20000x128xf32, #tpu.memory_space<hbm>>) target(%arg10 : memref<80x128xf32, #tpu.memory_space<vmem>>) offsets(%dma_start3A_314 : memref<80xi32, #tpu.memory_space<vmem>>) semaphore(%arg15 : memref<!tpu.dma_semaphore, #tpu.memory_space<semaphore_mem>>)
        %add3A_318 = arith.constant 1 : i32
        %add3A_319 = arith.addi %mul3A_179, %add3A_318 : i32
        %get3A_320 = arith.index_cast %add3A_319 : i32 to index
        %get3A_321 = arith.constant 0 : index
        %get3A_322 = tpu.vector_load %arg7[%get3A_320, %get3A_321] {strides = array<i32>} : memref<125x80xi32, #tpu.memory_space<vmem>>, vector<1x16xi32>,
        %get3A_323 = vector.shape_cast %get3A_322 : vector<1x16xi32> to vector<16xi32>
        %sub3A_324 = vector.broadcast %mul3A_24 : i32 to vector<16xi32>
        %sub3A_325 = arith.subi %get3A_323, %sub3A_324 : vector<16xi32>
        %ge3A_326 = arith.constant 0 : i32
        %ge3A_327 = vector.broadcast %ge3A_326 : i32 to vector<16xi32>
        %ge3A_328 = arith.cmpi sge, %sub3A_325, %ge3A_327 : vector<16xi32>
        %lt3A_329 = arith.constant 2560 : i32
        %lt3A_330 = vector.broadcast %lt3A_329 : i32 to vector<16xi32>
        %lt3A_331 = arith.cmpi slt, %sub3A_325, %lt3A_330 : vector<16xi32>
        %and3A_332 = arith.andi %ge3A_328, %lt3A_331 : vector<16xi1>
        %add3A_333 = arith.constant 2560 : i32
        %add3A_334 = vector.broadcast %add3A_333 : i32 to vector<16xi32>
        %add3A_335 = arith.addi %iota3A, %add3A_334 : vector<16xi32>
        %select_n3A_336 = arith.select %and3A_332, %sub3A_325, %add3A_335 : vector<16xi1>, vector<16xi32>
        %swap3A_337 = arith.constant 0 : i32
        %swap3A_338 = arith.index_cast %swap3A_337 : i32 to index
        %swap3A_339 = arith.constant 0 : index
        %swap3A_340 = tpu.vector_load %arg9[%swap3A_338, %swap3A_339] {strides = array<i32>} : memref<1x80xi32, #tpu.memory_space<vmem>>, vector<1x16xi32>,
        %swap3A_341 = vector.shape_cast %swap3A_340 : vector<1x16xi32> to vector<16xi32>
        %swap3A_342 = vector.shape_cast %select_n3A_336 : vector<16xi32> to vector<1x16xi32>
        tpu.vector_store %arg9[%swap3A_338, %swap3A_339], %swap3A_342 {strides = array<i32>} : memref<1x80xi32, #tpu.memory_space<vmem>>, vector<1x16xi32>,
        %get3A_343 = arith.index_cast %add3A_319 : i32 to index
        %get3A_344 = arith.constant 16 : index
        %get3A_345 = tpu.vector_load %arg7[%get3A_343, %get3A_344] {strides = array<i32>} : memref<125x80xi32, #tpu.memory_space<vmem>>, vector<1x16xi32>,
        %get3A_346 = vector.shape_cast %get3A_345 : vector<1x16xi32> to vector<16xi32>
        %sub3A_347 = vector.broadcast %mul3A_24 : i32 to vector<16xi32>
        %sub3A_348 = arith.subi %get3A_346, %sub3A_347 : vector<16xi32>
        %ge3A_349 = arith.constant 0 : i32
        %ge3A_350 = vector.broadcast %ge3A_349 : i32 to vector<16xi32>
        %ge3A_351 = arith.cmpi sge, %sub3A_348, %ge3A_350 : vector<16xi32>
        %lt3A_352 = arith.constant 2560 : i32
        %lt3A_353 = vector.broadcast %lt3A_352 : i32 to vector<16xi32>
        %lt3A_354 = arith.cmpi slt, %sub3A_348, %lt3A_353 : vector<16xi32>
        %and3A_355 = arith.andi %ge3A_351, %lt3A_354 : vector<16xi1>
        %add3A_356 = arith.constant 2576 : i32
        %add3A_357 = vector.broadcast %add3A_356 : i32 to vector<16xi32>
        %add3A_358 = arith.addi %iota3A, %add3A_357 : vector<16xi32>
        %select_n3A_359 = arith.select %and3A_355, %sub3A_348, %add3A_358 : vector<16xi1>, vector<16xi32>
        %swap3A_360 = arith.constant 0 : i32
        %swap3A_361 = arith.index_cast %swap3A_360 : i32 to index
        %swap3A_362 = arith.constant 16 : index
        %swap3A_363 = tpu.vector_load %arg9[%swap3A_361, %swap3A_362] {strides = array<i32>} : memref<1x80xi32, #tpu.memory_space<vmem>>, vector<1x16xi32>,
        %swap3A_364 = vector.shape_cast %swap3A_363 : vector<1x16xi32> to vector<16xi32>
        %swap3A_365 = vector.shape_cast %select_n3A_359 : vector<16xi32> to vector<1x16xi32>
        tpu.vector_store %arg9[%swap3A_361, %swap3A_362], %swap3A_365 {strides = array<i32>} : memref<1x80xi32, #tpu.memory_space<vmem>>, vector<1x16xi32>,
        %get3A_366 = arith.index_cast %add3A_319 : i32 to index
        %get3A_367 = arith.constant 32 : index
        %get3A_368 = tpu.vector_load %arg7[%get3A_366, %get3A_367] {strides = array<i32>} : memref<125x80xi32, #tpu.memory_space<vmem>>, vector<1x16xi32>,
        %get3A_369 = vector.shape_cast %get3A_368 : vector<1x16xi32> to vector<16xi32>
        %sub3A_370 = vector.broadcast %mul3A_24 : i32 to vector<16xi32>
        %sub3A_371 = arith.subi %get3A_369, %sub3A_370 : vector<16xi32>
        %ge3A_372 = arith.constant 0 : i32
        %ge3A_373 = vector.broadcast %ge3A_372 : i32 to vector<16xi32>
        %ge3A_374 = arith.cmpi sge, %sub3A_371, %ge3A_373 : vector<16xi32>
        %lt3A_375 = arith.constant 2560 : i32
        %lt3A_376 = vector.broadcast %lt3A_375 : i32 to vector<16xi32>
        %lt3A_377 = arith.cmpi slt, %sub3A_371, %lt3A_376 : vector<16xi32>
        %and3A_378 = arith.andi %ge3A_374, %lt3A_377 : vector<16xi1>
        %add3A_379 = arith.constant 2592 : i32
        %add3A_380 = vector.broadcast %add3A_379 : i32 to vector<16xi32>
        %add3A_381 = arith.addi %iota3A, %add3A_380 : vector<16xi32>
        %select_n3A_382 = arith.select %and3A_378, %sub3A_371, %add3A_381 : vector<16xi1>, vector<16xi32>
        %swap3A_383 = arith.constant 0 : i32
        %swap3A_384 = arith.index_cast %swap3A_383 : i32 to index
        %swap3A_385 = arith.constant 32 : index
        %swap3A_386 = tpu.vector_load %arg9[%swap3A_384, %swap3A_385] {strides = array<i32>} : memref<1x80xi32, #tpu.memory_space<vmem>>, vector<1x16xi32>,
        %swap3A_387 = vector.shape_cast %swap3A_386 : vector<1x16xi32> to vector<16xi32>
        %swap3A_388 = vector.shape_cast %select_n3A_382 : vector<16xi32> to vector<1x16xi32>
        tpu.vector_store %arg9[%swap3A_384, %swap3A_385], %swap3A_388 {strides = array<i32>} : memref<1x80xi32, #tpu.memory_space<vmem>>, vector<1x16xi32>,
        %get3A_389 = arith.index_cast %add3A_319 : i32 to index
        %get3A_390 = arith.constant 48 : index
        %get3A_391 = tpu.vector_load %arg7[%get3A_389, %get3A_390] {strides = array<i32>} : memref<125x80xi32, #tpu.memory_space<vmem>>, vector<1x16xi32>,
        %get3A_392 = vector.shape_cast %get3A_391 : vector<1x16xi32> to vector<16xi32>
        %sub3A_393 = vector.broadcast %mul3A_24 : i32 to vector<16xi32>
        %sub3A_394 = arith.subi %get3A_392, %sub3A_393 : vector<16xi32>
        %ge3A_395 = arith.constant 0 : i32
        %ge3A_396 = vector.broadcast %ge3A_395 : i32 to vector<16xi32>
        %ge3A_397 = arith.cmpi sge, %sub3A_394, %ge3A_396 : vector<16xi32>
        %lt3A_398 = arith.constant 2560 : i32
        %lt3A_399 = vector.broadcast %lt3A_398 : i32 to vector<16xi32>
        %lt3A_400 = arith.cmpi slt, %sub3A_394, %lt3A_399 : vector<16xi32>
        %and3A_401 = arith.andi %ge3A_397, %lt3A_400 : vector<16xi1>
        %add3A_402 = arith.constant 2608 : i32
        %add3A_403 = vector.broadcast %add3A_402 : i32 to vector<16xi32>
        %add3A_404 = arith.addi %iota3A, %add3A_403 : vector<16xi32>
        %select_n3A_405 = arith.select %and3A_401, %sub3A_394, %add3A_404 : vector<16xi1>, vector<16xi32>
        %swap3A_406 = arith.constant 0 : i32
        %swap3A_407 = arith.index_cast %swap3A_406 : i32 to index
        %swap3A_408 = arith.constant 48 : index
        %swap3A_409 = tpu.vector_load %arg9[%swap3A_407, %swap3A_408] {strides = array<i32>} : memref<1x80xi32, #tpu.memory_space<vmem>>, vector<1x16xi32>,
        %swap3A_410 = vector.shape_cast %swap3A_409 : vector<1x16xi32> to vector<16xi32>
        %swap3A_411 = vector.shape_cast %select_n3A_405 : vector<16xi32> to vector<1x16xi32>
        tpu.vector_store %arg9[%swap3A_407, %swap3A_408], %swap3A_411 {strides = array<i32>} : memref<1x80xi32, #tpu.memory_space<vmem>>, vector<1x16xi32>,
        %get3A_412 = arith.index_cast %add3A_319 : i32 to index
        %get3A_413 = arith.constant 64 : index
        %get3A_414 = tpu.vector_load %arg7[%get3A_412, %get3A_413] {strides = array<i32>} : memref<125x80xi32, #tpu.memory_space<vmem>>, vector<1x16xi32>,
        %get3A_415 = vector.shape_cast %get3A_414 : vector<1x16xi32> to vector<16xi32>
        %sub3A_416 = vector.broadcast %mul3A_24 : i32 to vector<16xi32>
        %sub3A_417 = arith.subi %get3A_415, %sub3A_416 : vector<16xi32>
        %ge3A_418 = arith.constant 0 : i32
        %ge3A_419 = vector.broadcast %ge3A_418 : i32 to vector<16xi32>
        %ge3A_420 = arith.cmpi sge, %sub3A_417, %ge3A_419 : vector<16xi32>
        %lt3A_421 = arith.constant 2560 : i32
        %lt3A_422 = vector.broadcast %lt3A_421 : i32 to vector<16xi32>
        %lt3A_423 = arith.cmpi slt, %sub3A_417, %lt3A_422 : vector<16xi32>
        %and3A_424 = arith.andi %ge3A_420, %lt3A_423 : vector<16xi1>
        %add3A_425 = arith.constant 2624 : i32
        %add3A_426 = vector.broadcast %add3A_425 : i32 to vector<16xi32>
        %add3A_427 = arith.addi %iota3A, %add3A_426 : vector<16xi32>
        %select_n3A_428 = arith.select %and3A_424, %sub3A_417, %add3A_427 : vector<16xi1>, vector<16xi32>
        %swap3A_429 = arith.constant 0 : i32
        %swap3A_430 = arith.index_cast %swap3A_429 : i32 to index
        %swap3A_431 = arith.constant 64 : index
        %swap3A_432 = tpu.vector_load %arg9[%swap3A_430, %swap3A_431] {strides = array<i32>} : memref<1x80xi32, #tpu.memory_space<vmem>>, vector<1x16xi32>,
        %swap3A_433 = vector.shape_cast %swap3A_432 : vector<1x16xi32> to vector<16xi32>
        %swap3A_434 = vector.shape_cast %select_n3A_428 : vector<16xi32> to vector<1x16xi32>
        tpu.vector_store %arg9[%swap3A_430, %swap3A_431], %swap3A_434 {strides = array<i32>} : memref<1x80xi32, #tpu.memory_space<vmem>>, vector<1x16xi32>,
        %add3A_435 = arith.constant 1 : i32
        %add3A_436 = arith.addi %mul3A_179, %add3A_435 : i32
        %dma_wait3A_437 = arith.constant 0 : i32
        %dma_wait3A_438 = tpu.memref_slice %arg6[%add3A_436, %dma_wait3A_437] : memref<125x80xi32, #tpu.memory_space<vmem>> -> memref<1x80xi32, #tpu.memory_space<vmem>>
        %dma_wait3A_439 = tpu.memref_squeeze %dma_wait3A_438 : memref<1x80xi32, #tpu.memory_space<vmem>> -> memref<80xi32, #tpu.memory_space<vmem>>
        %dma_wait3A_440 = arith.constant 0 : i32
        %dma_wait3A_441 = arith.constant 0 : i32
        %dma_wait3A_442 = tpu.memref_slice %arg2[%dma_wait3A_440, %dma_wait3A_441] : memref<20000x128xf32, #tpu.memory_space<hbm>> -> memref<20000x128xf32, #tpu.memory_space<hbm>>
        tpu.wait_indirect_dma semaphore(%arg16 : memref<!tpu.dma_semaphore, #tpu.memory_space<semaphore_mem>>) src(%dma_wait3A_442 : memref<20000x128xf32, #tpu.memory_space<hbm>>) dst(%arg11 : memref<80x128xf32, #tpu.memory_space<vmem>>)
        %run_scoped3A_443 = arith.constant 0 : i32
        "tpu.region"() ({
          %run_scoped3A_445 = tpu.sem_alloc : memref<!tpu.dma_semaphore, #tpu.memory_space<semaphore_mem>>
          %dma_start3A_446 = arith.constant 0 : i32
          %dma_start3A_447 = tpu.memref_slice %arg9[%run_scoped3A_443, %dma_start3A_446] : memref<1x80xi32, #tpu.memory_space<vmem>> -> memref<1x80xi32, #tpu.memory_space<vmem>>
          %dma_start3A_448 = tpu.memref_squeeze %dma_start3A_447 : memref<1x80xi32, #tpu.memory_space<vmem>> -> memref<80xi32, #tpu.memory_space<vmem>>
          %dma_start3A_449 = arith.constant 0 : i32
          %dma_start3A_450 = arith.constant 0 : i32
          %dma_start3A_451 = tpu.memref_slice %arg14[%dma_start3A_449, %dma_start3A_450] : memref<2640x128xf32, #tpu.memory_space<vmem_shared>> -> memref<2640x128xf32, #tpu.memory_space<vmem_shared>>
          tpu.enqueue_indirect_dma source(%arg11 : memref<80x128xf32, #tpu.memory_space<vmem>>) target(%dma_start3A_451 : memref<2640x128xf32, #tpu.memory_space<vmem_shared>>) offsets(%dma_start3A_448 : memref<80xi32, #tpu.memory_space<vmem>>) semaphore(%run_scoped3A_445 : memref<!tpu.dma_semaphore, #tpu.memory_space<semaphore_mem>>) {add = true}
          %dma_wait3A_452 = arith.constant 0 : i32
          %dma_wait3A_453 = tpu.memref_slice %arg9[%run_scoped3A_443, %dma_wait3A_452] : memref<1x80xi32, #tpu.memory_space<vmem>> -> memref<1x80xi32, #tpu.memory_space<vmem>>
          %dma_wait3A_454 = tpu.memref_squeeze %dma_wait3A_453 : memref<1x80xi32, #tpu.memory_space<vmem>> -> memref<80xi32, #tpu.memory_space<vmem>>
          %dma_wait3A_455 = arith.constant 0 : i32
          %dma_wait3A_456 = arith.constant 0 : i32
          %dma_wait3A_457 = tpu.memref_slice %arg14[%dma_wait3A_455, %dma_wait3A_456] : memref<2640x128xf32, #tpu.memory_space<vmem_shared>> -> memref<2640x128xf32, #tpu.memory_space<vmem_shared>>
          tpu.wait_indirect_dma semaphore(%run_scoped3A_445 : memref<!tpu.dma_semaphore, #tpu.memory_space<semaphore_mem>>) src(%arg11 : memref<80x128xf32, #tpu.memory_space<vmem>>) dst(%dma_wait3A_457 : memref<2640x128xf32, #tpu.memory_space<vmem_shared>>)
          tpu.yield
        }) : () -> ()
        %scan3A_444 = arith.constant 0 : i32
        scf.yield %scan3A_444 : i32
      }
      %scan3A_45 = arith.constant 62 : i32
      %get3A = arith.constant 124 : i32
      %get3A_46 = arith.index_cast %get3A : i32 to index
      %get3A_47 = arith.constant 0 : index
      %get3A_48 = tpu.vector_load %arg7[%get3A_46, %get3A_47] {strides = array<i32>} : memref<125x80xi32, #tpu.memory_space<vmem>>, vector<1x16xi32>,
      %get3A_49 = vector.shape_cast %get3A_48 : vector<1x16xi32> to vector<16xi32>
      %sub3A = vector.broadcast %mul3A_24 : i32 to vector<16xi32>
      %sub3A_50 = arith.subi %get3A_49, %sub3A : vector<16xi32>
      %ge3A = arith.constant 0 : i32
      %ge3A_51 = vector.broadcast %ge3A : i32 to vector<16xi32>
      %ge3A_52 = arith.cmpi sge, %sub3A_50, %ge3A_51 : vector<16xi32>
      %lt3A = arith.constant 2560 : i32
      %lt3A_53 = vector.broadcast %lt3A : i32 to vector<16xi32>
      %lt3A_54 = arith.cmpi slt, %sub3A_50, %lt3A_53 : vector<16xi32>
      %and3A = arith.andi %ge3A_52, %lt3A_54 : vector<16xi1>
      %add3A_55 = arith.constant 2560 : i32
      %add3A_56 = vector.broadcast %add3A_55 : i32 to vector<16xi32>
      %add3A_57 = arith.addi %iota3A, %add3A_56 : vector<16xi32>
      %select_n3A = arith.select %and3A, %sub3A_50, %add3A_57 : vector<16xi1>, vector<16xi32>
      %swap3A = arith.constant 0 : i32
      %swap3A_58 = arith.index_cast %swap3A : i32 to index
      %swap3A_59 = arith.constant 0 : index
      %swap3A_60 = tpu.vector_load %arg8[%swap3A_58, %swap3A_59] {strides = array<i32>} : memref<1x80xi32, #tpu.memory_space<vmem>>, vector<1x16xi32>,
      %swap3A_61 = vector.shape_cast %swap3A_60 : vector<1x16xi32> to vector<16xi32>
      %swap3A_62 = vector.shape_cast %select_n3A : vector<16xi32> to vector<1x16xi32>
      tpu.vector_store %arg8[%swap3A_58, %swap3A_59], %swap3A_62 {strides = array<i32>} : memref<1x80xi32, #tpu.memory_space<vmem>>, vector<1x16xi32>,
      %get3A_63 = arith.constant 124 : i32
      %get3A_64 = arith.index_cast %get3A_63 : i32 to index
      %get3A_65 = arith.constant 16 : index
      %get3A_66 = tpu.vector_load %arg7[%get3A_64, %get3A_65] {strides = array<i32>} : memref<125x80xi32, #tpu.memory_space<vmem>>, vector<1x16xi32>,
      %get3A_67 = vector.shape_cast %get3A_66 : vector<1x16xi32> to vector<16xi32>
      %sub3A_68 = vector.broadcast %mul3A_24 : i32 to vector<16xi32>
      %sub3A_69 = arith.subi %get3A_67, %sub3A_68 : vector<16xi32>
      %ge3A_70 = arith.constant 0 : i32
      %ge3A_71 = vector.broadcast %ge3A_70 : i32 to vector<16xi32>
      %ge3A_72 = arith.cmpi sge, %sub3A_69, %ge3A_71 : vector<16xi32>
      %lt3A_73 = arith.constant 2560 : i32
      %lt3A_74 = vector.broadcast %lt3A_73 : i32 to vector<16xi32>
      %lt3A_75 = arith.cmpi slt, %sub3A_69, %lt3A_74 : vector<16xi32>
      %and3A_76 = arith.andi %ge3A_72, %lt3A_75 : vector<16xi1>
      %add3A_77 = arith.constant 2576 : i32
      %add3A_78 = vector.broadcast %add3A_77 : i32 to vector<16xi32>
      %add3A_79 = arith.addi %iota3A, %add3A_78 : vector<16xi32>
      %select_n3A_80 = arith.select %and3A_76, %sub3A_69, %add3A_79 : vector<16xi1>, vector<16xi32>
      %swap3A_81 = arith.constant 0 : i32
      %swap3A_82 = arith.index_cast %swap3A_81 : i32 to index
      %swap3A_83 = arith.constant 16 : index
      %swap3A_84 = tpu.vector_load %arg8[%swap3A_82, %swap3A_83] {strides = array<i32>} : memref<1x80xi32, #tpu.memory_space<vmem>>, vector<1x16xi32>,
      %swap3A_85 = vector.shape_cast %swap3A_84 : vector<1x16xi32> to vector<16xi32>
      %swap3A_86 = vector.shape_cast %select_n3A_80 : vector<16xi32> to vector<1x16xi32>
      tpu.vector_store %arg8[%swap3A_82, %swap3A_83], %swap3A_86 {strides = array<i32>} : memref<1x80xi32, #tpu.memory_space<vmem>>, vector<1x16xi32>,
      %get3A_87 = arith.constant 124 : i32
      %get3A_88 = arith.index_cast %get3A_87 : i32 to index
      %get3A_89 = arith.constant 32 : index
      %get3A_90 = tpu.vector_load %arg7[%get3A_88, %get3A_89] {strides = array<i32>} : memref<125x80xi32, #tpu.memory_space<vmem>>, vector<1x16xi32>,
      %get3A_91 = vector.shape_cast %get3A_90 : vector<1x16xi32> to vector<16xi32>
      %sub3A_92 = vector.broadcast %mul3A_24 : i32 to vector<16xi32>
      %sub3A_93 = arith.subi %get3A_91, %sub3A_92 : vector<16xi32>
      %ge3A_94 = arith.constant 0 : i32
      %ge3A_95 = vector.broadcast %ge3A_94 : i32 to vector<16xi32>
      %ge3A_96 = arith.cmpi sge, %sub3A_93, %ge3A_95 : vector<16xi32>
      %lt3A_97 = arith.constant 2560 : i32
      %lt3A_98 = vector.broadcast %lt3A_97 : i32 to vector<16xi32>
      %lt3A_99 = arith.cmpi slt, %sub3A_93, %lt3A_98 : vector<16xi32>
      %and3A_100 = arith.andi %ge3A_96, %lt3A_99 : vector<16xi1>
      %add3A_101 = arith.constant 2592 : i32
      %add3A_102 = vector.broadcast %add3A_101 : i32 to vector<16xi32>
      %add3A_103 = arith.addi %iota3A, %add3A_102 : vector<16xi32>
      %select_n3A_104 = arith.select %and3A_100, %sub3A_93, %add3A_103 : vector<16xi1>, vector<16xi32>
      %swap3A_105 = arith.constant 0 : i32
      %swap3A_106 = arith.index_cast %swap3A_105 : i32 to index
      %swap3A_107 = arith.constant 32 : index
      %swap3A_108 = tpu.vector_load %arg8[%swap3A_106, %swap3A_107] {strides = array<i32>} : memref<1x80xi32, #tpu.memory_space<vmem>>, vector<1x16xi32>,
      %swap3A_109 = vector.shape_cast %swap3A_108 : vector<1x16xi32> to vector<16xi32>
      %swap3A_110 = vector.shape_cast %select_n3A_104 : vector<16xi32> to vector<1x16xi32>
      tpu.vector_store %arg8[%swap3A_106, %swap3A_107], %swap3A_110 {strides = array<i32>} : memref<1x80xi32, #tpu.memory_space<vmem>>, vector<1x16xi32>,
      %get3A_111 = arith.constant 124 : i32
      %get3A_112 = arith.index_cast %get3A_111 : i32 to index
      %get3A_113 = arith.constant 48 : index
      %get3A_114 = tpu.vector_load %arg7[%get3A_112, %get3A_113] {strides = array<i32>} : memref<125x80xi32, #tpu.memory_space<vmem>>, vector<1x16xi32>,
      %get3A_115 = vector.shape_cast %get3A_114 : vector<1x16xi32> to vector<16xi32>
      %sub3A_116 = vector.broadcast %mul3A_24 : i32 to vector<16xi32>
      %sub3A_117 = arith.subi %get3A_115, %sub3A_116 : vector<16xi32>
      %ge3A_118 = arith.constant 0 : i32
      %ge3A_119 = vector.broadcast %ge3A_118 : i32 to vector<16xi32>
      %ge3A_120 = arith.cmpi sge, %sub3A_117, %ge3A_119 : vector<16xi32>
      %lt3A_121 = arith.constant 2560 : i32
      %lt3A_122 = vector.broadcast %lt3A_121 : i32 to vector<16xi32>
      %lt3A_123 = arith.cmpi slt, %sub3A_117, %lt3A_122 : vector<16xi32>
      %and3A_124 = arith.andi %ge3A_120, %lt3A_123 : vector<16xi1>
      %add3A_125 = arith.constant 2608 : i32
      %add3A_126 = vector.broadcast %add3A_125 : i32 to vector<16xi32>
      %add3A_127 = arith.addi %iota3A, %add3A_126 : vector<16xi32>
      %select_n3A_128 = arith.select %and3A_124, %sub3A_117, %add3A_127 : vector<16xi1>, vector<16xi32>
      %swap3A_129 = arith.constant 0 : i32
      %swap3A_130 = arith.index_cast %swap3A_129 : i32 to index
      %swap3A_131 = arith.constant 48 : index
      %swap3A_132 = tpu.vector_load %arg8[%swap3A_130, %swap3A_131] {strides = array<i32>} : memref<1x80xi32, #tpu.memory_space<vmem>>, vector<1x16xi32>,
      %swap3A_133 = vector.shape_cast %swap3A_132 : vector<1x16xi32> to vector<16xi32>
      %swap3A_134 = vector.shape_cast %select_n3A_128 : vector<16xi32> to vector<1x16xi32>
      tpu.vector_store %arg8[%swap3A_130, %swap3A_131], %swap3A_134 {strides = array<i32>} : memref<1x80xi32, #tpu.memory_space<vmem>>, vector<1x16xi32>,
      %get3A_135 = arith.constant 124 : i32
      %get3A_136 = arith.index_cast %get3A_135 : i32 to index
      %get3A_137 = arith.constant 64 : index
      %get3A_138 = tpu.vector_load %arg7[%get3A_136, %get3A_137] {strides = array<i32>} : memref<125x80xi32, #tpu.memory_space<vmem>>, vector<1x16xi32>,
      %get3A_139 = vector.shape_cast %get3A_138 : vector<1x16xi32> to vector<16xi32>
      %sub3A_140 = vector.broadcast %mul3A_24 : i32 to vector<16xi32>
      %sub3A_141 = arith.subi %get3A_139, %sub3A_140 : vector<16xi32>
      %ge3A_142 = arith.constant 0 : i32
      %ge3A_143 = vector.broadcast %ge3A_142 : i32 to vector<16xi32>
      %ge3A_144 = arith.cmpi sge, %sub3A_141, %ge3A_143 : vector<16xi32>
      %lt3A_145 = arith.constant 2560 : i32
      %lt3A_146 = vector.broadcast %lt3A_145 : i32 to vector<16xi32>
      %lt3A_147 = arith.cmpi slt, %sub3A_141, %lt3A_146 : vector<16xi32>
      %and3A_148 = arith.andi %ge3A_144, %lt3A_147 : vector<16xi1>
      %add3A_149 = arith.constant 2624 : i32
      %add3A_150 = vector.broadcast %add3A_149 : i32 to vector<16xi32>
      %add3A_151 = arith.addi %iota3A, %add3A_150 : vector<16xi32>
      %select_n3A_152 = arith.select %and3A_148, %sub3A_141, %add3A_151 : vector<16xi1>, vector<16xi32>
      %swap3A_153 = arith.constant 0 : i32
      %swap3A_154 = arith.index_cast %swap3A_153 : i32 to index
      %swap3A_155 = arith.constant 64 : index
      %swap3A_156 = tpu.vector_load %arg8[%swap3A_154, %swap3A_155] {strides = array<i32>} : memref<1x80xi32, #tpu.memory_space<vmem>>, vector<1x16xi32>,
      %swap3A_157 = vector.shape_cast %swap3A_156 : vector<1x16xi32> to vector<16xi32>
      %swap3A_158 = vector.shape_cast %select_n3A_152 : vector<16xi32> to vector<1x16xi32>
      tpu.vector_store %arg8[%swap3A_154, %swap3A_155], %swap3A_158 {strides = array<i32>} : memref<1x80xi32, #tpu.memory_space<vmem>>, vector<1x16xi32>,
      %dma_wait3A = arith.constant 124 : i32
      %dma_wait3A_159 = arith.constant 0 : i32
      %dma_wait3A_160 = tpu.memref_slice %arg6[%dma_wait3A, %dma_wait3A_159] : memref<125x80xi32, #tpu.memory_space<vmem>> -> memref<1x80xi32, #tpu.memory_space<vmem>>
      %dma_wait3A_161 = tpu.memref_squeeze %dma_wait3A_160 : memref<1x80xi32, #tpu.memory_space<vmem>> -> memref<80xi32, #tpu.memory_space<vmem>>
      %dma_wait3A_162 = arith.constant 0 : i32
      %dma_wait3A_163 = arith.constant 0 : i32
      %dma_wait3A_164 = tpu.memref_slice %arg2[%dma_wait3A_162, %dma_wait3A_163] : memref<20000x128xf32, #tpu.memory_space<hbm>> -> memref<20000x128xf32, #tpu.memory_space<hbm>>
      tpu.wait_indirect_dma semaphore(%arg15 : memref<!tpu.dma_semaphore, #tpu.memory_space<semaphore_mem>>) src(%dma_wait3A_164 : memref<20000x128xf32, #tpu.memory_space<hbm>>) dst(%arg10 : memref<80x128xf32, #tpu.memory_space<vmem>>)
      %run_scoped3A = arith.constant 0 : i32
      "tpu.region"() ({
        %run_scoped3A_176 = tpu.sem_alloc : memref<!tpu.dma_semaphore, #tpu.memory_space<semaphore_mem>>
        %dma_start3A_177 = arith.constant 0 : i32
        %dma_start3A_178 = tpu.memref_slice %arg8[%run_scoped3A, %dma_start3A_177] : memref<1x80xi32, #tpu.memory_space<vmem>> -> memref<1x80xi32, #tpu.memory_space<vmem>>
        %dma_start3A_179 = tpu.memref_squeeze %dma_start3A_178 : memref<1x80xi32, #tpu.memory_space<vmem>> -> memref<80xi32, #tpu.memory_space<vmem>>
        %dma_start3A_180 = arith.constant 0 : i32
        %dma_start3A_181 = arith.constant 0 : i32
        %dma_start3A_182 = tpu.memref_slice %arg14[%dma_start3A_180, %dma_start3A_181] : memref<2640x128xf32, #tpu.memory_space<vmem_shared>> -> memref<2640x128xf32, #tpu.memory_space<vmem_shared>>
        tpu.enqueue_indirect_dma source(%arg10 : memref<80x128xf32, #tpu.memory_space<vmem>>) target(%dma_start3A_182 : memref<2640x128xf32, #tpu.memory_space<vmem_shared>>) offsets(%dma_start3A_179 : memref<80xi32, #tpu.memory_space<vmem>>) semaphore(%run_scoped3A_176 : memref<!tpu.dma_semaphore, #tpu.memory_space<semaphore_mem>>) {add = true}
        %dma_wait3A_183 = arith.constant 0 : i32
        %dma_wait3A_184 = tpu.memref_slice %arg8[%run_scoped3A, %dma_wait3A_183] : memref<1x80xi32, #tpu.memory_space<vmem>> -> memref<1x80xi32, #tpu.memory_space<vmem>>
        %dma_wait3A_185 = tpu.memref_squeeze %dma_wait3A_184 : memref<1x80xi32, #tpu.memory_space<vmem>> -> memref<80xi32, #tpu.memory_space<vmem>>
        %dma_wait3A_186 = arith.constant 0 : i32
        %dma_wait3A_187 = arith.constant 0 : i32
        %dma_wait3A_188 = tpu.memref_slice %arg14[%dma_wait3A_186, %dma_wait3A_187] : memref<2640x128xf32, #tpu.memory_space<vmem_shared>> -> memref<2640x128xf32, #tpu.memory_space<vmem_shared>>
        tpu.wait_indirect_dma semaphore(%run_scoped3A_176 : memref<!tpu.dma_semaphore, #tpu.memory_space<semaphore_mem>>) src(%arg10 : memref<80x128xf32, #tpu.memory_space<vmem>>) dst(%dma_wait3A_188 : memref<2640x128xf32, #tpu.memory_space<vmem_shared>>)
        tpu.yield
      }) : () -> ()
      %barrier3A_165 = arith.constant 0 : index
      tpu.barrier barrier_id(%barrier3A_165)
      %mul3A_166 = arith.constant 160 : i32
      %mul3A_167 = arith.muli %arg1, %mul3A_166 : i32
      "tpu.region"() ({
        %run_scoped3A_176 = tpu.sem_alloc : memref<!tpu.dma_semaphore, #tpu.memory_space<semaphore_mem>>
        %dma_start3A_177 = arith.constant 0 : i32
        %dma_start3A_178 = tpu.memref_slice %arg14[%mul3A_167, %dma_start3A_177] : memref<2640x128xf32, #tpu.memory_space<vmem_shared>> -> memref<160x128xf32, #tpu.memory_space<vmem_shared>>
        %dma_start3A_179 = arith.constant 0 : i32
        %dma_start3A_180 = tpu.memref_slice %arg14[%mul3A_167, %dma_start3A_179] : memref<2640x128xf32, #tpu.memory_space<vmem_shared>> -> memref<160x128xf32, #tpu.memory_space<vmem_shared>>
        tpu.enqueue_dma source(%dma_start3A_180 : memref<160x128xf32, #tpu.memory_space<vmem_shared>>) target(%arg13 : memref<160x128xf32, #tpu.memory_space<vmem>>) target_semaphore(%run_scoped3A_176 : memref<!tpu.dma_semaphore, #tpu.memory_space<semaphore_mem>>)
        %dma_wait3A_181 = arith.constant 0 : i32
        %dma_wait3A_182 = tpu.memref_slice %arg14[%mul3A_167, %dma_wait3A_181] : memref<2640x128xf32, #tpu.memory_space<vmem_shared>> -> memref<160x128xf32, #tpu.memory_space<vmem_shared>>
        %dma_wait3A_183 = arith.constant 0 : i32
        %dma_wait3A_184 = tpu.memref_slice %arg14[%mul3A_167, %dma_wait3A_183] : memref<2640x128xf32, #tpu.memory_space<vmem_shared>> -> memref<160x128xf32, #tpu.memory_space<vmem_shared>>
        tpu.wait_dma2 semaphore(%run_scoped3A_176 : memref<!tpu.dma_semaphore, #tpu.memory_space<semaphore_mem>>) src(%dma_wait3A_184 : memref<160x128xf32, #tpu.memory_space<vmem_shared>>) dst(%arg13 : memref<160x128xf32, #tpu.memory_space<vmem>>)
        tpu.yield
      }) : () -> ()
      %mul3A_168 = arith.constant 10240 : i32
      %mul3A_169 = arith.muli %arg0, %mul3A_168 : i32
      %add3A_170 = arith.addi %mul3A_169, %mul3A_24 : i32
      %mul3A_171 = arith.constant 160 : i32
      %mul3A_172 = arith.muli %arg1, %mul3A_171 : i32
      %add3A_173 = arith.addi %add3A_170, %mul3A_172 : i32
      "tpu.region"() ({
        %run_scoped3A_176 = tpu.sem_alloc : memref<!tpu.dma_semaphore, #tpu.memory_space<semaphore_mem>>
        %dma_start3A_177 = arith.constant 0 : i32
        %dma_start3A_178 = tpu.memref_slice %arg5[%add3A_173, %dma_start3A_177] : memref<20480x128xf32, #tpu.memory_space<hbm>> -> memref<160x128xf32, #tpu.memory_space<hbm>>
        %dma_start3A_179 = arith.constant 0 : i32
        %dma_start3A_180 = tpu.memref_slice %arg5[%add3A_173, %dma_start3A_179] : memref<20480x128xf32, #tpu.memory_space<hbm>> -> memref<160x128xf32, #tpu.memory_space<hbm>>
        tpu.enqueue_dma source(%arg13 : memref<160x128xf32, #tpu.memory_space<vmem>>) target(%dma_start3A_180 : memref<160x128xf32, #tpu.memory_space<hbm>>) target_semaphore(%run_scoped3A_176 : memref<!tpu.dma_semaphore, #tpu.memory_space<semaphore_mem>>)
        %dma_wait3A_181 = arith.constant 0 : i32
        %dma_wait3A_182 = tpu.memref_slice %arg5[%add3A_173, %dma_wait3A_181] : memref<20480x128xf32, #tpu.memory_space<hbm>> -> memref<160x128xf32, #tpu.memory_space<hbm>>
        %dma_wait3A_183 = arith.constant 0 : i32
        %dma_wait3A_184 = tpu.memref_slice %arg5[%add3A_173, %dma_wait3A_183] : memref<20480x128xf32, #tpu.memory_space<hbm>> -> memref<160x128xf32, #tpu.memory_space<hbm>>
        tpu.wait_dma2 semaphore(%run_scoped3A_176 : memref<!tpu.dma_semaphore, #tpu.memory_space<semaphore_mem>>) src(%arg13 : memref<160x128xf32, #tpu.memory_space<vmem>>) dst(%dma_wait3A_184 : memref<160x128xf32, #tpu.memory_space<hbm>>)
        tpu.yield
      }) : () -> ()
      %barrier3A_174 = arith.constant 0 : index
      tpu.barrier barrier_id(%barrier3A_174)
      %scan3A_175 = arith.constant 0 : i32
      scf.yield %scan3A_175 : i32
    }
    %scan3A_20 = arith.constant 4 : i32
    return
  }
}

#map = affine_map<(d0, d1) -> (0, 0)>
#map1 = affine_map<(d0, d1) -> (0, 0, 0)>
module attributes {stable_mosaic.version = 14 : i64} {
  func.func @_sc_agg(%arg0: i32, %arg1: i32, %arg2: memref<20000x128xf32, #tpu.memory_space<hbm>>, %arg3: memref<16x125x80xi32, #tpu.memory_space<hbm>>, %arg4: memref<16x125x80xi32, #tpu.memory_space<hbm>>, %arg5: memref<20480x128xf32, #tpu.memory_space<hbm>>, %arg6: memref<125x80xi32, #tpu.memory_space<vmem>>, %arg7: memref<125x80xi32, #tpu.memory_space<vmem>>, %arg8: memref<1x80xi32, #tpu.memory_space<vmem>>, %arg9: memref<1x80xi32, #tpu.memory_space<vmem>>, %arg10: memref<80x128xf32, #tpu.memory_space<vmem>>, %arg11: memref<80x128xf32, #tpu.memory_space<vmem>>, %arg12: memref<160x128xf32, #tpu.memory_space<vmem>>, %arg13: memref<160x128xf32, #tpu.memory_space<vmem>>, %arg14: memref<2640x128xf32, #tpu.memory_space<vmem_shared>>, %arg15: memref<!tpu.dma_semaphore, #tpu.memory_space<semaphore_mem>>, %arg16: memref<!tpu.dma_semaphore, #tpu.memory_space<semaphore_mem>>) attributes {dimension_semantics = [#tpu.dimension_semantics<core_parallel>, #tpu.dimension_semantics<subcore_parallel>], iteration_bounds = array<i64: 2, 16>, scalar_prefetch = 0 : i64, scratch_operands = 11 : i64, tpu.core_type = #tpu.core_type<sc_vector_subcore>, window_params = [{transform_indices = #map}, {transform_indices = #map1}, {transform_indices = #map1}, {transform_indices = #map}]} {
    "tpu.region"() ({
      %run_scoped3A = tpu.sem_alloc : memref<!tpu.dma_semaphore, #tpu.memory_space<semaphore_mem>>
      %dma_start3A = arith.constant 0 : i32
      %dma_start3A_21 = arith.constant 0 : i32
      %dma_start3A_22 = tpu.memref_slice %arg3[%arg1, %dma_start3A, %dma_start3A_21] : memref<16x125x80xi32, #tpu.memory_space<hbm>> -> memref<1x125x80xi32, #tpu.memory_space<hbm>>
      %dma_start3A_23 = tpu.memref_squeeze %dma_start3A_22 : memref<1x125x80xi32, #tpu.memory_space<hbm>> -> memref<125x80xi32, #tpu.memory_space<hbm>>
      %dma_start3A_24 = arith.constant 0 : i32
      %dma_start3A_25 = arith.constant 0 : i32
      %dma_start3A_26 = tpu.memref_slice %arg3[%arg1, %dma_start3A_24, %dma_start3A_25] : memref<16x125x80xi32, #tpu.memory_space<hbm>> -> memref<1x125x80xi32, #tpu.memory_space<hbm>>
      %dma_start3A_27 = tpu.memref_squeeze %dma_start3A_26 : memref<1x125x80xi32, #tpu.memory_space<hbm>> -> memref<125x80xi32, #tpu.memory_space<hbm>>
      tpu.enqueue_dma source(%dma_start3A_27 : memref<125x80xi32, #tpu.memory_space<hbm>>) target(%arg6 : memref<125x80xi32, #tpu.memory_space<vmem>>) target_semaphore(%run_scoped3A : memref<!tpu.dma_semaphore, #tpu.memory_space<semaphore_mem>>)
      %dma_wait3A = arith.constant 0 : i32
      %dma_wait3A_28 = arith.constant 0 : i32
      %dma_wait3A_29 = tpu.memref_slice %arg3[%arg1, %dma_wait3A, %dma_wait3A_28] : memref<16x125x80xi32, #tpu.memory_space<hbm>> -> memref<1x125x80xi32, #tpu.memory_space<hbm>>
      %dma_wait3A_30 = tpu.memref_squeeze %dma_wait3A_29 : memref<1x125x80xi32, #tpu.memory_space<hbm>> -> memref<125x80xi32, #tpu.memory_space<hbm>>
      %dma_wait3A_31 = arith.constant 0 : i32
      %dma_wait3A_32 = arith.constant 0 : i32
      %dma_wait3A_33 = tpu.memref_slice %arg3[%arg1, %dma_wait3A_31, %dma_wait3A_32] : memref<16x125x80xi32, #tpu.memory_space<hbm>> -> memref<1x125x80xi32, #tpu.memory_space<hbm>>
      %dma_wait3A_34 = tpu.memref_squeeze %dma_wait3A_33 : memref<1x125x80xi32, #tpu.memory_space<hbm>> -> memref<125x80xi32, #tpu.memory_space<hbm>>
      tpu.wait_dma2 semaphore(%run_scoped3A : memref<!tpu.dma_semaphore, #tpu.memory_space<semaphore_mem>>) src(%dma_wait3A_34 : memref<125x80xi32, #tpu.memory_space<hbm>>) dst(%arg6 : memref<125x80xi32, #tpu.memory_space<vmem>>)
      tpu.yield
    }) : () -> ()
    "tpu.region"() ({
      %run_scoped3A = tpu.sem_alloc : memref<!tpu.dma_semaphore, #tpu.memory_space<semaphore_mem>>
      %dma_start3A = arith.constant 0 : i32
      %dma_start3A_21 = arith.constant 0 : i32
      %dma_start3A_22 = tpu.memref_slice %arg4[%arg1, %dma_start3A, %dma_start3A_21] : memref<16x125x80xi32, #tpu.memory_space<hbm>> -> memref<1x125x80xi32, #tpu.memory_space<hbm>>
      %dma_start3A_23 = tpu.memref_squeeze %dma_start3A_22 : memref<1x125x80xi32, #tpu.memory_space<hbm>> -> memref<125x80xi32, #tpu.memory_space<hbm>>
      %dma_start3A_24 = arith.constant 0 : i32
      %dma_start3A_25 = arith.constant 0 : i32
      %dma_start3A_26 = tpu.memref_slice %arg4[%arg1, %dma_start3A_24, %dma_start3A_25] : memref<16x125x80xi32, #tpu.memory_space<hbm>> -> memref<1x125x80xi32, #tpu.memory_space<hbm>>
      %dma_start3A_27 = tpu.memref_squeeze %dma_start3A_26 : memref<1x125x80xi32, #tpu.memory_space<hbm>> -> memref<125x80xi32, #tpu.memory_space<hbm>>
      tpu.enqueue_dma source(%dma_start3A_27 : memref<125x80xi32, #tpu.memory_space<hbm>>) target(%arg7 : memref<125x80xi32, #tpu.memory_space<vmem>>) target_semaphore(%run_scoped3A : memref<!tpu.dma_semaphore, #tpu.memory_space<semaphore_mem>>)
      %dma_wait3A = arith.constant 0 : i32
      %dma_wait3A_28 = arith.constant 0 : i32
      %dma_wait3A_29 = tpu.memref_slice %arg4[%arg1, %dma_wait3A, %dma_wait3A_28] : memref<16x125x80xi32, #tpu.memory_space<hbm>> -> memref<1x125x80xi32, #tpu.memory_space<hbm>>
      %dma_wait3A_30 = tpu.memref_squeeze %dma_wait3A_29 : memref<1x125x80xi32, #tpu.memory_space<hbm>> -> memref<125x80xi32, #tpu.memory_space<hbm>>
      %dma_wait3A_31 = arith.constant 0 : i32
      %dma_wait3A_32 = arith.constant 0 : i32
      %dma_wait3A_33 = tpu.memref_slice %arg4[%arg1, %dma_wait3A_31, %dma_wait3A_32] : memref<16x125x80xi32, #tpu.memory_space<hbm>> -> memref<1x125x80xi32, #tpu.memory_space<hbm>>
      %dma_wait3A_34 = tpu.memref_squeeze %dma_wait3A_33 : memref<1x125x80xi32, #tpu.memory_space<hbm>> -> memref<125x80xi32, #tpu.memory_space<hbm>>
      tpu.wait_dma2 semaphore(%run_scoped3A : memref<!tpu.dma_semaphore, #tpu.memory_space<semaphore_mem>>) src(%dma_wait3A_34 : memref<125x80xi32, #tpu.memory_space<hbm>>) dst(%arg7 : memref<125x80xi32, #tpu.memory_space<vmem>>)
      tpu.yield
    }) : () -> ()
    %mul3A = arith.constant 10000 : i32
    %mul3A_0 = arith.muli %arg0, %mul3A : i32
    %scan3A = arith.constant 0 : i32
    %scan3A_1 = arith.constant 0 : i32
    %scan3A_2 = arith.constant 625 : i32
    %scan3A_3 = arith.addi %scan3A_1, %scan3A_2 : i32
    %scan3A_4 = arith.constant 1 : i32
    %scan3A_5 = scf.for %scan3A_21 = %scan3A_1 to %scan3A_3 step %scan3A_4 iter_args(%scan3A_22 = %scan3A) -> (i32)  : i32 {
      %jit3A = arith.constant 5 : i32
      %div3A = arith.divsi %scan3A_21, %jit3A : i32
      %sign3A = arith.constant 0 : i32
      %sign3A_23 = arith.cmpi sgt, %scan3A_21, %sign3A : i32
      %sign3A_24 = arith.extui %sign3A_23 : i1 to i32
      %sign3A_25 = arith.constant 0 : i32
      %sign3A_26 = arith.cmpi slt, %scan3A_21, %sign3A_25 : i32
      %sign3A_27 = arith.extui %sign3A_26 : i1 to i32
      %sign3A_28 = arith.subi %sign3A_24, %sign3A_27 : i32
      %sign3A_29 = arith.constant 0 : i32
      %sign3A_30 = arith.cmpi sgt, %jit3A, %sign3A_29 : i32
      %sign3A_31 = arith.extui %sign3A_30 : i1 to i32
      %sign3A_32 = arith.constant 0 : i32
      %sign3A_33 = arith.cmpi slt, %jit3A, %sign3A_32 : i32
      %sign3A_34 = arith.extui %sign3A_33 : i1 to i32
      %sign3A_35 = arith.subi %sign3A_31, %sign3A_34 : i32
      %ne3A = arith.cmpi ne, %sign3A_28, %sign3A_35 : i32
      %rem3A = arith.remsi %scan3A_21, %jit3A : i32
      %ne3A_36 = arith.constant 0 : i32
      %ne3A_37 = arith.cmpi ne, %rem3A, %ne3A_36 : i32
      %and3A = arith.andi %ne3A, %ne3A_37 : i1
      %sub3A = arith.constant 1 : i32
      %sub3A_38 = arith.subi %div3A, %sub3A : i32
      %select_n3A = arith.select %and3A, %sub3A_38, %div3A : i32
      %jit3A_39 = arith.constant 5 : i32
      %eq3A = arith.constant 0 : i32
      %eq3A_40 = arith.cmpi eq, %jit3A_39, %eq3A : i32
      %jit3A_41 = arith.constant 1 : i32
      %select_n3A_42 = arith.select %eq3A_40, %jit3A_41, %jit3A_39 : i32
      %rem3A_43 = arith.remsi %scan3A_21, %select_n3A_42 : i32
      %ne3A_44 = arith.constant 0 : i32
      %ne3A_45 = arith.cmpi ne, %rem3A_43, %ne3A_44 : i32
      %lt3A = arith.constant 0 : i32
      %lt3A_46 = arith.cmpi slt, %rem3A_43, %lt3A : i32
      %lt3A_47 = arith.constant 0 : i32
      %lt3A_48 = arith.cmpi slt, %select_n3A_42, %lt3A_47 : i32
      %ne3A_49 = arith.xori %lt3A_46, %lt3A_48 : i1
      %and3A_50 = arith.andi %ne3A_49, %ne3A_45 : i1
      %add3A = arith.addi %rem3A_43, %select_n3A_42 : i32
      %select_n3A_51 = arith.select %and3A_50, %add3A, %rem3A_43 : i32
      %mul3A_52 = arith.constant 16 : i32
      %mul3A_53 = arith.muli %select_n3A_51, %mul3A_52 : i32
      %get3A = arith.index_cast %select_n3A : i32 to index
      %get3A_54 = arith.index_cast %mul3A_53 : i32 to index
      %get3A_55 = tpu.vector_load %arg6[%get3A, %get3A_54] {strides = array<i32>} : memref<125x80xi32, #tpu.memory_space<vmem>>, vector<1x16xi32>,
      %get3A_56 = vector.shape_cast %get3A_55 : vector<1x16xi32> to vector<16xi32>
      %add3A_57 = vector.broadcast %mul3A_0 : i32 to vector<16xi32>
      %add3A_58 = arith.addi %get3A_56, %add3A_57 : vector<16xi32>
      %mul3A_59 = arith.constant 16 : i32
      %mul3A_60 = arith.muli %select_n3A_51, %mul3A_59 : i32
      %swap3A = arith.index_cast %select_n3A : i32 to index
      %swap3A_61 = arith.index_cast %mul3A_60 : i32 to index
      %swap3A_62 = tpu.vector_load %arg6[%swap3A, %swap3A_61] {strides = array<i32>} : memref<125x80xi32, #tpu.memory_space<vmem>>, vector<1x16xi32>,
      %swap3A_63 = vector.shape_cast %swap3A_62 : vector<1x16xi32> to vector<16xi32>
      %swap3A_64 = vector.shape_cast %add3A_58 : vector<16xi32> to vector<1x16xi32>
      tpu.vector_store %arg6[%swap3A, %swap3A_61], %swap3A_64 {strides = array<i32>} : memref<125x80xi32, #tpu.memory_space<vmem>>, vector<1x16xi32>,
      %scan3A_65 = arith.constant 0 : i32
      scf.yield %scan3A_65 : i32
    }
    %scan3A_6 = arith.constant 625 : i32
    %scan3A_7 = arith.constant 0 : i32
    %scan3A_8 = arith.constant 0 : i32
    %scan3A_9 = arith.constant 1280 : i32
    %scan3A_10 = arith.addi %scan3A_8, %scan3A_9 : i32
    %scan3A_11 = arith.constant 1 : i32
    %scan3A_12 = scf.for %scan3A_21 = %scan3A_8 to %scan3A_10 step %scan3A_11 iter_args(%scan3A_22 = %scan3A_7) -> (i32)  : i32 {
      %jit3A = arith.constant 8 : i32
      %div3A = arith.divsi %scan3A_21, %jit3A : i32
      %sign3A = arith.constant 0 : i32
      %sign3A_23 = arith.cmpi sgt, %scan3A_21, %sign3A : i32
      %sign3A_24 = arith.extui %sign3A_23 : i1 to i32
      %sign3A_25 = arith.constant 0 : i32
      %sign3A_26 = arith.cmpi slt, %scan3A_21, %sign3A_25 : i32
      %sign3A_27 = arith.extui %sign3A_26 : i1 to i32
      %sign3A_28 = arith.subi %sign3A_24, %sign3A_27 : i32
      %sign3A_29 = arith.constant 0 : i32
      %sign3A_30 = arith.cmpi sgt, %jit3A, %sign3A_29 : i32
      %sign3A_31 = arith.extui %sign3A_30 : i1 to i32
      %sign3A_32 = arith.constant 0 : i32
      %sign3A_33 = arith.cmpi slt, %jit3A, %sign3A_32 : i32
      %sign3A_34 = arith.extui %sign3A_33 : i1 to i32
      %sign3A_35 = arith.subi %sign3A_31, %sign3A_34 : i32
      %ne3A = arith.cmpi ne, %sign3A_28, %sign3A_35 : i32
      %rem3A = arith.remsi %scan3A_21, %jit3A : i32
      %ne3A_36 = arith.constant 0 : i32
      %ne3A_37 = arith.cmpi ne, %rem3A, %ne3A_36 : i32
      %and3A = arith.andi %ne3A, %ne3A_37 : i1
      %sub3A = arith.constant 1 : i32
      %sub3A_38 = arith.subi %div3A, %sub3A : i32
      %select_n3A = arith.select %and3A, %sub3A_38, %div3A : i32
      %jit3A_39 = arith.constant 8 : i32
      %eq3A = arith.constant 0 : i32
      %eq3A_40 = arith.cmpi eq, %jit3A_39, %eq3A : i32
      %jit3A_41 = arith.constant 1 : i32
      %select_n3A_42 = arith.select %eq3A_40, %jit3A_41, %jit3A_39 : i32
      %rem3A_43 = arith.remsi %scan3A_21, %select_n3A_42 : i32
      %ne3A_44 = arith.constant 0 : i32
      %ne3A_45 = arith.cmpi ne, %rem3A_43, %ne3A_44 : i32
      %lt3A = arith.constant 0 : i32
      %lt3A_46 = arith.cmpi slt, %rem3A_43, %lt3A : i32
      %lt3A_47 = arith.constant 0 : i32
      %lt3A_48 = arith.cmpi slt, %select_n3A_42, %lt3A_47 : i32
      %ne3A_49 = arith.xori %lt3A_46, %lt3A_48 : i1
      %and3A_50 = arith.andi %ne3A_49, %ne3A_45 : i1
      %add3A = arith.addi %rem3A_43, %select_n3A_42 : i32
      %select_n3A_51 = arith.select %and3A_50, %add3A, %rem3A_43 : i32
      %broadcast_in_dim3A = arith.constant 0.000000e+00 : f32
      %broadcast_in_dim3A_52 = vector.broadcast %broadcast_in_dim3A : f32 to vector<16xf32>
      %mul3A_53 = arith.constant 16 : i32
      %mul3A_54 = arith.muli %select_n3A_51, %mul3A_53 : i32
      %swap3A = arith.index_cast %select_n3A : i32 to index
      %swap3A_55 = arith.index_cast %mul3A_54 : i32 to index
      %swap3A_56 = tpu.vector_load %arg12[%swap3A, %swap3A_55] {strides = array<i32>} : memref<160x128xf32, #tpu.memory_space<vmem>>, vector<1x16xf32>,
      %swap3A_57 = vector.shape_cast %swap3A_56 : vector<1x16xf32> to vector<16xf32>
      %swap3A_58 = vector.shape_cast %broadcast_in_dim3A_52 : vector<16xf32> to vector<1x16xf32>
      tpu.vector_store %arg12[%swap3A, %swap3A_55], %swap3A_58 {strides = array<i32>} : memref<160x128xf32, #tpu.memory_space<vmem>>, vector<1x16xf32>,
      %scan3A_59 = arith.constant 0 : i32
      scf.yield %scan3A_59 : i32
    }
    %scan3A_13 = arith.constant 1280 : i32
    %iota3A = tpu.iota {dimensions = array<i32: 0>} : vector<16xi32>
    %scan3A_14 = arith.constant 0 : i32
    %scan3A_15 = arith.constant 0 : i32
    %scan3A_16 = arith.constant 4 : i32
    %scan3A_17 = arith.addi %scan3A_15, %scan3A_16 : i32
    %scan3A_18 = arith.constant 1 : i32
    %scan3A_19 = scf.for %scan3A_21 = %scan3A_15 to %scan3A_17 step %scan3A_18 iter_args(%scan3A_22 = %scan3A_14) -> (i32)  : i32 {
      %mul3A_23 = arith.constant 2560 : i32
      %mul3A_24 = arith.muli %scan3A_21, %mul3A_23 : i32
      %scan3A_25 = arith.constant 0 : i32
      %scan3A_26 = arith.constant 0 : i32
      %mul3A_27 = arith.constant 160 : i32
      %mul3A_28 = arith.muli %arg1, %mul3A_27 : i32
      %mul3A_29 = arith.constant 160 : i32
      %mul3A_30 = arith.muli %scan3A_26, %mul3A_29 : i32
      %add3A = arith.addi %mul3A_28, %mul3A_30 : i32
      "tpu.region"() ({
        %run_scoped3A_176 = tpu.sem_alloc : memref<!tpu.dma_semaphore, #tpu.memory_space<semaphore_mem>>
        %dma_start3A_177 = arith.constant 0 : i32
        %dma_start3A_178 = tpu.memref_slice %arg14[%add3A, %dma_start3A_177] : memref<2640x128xf32, #tpu.memory_space<vmem_shared>> -> memref<160x128xf32, #tpu.memory_space<vmem_shared>>
        %dma_start3A_179 = arith.constant 0 : i32
        %dma_start3A_180 = tpu.memref_slice %arg14[%add3A, %dma_start3A_179] : memref<2640x128xf32, #tpu.memory_space<vmem_shared>> -> memref<160x128xf32, #tpu.memory_space<vmem_shared>>
        tpu.enqueue_dma source(%arg12 : memref<160x128xf32, #tpu.memory_space<vmem>>) target(%dma_start3A_180 : memref<160x128xf32, #tpu.memory_space<vmem_shared>>) target_semaphore(%run_scoped3A_176 : memref<!tpu.dma_semaphore, #tpu.memory_space<semaphore_mem>>)
        %dma_wait3A_181 = arith.constant 0 : i32
        %dma_wait3A_182 = tpu.memref_slice %arg14[%add3A, %dma_wait3A_181] : memref<2640x128xf32, #tpu.memory_space<vmem_shared>> -> memref<160x128xf32, #tpu.memory_space<vmem_shared>>
        %dma_wait3A_183 = arith.constant 0 : i32
        %dma_wait3A_184 = tpu.memref_slice %arg14[%add3A, %dma_wait3A_183] : memref<2640x128xf32, #tpu.memory_space<vmem_shared>> -> memref<160x128xf32, #tpu.memory_space<vmem_shared>>
        tpu.wait_dma2 semaphore(%run_scoped3A_176 : memref<!tpu.dma_semaphore, #tpu.memory_space<semaphore_mem>>) src(%arg12 : memref<160x128xf32, #tpu.memory_space<vmem>>) dst(%dma_wait3A_184 : memref<160x128xf32, #tpu.memory_space<vmem_shared>>)
        tpu.yield
      }) : () -> ()
      %scan3A_31 = arith.constant 0 : i32
      %scan3A_32 = arith.constant 1 : i32
      %barrier3A = arith.constant 0 : index
      tpu.barrier barrier_id(%barrier3A)
      %dma_start3A = arith.constant 0 : i32
      %dma_start3A_33 = arith.constant 0 : i32
      %dma_start3A_34 = tpu.memref_slice %arg6[%dma_start3A, %dma_start3A_33] : memref<125x80xi32, #tpu.memory_space<vmem>> -> memref<1x80xi32, #tpu.memory_space<vmem>>
      %dma_start3A_35 = tpu.memref_squeeze %dma_start3A_34 : memref<1x80xi32, #tpu.memory_space<vmem>> -> memref<80xi32, #tpu.memory_space<vmem>>
      %dma_start3A_36 = arith.constant 0 : i32
      %dma_start3A_37 = arith.constant 0 : i32
      %dma_start3A_38 = tpu.memref_slice %arg2[%dma_start3A_36, %dma_start3A_37] : memref<20000x128xf32, #tpu.memory_space<hbm>> -> memref<20000x128xf32, #tpu.memory_space<hbm>>
      tpu.enqueue_indirect_dma source(%dma_start3A_38 : memref<20000x128xf32, #tpu.memory_space<hbm>>) target(%arg10 : memref<80x128xf32, #tpu.memory_space<vmem>>) offsets(%dma_start3A_35 : memref<80xi32, #tpu.memory_space<vmem>>) semaphore(%arg15 : memref<!tpu.dma_semaphore, #tpu.memory_space<semaphore_mem>>)
      %scan3A_39 = arith.constant 0 : i32
      %scan3A_40 = arith.constant 0 : i32
      %scan3A_41 = arith.constant 62 : i32
      %scan3A_42 = arith.addi %scan3A_40, %scan3A_41 : i32
      %scan3A_43 = arith.constant 1 : i32
      %scan3A_44 = scf.for %scan3A_176 = %scan3A_40 to %scan3A_42 step %scan3A_43 iter_args(%scan3A_177 = %scan3A_39) -> (i32)  : i32 {
        %mul3A_178 = arith.constant 2 : i32
        %mul3A_179 = arith.muli %mul3A_178, %scan3A_176 : i32
        %add3A_180 = arith.constant 1 : i32
        %add3A_181 = arith.addi %mul3A_179, %add3A_180 : i32
        %dma_start3A_182 = arith.constant 0 : i32
        %dma_start3A_183 = tpu.memref_slice %arg6[%add3A_181, %dma_start3A_182] : memref<125x80xi32, #tpu.memory_space<vmem>> -> memref<1x80xi32, #tpu.memory_space<vmem>>
        %dma_start3A_184 = tpu.memref_squeeze %dma_start3A_183 : memref<1x80xi32, #tpu.memory_space<vmem>> -> memref<80xi32, #tpu.memory_space<vmem>>
        %dma_start3A_185 = arith.constant 0 : i32
        %dma_start3A_186 = arith.constant 0 : i32
        %dma_start3A_187 = tpu.memref_slice %arg2[%dma_start3A_185, %dma_start3A_186] : memref<20000x128xf32, #tpu.memory_space<hbm>> -> memref<20000x128xf32, #tpu.memory_space<hbm>>
        tpu.enqueue_indirect_dma source(%dma_start3A_187 : memref<20000x128xf32, #tpu.memory_space<hbm>>) target(%arg11 : memref<80x128xf32, #tpu.memory_space<vmem>>) offsets(%dma_start3A_184 : memref<80xi32, #tpu.memory_space<vmem>>) semaphore(%arg16 : memref<!tpu.dma_semaphore, #tpu.memory_space<semaphore_mem>>)
        %get3A_188 = arith.index_cast %mul3A_179 : i32 to index
        %get3A_189 = arith.constant 0 : index
        %get3A_190 = tpu.vector_load %arg7[%get3A_188, %get3A_189] {strides = array<i32>} : memref<125x80xi32, #tpu.memory_space<vmem>>, vector<1x16xi32>,
        %get3A_191 = vector.shape_cast %get3A_190 : vector<1x16xi32> to vector<16xi32>
        %sub3A_192 = vector.broadcast %mul3A_24 : i32 to vector<16xi32>
        %sub3A_193 = arith.subi %get3A_191, %sub3A_192 : vector<16xi32>
        %ge3A_194 = arith.constant 0 : i32
        %ge3A_195 = vector.broadcast %ge3A_194 : i32 to vector<16xi32>
        %ge3A_196 = arith.cmpi sge, %sub3A_193, %ge3A_195 : vector<16xi32>
        %lt3A_197 = arith.constant 2560 : i32
        %lt3A_198 = vector.broadcast %lt3A_197 : i32 to vector<16xi32>
        %lt3A_199 = arith.cmpi slt, %sub3A_193, %lt3A_198 : vector<16xi32>
        %and3A_200 = arith.andi %ge3A_196, %lt3A_199 : vector<16xi1>
        %add3A_201 = arith.constant 2560 : i32
        %add3A_202 = vector.broadcast %add3A_201 : i32 to vector<16xi32>
        %add3A_203 = arith.addi %iota3A, %add3A_202 : vector<16xi32>
        %select_n3A_204 = arith.select %and3A_200, %sub3A_193, %add3A_203 : vector<16xi1>, vector<16xi32>
        %swap3A_205 = arith.constant 0 : i32
        %swap3A_206 = arith.index_cast %swap3A_205 : i32 to index
        %swap3A_207 = arith.constant 0 : index
        %swap3A_208 = tpu.vector_load %arg8[%swap3A_206, %swap3A_207] {strides = array<i32>} : memref<1x80xi32, #tpu.memory_space<vmem>>, vector<1x16xi32>,
        %swap3A_209 = vector.shape_cast %swap3A_208 : vector<1x16xi32> to vector<16xi32>
        %swap3A_210 = vector.shape_cast %select_n3A_204 : vector<16xi32> to vector<1x16xi32>
        tpu.vector_store %arg8[%swap3A_206, %swap3A_207], %swap3A_210 {strides = array<i32>} : memref<1x80xi32, #tpu.memory_space<vmem>>, vector<1x16xi32>,
        %get3A_211 = arith.index_cast %mul3A_179 : i32 to index
        %get3A_212 = arith.constant 16 : index
        %get3A_213 = tpu.vector_load %arg7[%get3A_211, %get3A_212] {strides = array<i32>} : memref<125x80xi32, #tpu.memory_space<vmem>>, vector<1x16xi32>,
        %get3A_214 = vector.shape_cast %get3A_213 : vector<1x16xi32> to vector<16xi32>
        %sub3A_215 = vector.broadcast %mul3A_24 : i32 to vector<16xi32>
        %sub3A_216 = arith.subi %get3A_214, %sub3A_215 : vector<16xi32>
        %ge3A_217 = arith.constant 0 : i32
        %ge3A_218 = vector.broadcast %ge3A_217 : i32 to vector<16xi32>
        %ge3A_219 = arith.cmpi sge, %sub3A_216, %ge3A_218 : vector<16xi32>
        %lt3A_220 = arith.constant 2560 : i32
        %lt3A_221 = vector.broadcast %lt3A_220 : i32 to vector<16xi32>
        %lt3A_222 = arith.cmpi slt, %sub3A_216, %lt3A_221 : vector<16xi32>
        %and3A_223 = arith.andi %ge3A_219, %lt3A_222 : vector<16xi1>
        %add3A_224 = arith.constant 2576 : i32
        %add3A_225 = vector.broadcast %add3A_224 : i32 to vector<16xi32>
        %add3A_226 = arith.addi %iota3A, %add3A_225 : vector<16xi32>
        %select_n3A_227 = arith.select %and3A_223, %sub3A_216, %add3A_226 : vector<16xi1>, vector<16xi32>
        %swap3A_228 = arith.constant 0 : i32
        %swap3A_229 = arith.index_cast %swap3A_228 : i32 to index
        %swap3A_230 = arith.constant 16 : index
        %swap3A_231 = tpu.vector_load %arg8[%swap3A_229, %swap3A_230] {strides = array<i32>} : memref<1x80xi32, #tpu.memory_space<vmem>>, vector<1x16xi32>,
        %swap3A_232 = vector.shape_cast %swap3A_231 : vector<1x16xi32> to vector<16xi32>
        %swap3A_233 = vector.shape_cast %select_n3A_227 : vector<16xi32> to vector<1x16xi32>
        tpu.vector_store %arg8[%swap3A_229, %swap3A_230], %swap3A_233 {strides = array<i32>} : memref<1x80xi32, #tpu.memory_space<vmem>>, vector<1x16xi32>,
        %get3A_234 = arith.index_cast %mul3A_179 : i32 to index
        %get3A_235 = arith.constant 32 : index
        %get3A_236 = tpu.vector_load %arg7[%get3A_234, %get3A_235] {strides = array<i32>} : memref<125x80xi32, #tpu.memory_space<vmem>>, vector<1x16xi32>,
        %get3A_237 = vector.shape_cast %get3A_236 : vector<1x16xi32> to vector<16xi32>
        %sub3A_238 = vector.broadcast %mul3A_24 : i32 to vector<16xi32>
        %sub3A_239 = arith.subi %get3A_237, %sub3A_238 : vector<16xi32>
        %ge3A_240 = arith.constant 0 : i32
        %ge3A_241 = vector.broadcast %ge3A_240 : i32 to vector<16xi32>
        %ge3A_242 = arith.cmpi sge, %sub3A_239, %ge3A_241 : vector<16xi32>
        %lt3A_243 = arith.constant 2560 : i32
        %lt3A_244 = vector.broadcast %lt3A_243 : i32 to vector<16xi32>
        %lt3A_245 = arith.cmpi slt, %sub3A_239, %lt3A_244 : vector<16xi32>
        %and3A_246 = arith.andi %ge3A_242, %lt3A_245 : vector<16xi1>
        %add3A_247 = arith.constant 2592 : i32
        %add3A_248 = vector.broadcast %add3A_247 : i32 to vector<16xi32>
        %add3A_249 = arith.addi %iota3A, %add3A_248 : vector<16xi32>
        %select_n3A_250 = arith.select %and3A_246, %sub3A_239, %add3A_249 : vector<16xi1>, vector<16xi32>
        %swap3A_251 = arith.constant 0 : i32
        %swap3A_252 = arith.index_cast %swap3A_251 : i32 to index
        %swap3A_253 = arith.constant 32 : index
        %swap3A_254 = tpu.vector_load %arg8[%swap3A_252, %swap3A_253] {strides = array<i32>} : memref<1x80xi32, #tpu.memory_space<vmem>>, vector<1x16xi32>,
        %swap3A_255 = vector.shape_cast %swap3A_254 : vector<1x16xi32> to vector<16xi32>
        %swap3A_256 = vector.shape_cast %select_n3A_250 : vector<16xi32> to vector<1x16xi32>
        tpu.vector_store %arg8[%swap3A_252, %swap3A_253], %swap3A_256 {strides = array<i32>} : memref<1x80xi32, #tpu.memory_space<vmem>>, vector<1x16xi32>,
        %get3A_257 = arith.index_cast %mul3A_179 : i32 to index
        %get3A_258 = arith.constant 48 : index
        %get3A_259 = tpu.vector_load %arg7[%get3A_257, %get3A_258] {strides = array<i32>} : memref<125x80xi32, #tpu.memory_space<vmem>>, vector<1x16xi32>,
        %get3A_260 = vector.shape_cast %get3A_259 : vector<1x16xi32> to vector<16xi32>
        %sub3A_261 = vector.broadcast %mul3A_24 : i32 to vector<16xi32>
        %sub3A_262 = arith.subi %get3A_260, %sub3A_261 : vector<16xi32>
        %ge3A_263 = arith.constant 0 : i32
        %ge3A_264 = vector.broadcast %ge3A_263 : i32 to vector<16xi32>
        %ge3A_265 = arith.cmpi sge, %sub3A_262, %ge3A_264 : vector<16xi32>
        %lt3A_266 = arith.constant 2560 : i32
        %lt3A_267 = vector.broadcast %lt3A_266 : i32 to vector<16xi32>
        %lt3A_268 = arith.cmpi slt, %sub3A_262, %lt3A_267 : vector<16xi32>
        %and3A_269 = arith.andi %ge3A_265, %lt3A_268 : vector<16xi1>
        %add3A_270 = arith.constant 2608 : i32
        %add3A_271 = vector.broadcast %add3A_270 : i32 to vector<16xi32>
        %add3A_272 = arith.addi %iota3A, %add3A_271 : vector<16xi32>
        %select_n3A_273 = arith.select %and3A_269, %sub3A_262, %add3A_272 : vector<16xi1>, vector<16xi32>
        %swap3A_274 = arith.constant 0 : i32
        %swap3A_275 = arith.index_cast %swap3A_274 : i32 to index
        %swap3A_276 = arith.constant 48 : index
        %swap3A_277 = tpu.vector_load %arg8[%swap3A_275, %swap3A_276] {strides = array<i32>} : memref<1x80xi32, #tpu.memory_space<vmem>>, vector<1x16xi32>,
        %swap3A_278 = vector.shape_cast %swap3A_277 : vector<1x16xi32> to vector<16xi32>
        %swap3A_279 = vector.shape_cast %select_n3A_273 : vector<16xi32> to vector<1x16xi32>
        tpu.vector_store %arg8[%swap3A_275, %swap3A_276], %swap3A_279 {strides = array<i32>} : memref<1x80xi32, #tpu.memory_space<vmem>>, vector<1x16xi32>,
        %get3A_280 = arith.index_cast %mul3A_179 : i32 to index
        %get3A_281 = arith.constant 64 : index
        %get3A_282 = tpu.vector_load %arg7[%get3A_280, %get3A_281] {strides = array<i32>} : memref<125x80xi32, #tpu.memory_space<vmem>>, vector<1x16xi32>,
        %get3A_283 = vector.shape_cast %get3A_282 : vector<1x16xi32> to vector<16xi32>
        %sub3A_284 = vector.broadcast %mul3A_24 : i32 to vector<16xi32>
        %sub3A_285 = arith.subi %get3A_283, %sub3A_284 : vector<16xi32>
        %ge3A_286 = arith.constant 0 : i32
        %ge3A_287 = vector.broadcast %ge3A_286 : i32 to vector<16xi32>
        %ge3A_288 = arith.cmpi sge, %sub3A_285, %ge3A_287 : vector<16xi32>
        %lt3A_289 = arith.constant 2560 : i32
        %lt3A_290 = vector.broadcast %lt3A_289 : i32 to vector<16xi32>
        %lt3A_291 = arith.cmpi slt, %sub3A_285, %lt3A_290 : vector<16xi32>
        %and3A_292 = arith.andi %ge3A_288, %lt3A_291 : vector<16xi1>
        %add3A_293 = arith.constant 2624 : i32
        %add3A_294 = vector.broadcast %add3A_293 : i32 to vector<16xi32>
        %add3A_295 = arith.addi %iota3A, %add3A_294 : vector<16xi32>
        %select_n3A_296 = arith.select %and3A_292, %sub3A_285, %add3A_295 : vector<16xi1>, vector<16xi32>
        %swap3A_297 = arith.constant 0 : i32
        %swap3A_298 = arith.index_cast %swap3A_297 : i32 to index
        %swap3A_299 = arith.constant 64 : index
        %swap3A_300 = tpu.vector_load %arg8[%swap3A_298, %swap3A_299] {strides = array<i32>} : memref<1x80xi32, #tpu.memory_space<vmem>>, vector<1x16xi32>,
        %swap3A_301 = vector.shape_cast %swap3A_300 : vector<1x16xi32> to vector<16xi32>
        %swap3A_302 = vector.shape_cast %select_n3A_296 : vector<16xi32> to vector<1x16xi32>
        tpu.vector_store %arg8[%swap3A_298, %swap3A_299], %swap3A_302 {strides = array<i32>} : memref<1x80xi32, #tpu.memory_space<vmem>>, vector<1x16xi32>,
        %dma_wait3A_303 = arith.constant 0 : i32
        %dma_wait3A_304 = tpu.memref_slice %arg6[%mul3A_179, %dma_wait3A_303] : memref<125x80xi32, #tpu.memory_space<vmem>> -> memref<1x80xi32, #tpu.memory_space<vmem>>
        %dma_wait3A_305 = tpu.memref_squeeze %dma_wait3A_304 : memref<1x80xi32, #tpu.memory_space<vmem>> -> memref<80xi32, #tpu.memory_space<vmem>>
        %dma_wait3A_306 = arith.constant 0 : i32
        %dma_wait3A_307 = arith.constant 0 : i32
        %dma_wait3A_308 = tpu.memref_slice %arg2[%dma_wait3A_306, %dma_wait3A_307] : memref<20000x128xf32, #tpu.memory_space<hbm>> -> memref<20000x128xf32, #tpu.memory_space<hbm>>
        tpu.wait_indirect_dma semaphore(%arg15 : memref<!tpu.dma_semaphore, #tpu.memory_space<semaphore_mem>>) src(%dma_wait3A_308 : memref<20000x128xf32, #tpu.memory_space<hbm>>) dst(%arg10 : memref<80x128xf32, #tpu.memory_space<vmem>>)
        %run_scoped3A_309 = arith.constant 0 : i32
        "tpu.region"() ({
          %run_scoped3A_445 = tpu.sem_alloc : memref<!tpu.dma_semaphore, #tpu.memory_space<semaphore_mem>>
          %dma_start3A_446 = arith.constant 0 : i32
          %dma_start3A_447 = tpu.memref_slice %arg8[%run_scoped3A_309, %dma_start3A_446] : memref<1x80xi32, #tpu.memory_space<vmem>> -> memref<1x80xi32, #tpu.memory_space<vmem>>
          %dma_start3A_448 = tpu.memref_squeeze %dma_start3A_447 : memref<1x80xi32, #tpu.memory_space<vmem>> -> memref<80xi32, #tpu.memory_space<vmem>>
          %dma_start3A_449 = arith.constant 0 : i32
          %dma_start3A_450 = arith.constant 0 : i32
          %dma_start3A_451 = tpu.memref_slice %arg14[%dma_start3A_449, %dma_start3A_450] : memref<2640x128xf32, #tpu.memory_space<vmem_shared>> -> memref<2640x128xf32, #tpu.memory_space<vmem_shared>>
          tpu.enqueue_indirect_dma source(%arg10 : memref<80x128xf32, #tpu.memory_space<vmem>>) target(%dma_start3A_451 : memref<2640x128xf32, #tpu.memory_space<vmem_shared>>) offsets(%dma_start3A_448 : memref<80xi32, #tpu.memory_space<vmem>>) semaphore(%run_scoped3A_445 : memref<!tpu.dma_semaphore, #tpu.memory_space<semaphore_mem>>) {add = true}
          %dma_wait3A_452 = arith.constant 0 : i32
          %dma_wait3A_453 = tpu.memref_slice %arg8[%run_scoped3A_309, %dma_wait3A_452] : memref<1x80xi32, #tpu.memory_space<vmem>> -> memref<1x80xi32, #tpu.memory_space<vmem>>
          %dma_wait3A_454 = tpu.memref_squeeze %dma_wait3A_453 : memref<1x80xi32, #tpu.memory_space<vmem>> -> memref<80xi32, #tpu.memory_space<vmem>>
          %dma_wait3A_455 = arith.constant 0 : i32
          %dma_wait3A_456 = arith.constant 0 : i32
          %dma_wait3A_457 = tpu.memref_slice %arg14[%dma_wait3A_455, %dma_wait3A_456] : memref<2640x128xf32, #tpu.memory_space<vmem_shared>> -> memref<2640x128xf32, #tpu.memory_space<vmem_shared>>
          tpu.wait_indirect_dma semaphore(%run_scoped3A_445 : memref<!tpu.dma_semaphore, #tpu.memory_space<semaphore_mem>>) src(%arg10 : memref<80x128xf32, #tpu.memory_space<vmem>>) dst(%dma_wait3A_457 : memref<2640x128xf32, #tpu.memory_space<vmem_shared>>)
          tpu.yield
        }) : () -> ()
        %add3A_310 = arith.constant 2 : i32
        %add3A_311 = arith.addi %mul3A_179, %add3A_310 : i32
        %dma_start3A_312 = arith.constant 0 : i32
        %dma_start3A_313 = tpu.memref_slice %arg6[%add3A_311, %dma_start3A_312] : memref<125x80xi32, #tpu.memory_space<vmem>> -> memref<1x80xi32, #tpu.memory_space<vmem>>
        %dma_start3A_314 = tpu.memref_squeeze %dma_start3A_313 : memref<1x80xi32, #tpu.memory_space<vmem>> -> memref<80xi32, #tpu.memory_space<vmem>>
        %dma_start3A_315 = arith.constant 0 : i32
        %dma_start3A_316 = arith.constant 0 : i32
        %dma_start3A_317 = tpu.memref_slice %arg2[%dma_start3A_315, %dma_start3A_316] : memref<20000x128xf32, #tpu.memory_space<hbm>> -> memref<20000x128xf32, #tpu.memory_space<hbm>>
        tpu.enqueue_indirect_dma source(%dma_start3A_317 : memref<20000x128xf32, #tpu.memory_space<hbm>>) target(%arg10 : memref<80x128xf32, #tpu.memory_space<vmem>>) offsets(%dma_start3A_314 : memref<80xi32, #tpu.memory_space<vmem>>) semaphore(%arg15 : memref<!tpu.dma_semaphore, #tpu.memory_space<semaphore_mem>>)
        %add3A_318 = arith.constant 1 : i32
        %add3A_319 = arith.addi %mul3A_179, %add3A_318 : i32
        %get3A_320 = arith.index_cast %add3A_319 : i32 to index
        %get3A_321 = arith.constant 0 : index
        %get3A_322 = tpu.vector_load %arg7[%get3A_320, %get3A_321] {strides = array<i32>} : memref<125x80xi32, #tpu.memory_space<vmem>>, vector<1x16xi32>,
        %get3A_323 = vector.shape_cast %get3A_322 : vector<1x16xi32> to vector<16xi32>
        %sub3A_324 = vector.broadcast %mul3A_24 : i32 to vector<16xi32>
        %sub3A_325 = arith.subi %get3A_323, %sub3A_324 : vector<16xi32>
        %ge3A_326 = arith.constant 0 : i32
        %ge3A_327 = vector.broadcast %ge3A_326 : i32 to vector<16xi32>
        %ge3A_328 = arith.cmpi sge, %sub3A_325, %ge3A_327 : vector<16xi32>
        %lt3A_329 = arith.constant 2560 : i32
        %lt3A_330 = vector.broadcast %lt3A_329 : i32 to vector<16xi32>
        %lt3A_331 = arith.cmpi slt, %sub3A_325, %lt3A_330 : vector<16xi32>
        %and3A_332 = arith.andi %ge3A_328, %lt3A_331 : vector<16xi1>
        %add3A_333 = arith.constant 2560 : i32
        %add3A_334 = vector.broadcast %add3A_333 : i32 to vector<16xi32>
        %add3A_335 = arith.addi %iota3A, %add3A_334 : vector<16xi32>
        %select_n3A_336 = arith.select %and3A_332, %sub3A_325, %add3A_335 : vector<16xi1>, vector<16xi32>
        %swap3A_337 = arith.constant 0 : i32
        %swap3A_338 = arith.index_cast %swap3A_337 : i32 to index
        %swap3A_339 = arith.constant 0 : index
        %swap3A_340 = tpu.vector_load %arg9[%swap3A_338, %swap3A_339] {strides = array<i32>} : memref<1x80xi32, #tpu.memory_space<vmem>>, vector<1x16xi32>,
        %swap3A_341 = vector.shape_cast %swap3A_340 : vector<1x16xi32> to vector<16xi32>
        %swap3A_342 = vector.shape_cast %select_n3A_336 : vector<16xi32> to vector<1x16xi32>
        tpu.vector_store %arg9[%swap3A_338, %swap3A_339], %swap3A_342 {strides = array<i32>} : memref<1x80xi32, #tpu.memory_space<vmem>>, vector<1x16xi32>,
        %get3A_343 = arith.index_cast %add3A_319 : i32 to index
        %get3A_344 = arith.constant 16 : index
        %get3A_345 = tpu.vector_load %arg7[%get3A_343, %get3A_344] {strides = array<i32>} : memref<125x80xi32, #tpu.memory_space<vmem>>, vector<1x16xi32>,
        %get3A_346 = vector.shape_cast %get3A_345 : vector<1x16xi32> to vector<16xi32>
        %sub3A_347 = vector.broadcast %mul3A_24 : i32 to vector<16xi32>
        %sub3A_348 = arith.subi %get3A_346, %sub3A_347 : vector<16xi32>
        %ge3A_349 = arith.constant 0 : i32
        %ge3A_350 = vector.broadcast %ge3A_349 : i32 to vector<16xi32>
        %ge3A_351 = arith.cmpi sge, %sub3A_348, %ge3A_350 : vector<16xi32>
        %lt3A_352 = arith.constant 2560 : i32
        %lt3A_353 = vector.broadcast %lt3A_352 : i32 to vector<16xi32>
        %lt3A_354 = arith.cmpi slt, %sub3A_348, %lt3A_353 : vector<16xi32>
        %and3A_355 = arith.andi %ge3A_351, %lt3A_354 : vector<16xi1>
        %add3A_356 = arith.constant 2576 : i32
        %add3A_357 = vector.broadcast %add3A_356 : i32 to vector<16xi32>
        %add3A_358 = arith.addi %iota3A, %add3A_357 : vector<16xi32>
        %select_n3A_359 = arith.select %and3A_355, %sub3A_348, %add3A_358 : vector<16xi1>, vector<16xi32>
        %swap3A_360 = arith.constant 0 : i32
        %swap3A_361 = arith.index_cast %swap3A_360 : i32 to index
        %swap3A_362 = arith.constant 16 : index
        %swap3A_363 = tpu.vector_load %arg9[%swap3A_361, %swap3A_362] {strides = array<i32>} : memref<1x80xi32, #tpu.memory_space<vmem>>, vector<1x16xi32>,
        %swap3A_364 = vector.shape_cast %swap3A_363 : vector<1x16xi32> to vector<16xi32>
        %swap3A_365 = vector.shape_cast %select_n3A_359 : vector<16xi32> to vector<1x16xi32>
        tpu.vector_store %arg9[%swap3A_361, %swap3A_362], %swap3A_365 {strides = array<i32>} : memref<1x80xi32, #tpu.memory_space<vmem>>, vector<1x16xi32>,
        %get3A_366 = arith.index_cast %add3A_319 : i32 to index
        %get3A_367 = arith.constant 32 : index
        %get3A_368 = tpu.vector_load %arg7[%get3A_366, %get3A_367] {strides = array<i32>} : memref<125x80xi32, #tpu.memory_space<vmem>>, vector<1x16xi32>,
        %get3A_369 = vector.shape_cast %get3A_368 : vector<1x16xi32> to vector<16xi32>
        %sub3A_370 = vector.broadcast %mul3A_24 : i32 to vector<16xi32>
        %sub3A_371 = arith.subi %get3A_369, %sub3A_370 : vector<16xi32>
        %ge3A_372 = arith.constant 0 : i32
        %ge3A_373 = vector.broadcast %ge3A_372 : i32 to vector<16xi32>
        %ge3A_374 = arith.cmpi sge, %sub3A_371, %ge3A_373 : vector<16xi32>
        %lt3A_375 = arith.constant 2560 : i32
        %lt3A_376 = vector.broadcast %lt3A_375 : i32 to vector<16xi32>
        %lt3A_377 = arith.cmpi slt, %sub3A_371, %lt3A_376 : vector<16xi32>
        %and3A_378 = arith.andi %ge3A_374, %lt3A_377 : vector<16xi1>
        %add3A_379 = arith.constant 2592 : i32
        %add3A_380 = vector.broadcast %add3A_379 : i32 to vector<16xi32>
        %add3A_381 = arith.addi %iota3A, %add3A_380 : vector<16xi32>
        %select_n3A_382 = arith.select %and3A_378, %sub3A_371, %add3A_381 : vector<16xi1>, vector<16xi32>
        %swap3A_383 = arith.constant 0 : i32
        %swap3A_384 = arith.index_cast %swap3A_383 : i32 to index
        %swap3A_385 = arith.constant 32 : index
        %swap3A_386 = tpu.vector_load %arg9[%swap3A_384, %swap3A_385] {strides = array<i32>} : memref<1x80xi32, #tpu.memory_space<vmem>>, vector<1x16xi32>,
        %swap3A_387 = vector.shape_cast %swap3A_386 : vector<1x16xi32> to vector<16xi32>
        %swap3A_388 = vector.shape_cast %select_n3A_382 : vector<16xi32> to vector<1x16xi32>
        tpu.vector_store %arg9[%swap3A_384, %swap3A_385], %swap3A_388 {strides = array<i32>} : memref<1x80xi32, #tpu.memory_space<vmem>>, vector<1x16xi32>,
        %get3A_389 = arith.index_cast %add3A_319 : i32 to index
        %get3A_390 = arith.constant 48 : index
        %get3A_391 = tpu.vector_load %arg7[%get3A_389, %get3A_390] {strides = array<i32>} : memref<125x80xi32, #tpu.memory_space<vmem>>, vector<1x16xi32>,
        %get3A_392 = vector.shape_cast %get3A_391 : vector<1x16xi32> to vector<16xi32>
        %sub3A_393 = vector.broadcast %mul3A_24 : i32 to vector<16xi32>
        %sub3A_394 = arith.subi %get3A_392, %sub3A_393 : vector<16xi32>
        %ge3A_395 = arith.constant 0 : i32
        %ge3A_396 = vector.broadcast %ge3A_395 : i32 to vector<16xi32>
        %ge3A_397 = arith.cmpi sge, %sub3A_394, %ge3A_396 : vector<16xi32>
        %lt3A_398 = arith.constant 2560 : i32
        %lt3A_399 = vector.broadcast %lt3A_398 : i32 to vector<16xi32>
        %lt3A_400 = arith.cmpi slt, %sub3A_394, %lt3A_399 : vector<16xi32>
        %and3A_401 = arith.andi %ge3A_397, %lt3A_400 : vector<16xi1>
        %add3A_402 = arith.constant 2608 : i32
        %add3A_403 = vector.broadcast %add3A_402 : i32 to vector<16xi32>
        %add3A_404 = arith.addi %iota3A, %add3A_403 : vector<16xi32>
        %select_n3A_405 = arith.select %and3A_401, %sub3A_394, %add3A_404 : vector<16xi1>, vector<16xi32>
        %swap3A_406 = arith.constant 0 : i32
        %swap3A_407 = arith.index_cast %swap3A_406 : i32 to index
        %swap3A_408 = arith.constant 48 : index
        %swap3A_409 = tpu.vector_load %arg9[%swap3A_407, %swap3A_408] {strides = array<i32>} : memref<1x80xi32, #tpu.memory_space<vmem>>, vector<1x16xi32>,
        %swap3A_410 = vector.shape_cast %swap3A_409 : vector<1x16xi32> to vector<16xi32>
        %swap3A_411 = vector.shape_cast %select_n3A_405 : vector<16xi32> to vector<1x16xi32>
        tpu.vector_store %arg9[%swap3A_407, %swap3A_408], %swap3A_411 {strides = array<i32>} : memref<1x80xi32, #tpu.memory_space<vmem>>, vector<1x16xi32>,
        %get3A_412 = arith.index_cast %add3A_319 : i32 to index
        %get3A_413 = arith.constant 64 : index
        %get3A_414 = tpu.vector_load %arg7[%get3A_412, %get3A_413] {strides = array<i32>} : memref<125x80xi32, #tpu.memory_space<vmem>>, vector<1x16xi32>,
        %get3A_415 = vector.shape_cast %get3A_414 : vector<1x16xi32> to vector<16xi32>
        %sub3A_416 = vector.broadcast %mul3A_24 : i32 to vector<16xi32>
        %sub3A_417 = arith.subi %get3A_415, %sub3A_416 : vector<16xi32>
        %ge3A_418 = arith.constant 0 : i32
        %ge3A_419 = vector.broadcast %ge3A_418 : i32 to vector<16xi32>
        %ge3A_420 = arith.cmpi sge, %sub3A_417, %ge3A_419 : vector<16xi32>
        %lt3A_421 = arith.constant 2560 : i32
        %lt3A_422 = vector.broadcast %lt3A_421 : i32 to vector<16xi32>
        %lt3A_423 = arith.cmpi slt, %sub3A_417, %lt3A_422 : vector<16xi32>
        %and3A_424 = arith.andi %ge3A_420, %lt3A_423 : vector<16xi1>
        %add3A_425 = arith.constant 2624 : i32
        %add3A_426 = vector.broadcast %add3A_425 : i32 to vector<16xi32>
        %add3A_427 = arith.addi %iota3A, %add3A_426 : vector<16xi32>
        %select_n3A_428 = arith.select %and3A_424, %sub3A_417, %add3A_427 : vector<16xi1>, vector<16xi32>
        %swap3A_429 = arith.constant 0 : i32
        %swap3A_430 = arith.index_cast %swap3A_429 : i32 to index
        %swap3A_431 = arith.constant 64 : index
        %swap3A_432 = tpu.vector_load %arg9[%swap3A_430, %swap3A_431] {strides = array<i32>} : memref<1x80xi32, #tpu.memory_space<vmem>>, vector<1x16xi32>,
        %swap3A_433 = vector.shape_cast %swap3A_432 : vector<1x16xi32> to vector<16xi32>
        %swap3A_434 = vector.shape_cast %select_n3A_428 : vector<16xi32> to vector<1x16xi32>
        tpu.vector_store %arg9[%swap3A_430, %swap3A_431], %swap3A_434 {strides = array<i32>} : memref<1x80xi32, #tpu.memory_space<vmem>>, vector<1x16xi32>,
        %add3A_435 = arith.constant 1 : i32
        %add3A_436 = arith.addi %mul3A_179, %add3A_435 : i32
        %dma_wait3A_437 = arith.constant 0 : i32
        %dma_wait3A_438 = tpu.memref_slice %arg6[%add3A_436, %dma_wait3A_437] : memref<125x80xi32, #tpu.memory_space<vmem>> -> memref<1x80xi32, #tpu.memory_space<vmem>>
        %dma_wait3A_439 = tpu.memref_squeeze %dma_wait3A_438 : memref<1x80xi32, #tpu.memory_space<vmem>> -> memref<80xi32, #tpu.memory_space<vmem>>
        %dma_wait3A_440 = arith.constant 0 : i32
        %dma_wait3A_441 = arith.constant 0 : i32
        %dma_wait3A_442 = tpu.memref_slice %arg2[%dma_wait3A_440, %dma_wait3A_441] : memref<20000x128xf32, #tpu.memory_space<hbm>> -> memref<20000x128xf32, #tpu.memory_space<hbm>>
        tpu.wait_indirect_dma semaphore(%arg16 : memref<!tpu.dma_semaphore, #tpu.memory_space<semaphore_mem>>) src(%dma_wait3A_442 : memref<20000x128xf32, #tpu.memory_space<hbm>>) dst(%arg11 : memref<80x128xf32, #tpu.memory_space<vmem>>)
        %run_scoped3A_443 = arith.constant 0 : i32
        "tpu.region"() ({
          %run_scoped3A_445 = tpu.sem_alloc : memref<!tpu.dma_semaphore, #tpu.memory_space<semaphore_mem>>
          %dma_start3A_446 = arith.constant 0 : i32
          %dma_start3A_447 = tpu.memref_slice %arg9[%run_scoped3A_443, %dma_start3A_446] : memref<1x80xi32, #tpu.memory_space<vmem>> -> memref<1x80xi32, #tpu.memory_space<vmem>>
          %dma_start3A_448 = tpu.memref_squeeze %dma_start3A_447 : memref<1x80xi32, #tpu.memory_space<vmem>> -> memref<80xi32, #tpu.memory_space<vmem>>
          %dma_start3A_449 = arith.constant 0 : i32
          %dma_start3A_450 = arith.constant 0 : i32
          %dma_start3A_451 = tpu.memref_slice %arg14[%dma_start3A_449, %dma_start3A_450] : memref<2640x128xf32, #tpu.memory_space<vmem_shared>> -> memref<2640x128xf32, #tpu.memory_space<vmem_shared>>
          tpu.enqueue_indirect_dma source(%arg11 : memref<80x128xf32, #tpu.memory_space<vmem>>) target(%dma_start3A_451 : memref<2640x128xf32, #tpu.memory_space<vmem_shared>>) offsets(%dma_start3A_448 : memref<80xi32, #tpu.memory_space<vmem>>) semaphore(%run_scoped3A_445 : memref<!tpu.dma_semaphore, #tpu.memory_space<semaphore_mem>>) {add = true}
          %dma_wait3A_452 = arith.constant 0 : i32
          %dma_wait3A_453 = tpu.memref_slice %arg9[%run_scoped3A_443, %dma_wait3A_452] : memref<1x80xi32, #tpu.memory_space<vmem>> -> memref<1x80xi32, #tpu.memory_space<vmem>>
          %dma_wait3A_454 = tpu.memref_squeeze %dma_wait3A_453 : memref<1x80xi32, #tpu.memory_space<vmem>> -> memref<80xi32, #tpu.memory_space<vmem>>
          %dma_wait3A_455 = arith.constant 0 : i32
          %dma_wait3A_456 = arith.constant 0 : i32
          %dma_wait3A_457 = tpu.memref_slice %arg14[%dma_wait3A_455, %dma_wait3A_456] : memref<2640x128xf32, #tpu.memory_space<vmem_shared>> -> memref<2640x128xf32, #tpu.memory_space<vmem_shared>>
          tpu.wait_indirect_dma semaphore(%run_scoped3A_445 : memref<!tpu.dma_semaphore, #tpu.memory_space<semaphore_mem>>) src(%arg11 : memref<80x128xf32, #tpu.memory_space<vmem>>) dst(%dma_wait3A_457 : memref<2640x128xf32, #tpu.memory_space<vmem_shared>>)
          tpu.yield
        }) : () -> ()
        %scan3A_444 = arith.constant 0 : i32
        scf.yield %scan3A_444 : i32
      }
      %scan3A_45 = arith.constant 62 : i32
      %get3A = arith.constant 124 : i32
      %get3A_46 = arith.index_cast %get3A : i32 to index
      %get3A_47 = arith.constant 0 : index
      %get3A_48 = tpu.vector_load %arg7[%get3A_46, %get3A_47] {strides = array<i32>} : memref<125x80xi32, #tpu.memory_space<vmem>>, vector<1x16xi32>,
      %get3A_49 = vector.shape_cast %get3A_48 : vector<1x16xi32> to vector<16xi32>
      %sub3A = vector.broadcast %mul3A_24 : i32 to vector<16xi32>
      %sub3A_50 = arith.subi %get3A_49, %sub3A : vector<16xi32>
      %ge3A = arith.constant 0 : i32
      %ge3A_51 = vector.broadcast %ge3A : i32 to vector<16xi32>
      %ge3A_52 = arith.cmpi sge, %sub3A_50, %ge3A_51 : vector<16xi32>
      %lt3A = arith.constant 2560 : i32
      %lt3A_53 = vector.broadcast %lt3A : i32 to vector<16xi32>
      %lt3A_54 = arith.cmpi slt, %sub3A_50, %lt3A_53 : vector<16xi32>
      %and3A = arith.andi %ge3A_52, %lt3A_54 : vector<16xi1>
      %add3A_55 = arith.constant 2560 : i32
      %add3A_56 = vector.broadcast %add3A_55 : i32 to vector<16xi32>
      %add3A_57 = arith.addi %iota3A, %add3A_56 : vector<16xi32>
      %select_n3A = arith.select %and3A, %sub3A_50, %add3A_57 : vector<16xi1>, vector<16xi32>
      %swap3A = arith.constant 0 : i32
      %swap3A_58 = arith.index_cast %swap3A : i32 to index
      %swap3A_59 = arith.constant 0 : index
      %swap3A_60 = tpu.vector_load %arg8[%swap3A_58, %swap3A_59] {strides = array<i32>} : memref<1x80xi32, #tpu.memory_space<vmem>>, vector<1x16xi32>,
      %swap3A_61 = vector.shape_cast %swap3A_60 : vector<1x16xi32> to vector<16xi32>
      %swap3A_62 = vector.shape_cast %select_n3A : vector<16xi32> to vector<1x16xi32>
      tpu.vector_store %arg8[%swap3A_58, %swap3A_59], %swap3A_62 {strides = array<i32>} : memref<1x80xi32, #tpu.memory_space<vmem>>, vector<1x16xi32>,
      %get3A_63 = arith.constant 124 : i32
      %get3A_64 = arith.index_cast %get3A_63 : i32 to index
      %get3A_65 = arith.constant 16 : index
      %get3A_66 = tpu.vector_load %arg7[%get3A_64, %get3A_65] {strides = array<i32>} : memref<125x80xi32, #tpu.memory_space<vmem>>, vector<1x16xi32>,
      %get3A_67 = vector.shape_cast %get3A_66 : vector<1x16xi32> to vector<16xi32>
      %sub3A_68 = vector.broadcast %mul3A_24 : i32 to vector<16xi32>
      %sub3A_69 = arith.subi %get3A_67, %sub3A_68 : vector<16xi32>
      %ge3A_70 = arith.constant 0 : i32
      %ge3A_71 = vector.broadcast %ge3A_70 : i32 to vector<16xi32>
      %ge3A_72 = arith.cmpi sge, %sub3A_69, %ge3A_71 : vector<16xi32>
      %lt3A_73 = arith.constant 2560 : i32
      %lt3A_74 = vector.broadcast %lt3A_73 : i32 to vector<16xi32>
      %lt3A_75 = arith.cmpi slt, %sub3A_69, %lt3A_74 : vector<16xi32>
      %and3A_76 = arith.andi %ge3A_72, %lt3A_75 : vector<16xi1>
      %add3A_77 = arith.constant 2576 : i32
      %add3A_78 = vector.broadcast %add3A_77 : i32 to vector<16xi32>
      %add3A_79 = arith.addi %iota3A, %add3A_78 : vector<16xi32>
      %select_n3A_80 = arith.select %and3A_76, %sub3A_69, %add3A_79 : vector<16xi1>, vector<16xi32>
      %swap3A_81 = arith.constant 0 : i32
      %swap3A_82 = arith.index_cast %swap3A_81 : i32 to index
      %swap3A_83 = arith.constant 16 : index
      %swap3A_84 = tpu.vector_load %arg8[%swap3A_82, %swap3A_83] {strides = array<i32>} : memref<1x80xi32, #tpu.memory_space<vmem>>, vector<1x16xi32>,
      %swap3A_85 = vector.shape_cast %swap3A_84 : vector<1x16xi32> to vector<16xi32>
      %swap3A_86 = vector.shape_cast %select_n3A_80 : vector<16xi32> to vector<1x16xi32>
      tpu.vector_store %arg8[%swap3A_82, %swap3A_83], %swap3A_86 {strides = array<i32>} : memref<1x80xi32, #tpu.memory_space<vmem>>, vector<1x16xi32>,
      %get3A_87 = arith.constant 124 : i32
      %get3A_88 = arith.index_cast %get3A_87 : i32 to index
      %get3A_89 = arith.constant 32 : index
      %get3A_90 = tpu.vector_load %arg7[%get3A_88, %get3A_89] {strides = array<i32>} : memref<125x80xi32, #tpu.memory_space<vmem>>, vector<1x16xi32>,
      %get3A_91 = vector.shape_cast %get3A_90 : vector<1x16xi32> to vector<16xi32>
      %sub3A_92 = vector.broadcast %mul3A_24 : i32 to vector<16xi32>
      %sub3A_93 = arith.subi %get3A_91, %sub3A_92 : vector<16xi32>
      %ge3A_94 = arith.constant 0 : i32
      %ge3A_95 = vector.broadcast %ge3A_94 : i32 to vector<16xi32>
      %ge3A_96 = arith.cmpi sge, %sub3A_93, %ge3A_95 : vector<16xi32>
      %lt3A_97 = arith.constant 2560 : i32
      %lt3A_98 = vector.broadcast %lt3A_97 : i32 to vector<16xi32>
      %lt3A_99 = arith.cmpi slt, %sub3A_93, %lt3A_98 : vector<16xi32>
      %and3A_100 = arith.andi %ge3A_96, %lt3A_99 : vector<16xi1>
      %add3A_101 = arith.constant 2592 : i32
      %add3A_102 = vector.broadcast %add3A_101 : i32 to vector<16xi32>
      %add3A_103 = arith.addi %iota3A, %add3A_102 : vector<16xi32>
      %select_n3A_104 = arith.select %and3A_100, %sub3A_93, %add3A_103 : vector<16xi1>, vector<16xi32>
      %swap3A_105 = arith.constant 0 : i32
      %swap3A_106 = arith.index_cast %swap3A_105 : i32 to index
      %swap3A_107 = arith.constant 32 : index
      %swap3A_108 = tpu.vector_load %arg8[%swap3A_106, %swap3A_107] {strides = array<i32>} : memref<1x80xi32, #tpu.memory_space<vmem>>, vector<1x16xi32>,
      %swap3A_109 = vector.shape_cast %swap3A_108 : vector<1x16xi32> to vector<16xi32>
      %swap3A_110 = vector.shape_cast %select_n3A_104 : vector<16xi32> to vector<1x16xi32>
      tpu.vector_store %arg8[%swap3A_106, %swap3A_107], %swap3A_110 {strides = array<i32>} : memref<1x80xi32, #tpu.memory_space<vmem>>, vector<1x16xi32>,
      %get3A_111 = arith.constant 124 : i32
      %get3A_112 = arith.index_cast %get3A_111 : i32 to index
      %get3A_113 = arith.constant 48 : index
      %get3A_114 = tpu.vector_load %arg7[%get3A_112, %get3A_113] {strides = array<i32>} : memref<125x80xi32, #tpu.memory_space<vmem>>, vector<1x16xi32>,
      %get3A_115 = vector.shape_cast %get3A_114 : vector<1x16xi32> to vector<16xi32>
      %sub3A_116 = vector.broadcast %mul3A_24 : i32 to vector<16xi32>
      %sub3A_117 = arith.subi %get3A_115, %sub3A_116 : vector<16xi32>
      %ge3A_118 = arith.constant 0 : i32
      %ge3A_119 = vector.broadcast %ge3A_118 : i32 to vector<16xi32>
      %ge3A_120 = arith.cmpi sge, %sub3A_117, %ge3A_119 : vector<16xi32>
      %lt3A_121 = arith.constant 2560 : i32
      %lt3A_122 = vector.broadcast %lt3A_121 : i32 to vector<16xi32>
      %lt3A_123 = arith.cmpi slt, %sub3A_117, %lt3A_122 : vector<16xi32>
      %and3A_124 = arith.andi %ge3A_120, %lt3A_123 : vector<16xi1>
      %add3A_125 = arith.constant 2608 : i32
      %add3A_126 = vector.broadcast %add3A_125 : i32 to vector<16xi32>
      %add3A_127 = arith.addi %iota3A, %add3A_126 : vector<16xi32>
      %select_n3A_128 = arith.select %and3A_124, %sub3A_117, %add3A_127 : vector<16xi1>, vector<16xi32>
      %swap3A_129 = arith.constant 0 : i32
      %swap3A_130 = arith.index_cast %swap3A_129 : i32 to index
      %swap3A_131 = arith.constant 48 : index
      %swap3A_132 = tpu.vector_load %arg8[%swap3A_130, %swap3A_131] {strides = array<i32>} : memref<1x80xi32, #tpu.memory_space<vmem>>, vector<1x16xi32>,
      %swap3A_133 = vector.shape_cast %swap3A_132 : vector<1x16xi32> to vector<16xi32>
      %swap3A_134 = vector.shape_cast %select_n3A_128 : vector<16xi32> to vector<1x16xi32>
      tpu.vector_store %arg8[%swap3A_130, %swap3A_131], %swap3A_134 {strides = array<i32>} : memref<1x80xi32, #tpu.memory_space<vmem>>, vector<1x16xi32>,
      %get3A_135 = arith.constant 124 : i32
      %get3A_136 = arith.index_cast %get3A_135 : i32 to index
      %get3A_137 = arith.constant 64 : index
      %get3A_138 = tpu.vector_load %arg7[%get3A_136, %get3A_137] {strides = array<i32>} : memref<125x80xi32, #tpu.memory_space<vmem>>, vector<1x16xi32>,
      %get3A_139 = vector.shape_cast %get3A_138 : vector<1x16xi32> to vector<16xi32>
      %sub3A_140 = vector.broadcast %mul3A_24 : i32 to vector<16xi32>
      %sub3A_141 = arith.subi %get3A_139, %sub3A_140 : vector<16xi32>
      %ge3A_142 = arith.constant 0 : i32
      %ge3A_143 = vector.broadcast %ge3A_142 : i32 to vector<16xi32>
      %ge3A_144 = arith.cmpi sge, %sub3A_141, %ge3A_143 : vector<16xi32>
      %lt3A_145 = arith.constant 2560 : i32
      %lt3A_146 = vector.broadcast %lt3A_145 : i32 to vector<16xi32>
      %lt3A_147 = arith.cmpi slt, %sub3A_141, %lt3A_146 : vector<16xi32>
      %and3A_148 = arith.andi %ge3A_144, %lt3A_147 : vector<16xi1>
      %add3A_149 = arith.constant 2624 : i32
      %add3A_150 = vector.broadcast %add3A_149 : i32 to vector<16xi32>
      %add3A_151 = arith.addi %iota3A, %add3A_150 : vector<16xi32>
      %select_n3A_152 = arith.select %and3A_148, %sub3A_141, %add3A_151 : vector<16xi1>, vector<16xi32>
      %swap3A_153 = arith.constant 0 : i32
      %swap3A_154 = arith.index_cast %swap3A_153 : i32 to index
      %swap3A_155 = arith.constant 64 : index
      %swap3A_156 = tpu.vector_load %arg8[%swap3A_154, %swap3A_155] {strides = array<i32>} : memref<1x80xi32, #tpu.memory_space<vmem>>, vector<1x16xi32>,
      %swap3A_157 = vector.shape_cast %swap3A_156 : vector<1x16xi32> to vector<16xi32>
      %swap3A_158 = vector.shape_cast %select_n3A_152 : vector<16xi32> to vector<1x16xi32>
      tpu.vector_store %arg8[%swap3A_154, %swap3A_155], %swap3A_158 {strides = array<i32>} : memref<1x80xi32, #tpu.memory_space<vmem>>, vector<1x16xi32>,
      %dma_wait3A = arith.constant 124 : i32
      %dma_wait3A_159 = arith.constant 0 : i32
      %dma_wait3A_160 = tpu.memref_slice %arg6[%dma_wait3A, %dma_wait3A_159] : memref<125x80xi32, #tpu.memory_space<vmem>> -> memref<1x80xi32, #tpu.memory_space<vmem>>
      %dma_wait3A_161 = tpu.memref_squeeze %dma_wait3A_160 : memref<1x80xi32, #tpu.memory_space<vmem>> -> memref<80xi32, #tpu.memory_space<vmem>>
      %dma_wait3A_162 = arith.constant 0 : i32
      %dma_wait3A_163 = arith.constant 0 : i32
      %dma_wait3A_164 = tpu.memref_slice %arg2[%dma_wait3A_162, %dma_wait3A_163] : memref<20000x128xf32, #tpu.memory_space<hbm>> -> memref<20000x128xf32, #tpu.memory_space<hbm>>
      tpu.wait_indirect_dma semaphore(%arg15 : memref<!tpu.dma_semaphore, #tpu.memory_space<semaphore_mem>>) src(%dma_wait3A_164 : memref<20000x128xf32, #tpu.memory_space<hbm>>) dst(%arg10 : memref<80x128xf32, #tpu.memory_space<vmem>>)
      %run_scoped3A = arith.constant 0 : i32
      "tpu.region"() ({
        %run_scoped3A_176 = tpu.sem_alloc : memref<!tpu.dma_semaphore, #tpu.memory_space<semaphore_mem>>
        %dma_start3A_177 = arith.constant 0 : i32
        %dma_start3A_178 = tpu.memref_slice %arg8[%run_scoped3A, %dma_start3A_177] : memref<1x80xi32, #tpu.memory_space<vmem>> -> memref<1x80xi32, #tpu.memory_space<vmem>>
        %dma_start3A_179 = tpu.memref_squeeze %dma_start3A_178 : memref<1x80xi32, #tpu.memory_space<vmem>> -> memref<80xi32, #tpu.memory_space<vmem>>
        %dma_start3A_180 = arith.constant 0 : i32
        %dma_start3A_181 = arith.constant 0 : i32
        %dma_start3A_182 = tpu.memref_slice %arg14[%dma_start3A_180, %dma_start3A_181] : memref<2640x128xf32, #tpu.memory_space<vmem_shared>> -> memref<2640x128xf32, #tpu.memory_space<vmem_shared>>
        tpu.enqueue_indirect_dma source(%arg10 : memref<80x128xf32, #tpu.memory_space<vmem>>) target(%dma_start3A_182 : memref<2640x128xf32, #tpu.memory_space<vmem_shared>>) offsets(%dma_start3A_179 : memref<80xi32, #tpu.memory_space<vmem>>) semaphore(%run_scoped3A_176 : memref<!tpu.dma_semaphore, #tpu.memory_space<semaphore_mem>>) {add = true}
        %dma_wait3A_183 = arith.constant 0 : i32
        %dma_wait3A_184 = tpu.memref_slice %arg8[%run_scoped3A, %dma_wait3A_183] : memref<1x80xi32, #tpu.memory_space<vmem>> -> memref<1x80xi32, #tpu.memory_space<vmem>>
        %dma_wait3A_185 = tpu.memref_squeeze %dma_wait3A_184 : memref<1x80xi32, #tpu.memory_space<vmem>> -> memref<80xi32, #tpu.memory_space<vmem>>
        %dma_wait3A_186 = arith.constant 0 : i32
        %dma_wait3A_187 = arith.constant 0 : i32
        %dma_wait3A_188 = tpu.memref_slice %arg14[%dma_wait3A_186, %dma_wait3A_187] : memref<2640x128xf32, #tpu.memory_space<vmem_shared>> -> memref<2640x128xf32, #tpu.memory_space<vmem_shared>>
        tpu.wait_indirect_dma semaphore(%run_scoped3A_176 : memref<!tpu.dma_semaphore, #tpu.memory_space<semaphore_mem>>) src(%arg10 : memref<80x128xf32, #tpu.memory_space<vmem>>) dst(%dma_wait3A_188 : memref<2640x128xf32, #tpu.memory_space<vmem_shared>>)
        tpu.yield
      }) : () -> ()
      %barrier3A_165 = arith.constant 0 : index
      tpu.barrier barrier_id(%barrier3A_165)
      %mul3A_166 = arith.constant 160 : i32
      %mul3A_167 = arith.muli %arg1, %mul3A_166 : i32
      "tpu.region"() ({
        %run_scoped3A_176 = tpu.sem_alloc : memref<!tpu.dma_semaphore, #tpu.memory_space<semaphore_mem>>
        %dma_start3A_177 = arith.constant 0 : i32
        %dma_start3A_178 = tpu.memref_slice %arg14[%mul3A_167, %dma_start3A_177] : memref<2640x128xf32, #tpu.memory_space<vmem_shared>> -> memref<160x128xf32, #tpu.memory_space<vmem_shared>>
        %dma_start3A_179 = arith.constant 0 : i32
        %dma_start3A_180 = tpu.memref_slice %arg14[%mul3A_167, %dma_start3A_179] : memref<2640x128xf32, #tpu.memory_space<vmem_shared>> -> memref<160x128xf32, #tpu.memory_space<vmem_shared>>
        tpu.enqueue_dma source(%dma_start3A_180 : memref<160x128xf32, #tpu.memory_space<vmem_shared>>) target(%arg13 : memref<160x128xf32, #tpu.memory_space<vmem>>) target_semaphore(%run_scoped3A_176 : memref<!tpu.dma_semaphore, #tpu.memory_space<semaphore_mem>>)
        %dma_wait3A_181 = arith.constant 0 : i32
        %dma_wait3A_182 = tpu.memref_slice %arg14[%mul3A_167, %dma_wait3A_181] : memref<2640x128xf32, #tpu.memory_space<vmem_shared>> -> memref<160x128xf32, #tpu.memory_space<vmem_shared>>
        %dma_wait3A_183 = arith.constant 0 : i32
        %dma_wait3A_184 = tpu.memref_slice %arg14[%mul3A_167, %dma_wait3A_183] : memref<2640x128xf32, #tpu.memory_space<vmem_shared>> -> memref<160x128xf32, #tpu.memory_space<vmem_shared>>
        tpu.wait_dma2 semaphore(%run_scoped3A_176 : memref<!tpu.dma_semaphore, #tpu.memory_space<semaphore_mem>>) src(%dma_wait3A_184 : memref<160x128xf32, #tpu.memory_space<vmem_shared>>) dst(%arg13 : memref<160x128xf32, #tpu.memory_space<vmem>>)
        tpu.yield
      }) : () -> ()
      %mul3A_168 = arith.constant 10240 : i32
      %mul3A_169 = arith.muli %arg0, %mul3A_168 : i32
      %add3A_170 = arith.addi %mul3A_169, %mul3A_24 : i32
      %mul3A_171 = arith.constant 160 : i32
      %mul3A_172 = arith.muli %arg1, %mul3A_171 : i32
      %add3A_173 = arith.addi %add3A_170, %mul3A_172 : i32
      "tpu.region"() ({
        %run_scoped3A_176 = tpu.sem_alloc : memref<!tpu.dma_semaphore, #tpu.memory_space<semaphore_mem>>
        %dma_start3A_177 = arith.constant 0 : i32
        %dma_start3A_178 = tpu.memref_slice %arg5[%add3A_173, %dma_start3A_177] : memref<20480x128xf32, #tpu.memory_space<hbm>> -> memref<160x128xf32, #tpu.memory_space<hbm>>
        %dma_start3A_179 = arith.constant 0 : i32
        %dma_start3A_180 = tpu.memref_slice %arg5[%add3A_173, %dma_start3A_179] : memref<20480x128xf32, #tpu.memory_space<hbm>> -> memref<160x128xf32, #tpu.memory_space<hbm>>
        tpu.enqueue_dma source(%arg13 : memref<160x128xf32, #tpu.memory_space<vmem>>) target(%dma_start3A_180 : memref<160x128xf32, #tpu.memory_space<hbm>>) target_semaphore(%run_scoped3A_176 : memref<!tpu.dma_semaphore, #tpu.memory_space<semaphore_mem>>)
        %dma_wait3A_181 = arith.constant 0 : i32
        %dma_wait3A_182 = tpu.memref_slice %arg5[%add3A_173, %dma_wait3A_181] : memref<20480x128xf32, #tpu.memory_space<hbm>> -> memref<160x128xf32, #tpu.memory_space<hbm>>
        %dma_wait3A_183 = arith.constant 0 : i32
        %dma_wait3A_184 = tpu.memref_slice %arg5[%add3A_173, %dma_wait3A_183] : memref<20480x128xf32, #tpu.memory_space<hbm>> -> memref<160x128xf32, #tpu.memory_space<hbm>>
        tpu.wait_dma2 semaphore(%run_scoped3A_176 : memref<!tpu.dma_semaphore, #tpu.memory_space<semaphore_mem>>) src(%arg13 : memref<160x128xf32, #tpu.memory_space<vmem>>) dst(%dma_wait3A_184 : memref<160x128xf32, #tpu.memory_space<hbm>>)
        tpu.yield
      }) : () -> ()
      %barrier3A_174 = arith.constant 0 : index
      tpu.barrier barrier_id(%barrier3A_174)
      %scan3A_175 = arith.constant 0 : i32
      scf.yield %scan3A_175 : i32
    }
    %scan3A_20 = arith.constant 4 : i32
    return
  }
}

module attributes {stable_mosaic.version = 14 : i64} {
  func.func @_mlp_body(%arg0: i32, %arg1: memref<400x256xf32, #tpu.memory_space<vmem>>, %arg2: memref<2x400x128xf32, #tpu.memory_space<vmem>>, %arg3: memref<256x256xf32, #tpu.memory_space<vmem>>, %arg4: memref<1x256xf32, #tpu.memory_space<vmem>>, %arg5: memref<256x256xf32, #tpu.memory_space<vmem>>, %arg6: memref<1x256xf32, #tpu.memory_space<vmem>>, %arg7: memref<400x256xf32, #tpu.memory_space<vmem>>, %arg8: memref<8x256xf32, #tpu.memory_space<vmem>>) attributes {dimension_semantics = [#tpu.dimension_semantics<arbitrary>], iteration_bounds = array<i64: 25>, scalar_prefetch = 0 : i64, scratch_operands = 0 : i64, tpu.core_type = #tpu.core_type<tc>, window_params = [{transform_indices = @transform_0, window_bounds = array<i64: 400, 256>}, {transform_indices = @transform_1, window_bounds = array<i64: 2, 400, 128>}, {pipeline_mode = #tpu.pipeline_mode<synchronous>, transform_indices = @transform_2, window_bounds = array<i64: 256, 256>}, {pipeline_mode = #tpu.pipeline_mode<synchronous>, transform_indices = @transform_3, window_bounds = array<i64: 1, 256>}, {pipeline_mode = #tpu.pipeline_mode<synchronous>, transform_indices = @transform_4, window_bounds = array<i64: 256, 256>}, {pipeline_mode = #tpu.pipeline_mode<synchronous>, transform_indices = @transform_5, window_bounds = array<i64: 1, 256>}, {transform_indices = @transform_6, window_bounds = array<i64: 400, 256>}, {pipeline_mode = #tpu.pipeline_mode<synchronous>, transform_indices = @transform_7, window_bounds = array<i64: 8, 256>}]} {
    %get3A = arith.constant 0 : index
    %get3A_0 = arith.constant 0 : index
    %get3A_1 = arith.constant 0 : index
    %get3A_2 = vector.load %arg2[%get3A, %get3A_0, %get3A_1] : memref<2x400x128xf32, #tpu.memory_space<vmem>>, vector<1x400x128xf32>
    %get3A_3 = vector.shape_cast %get3A_2 : vector<1x400x128xf32> to vector<400x128xf32>
    %get3A_4 = arith.constant 1 : index
    %get3A_5 = arith.constant 0 : index
    %get3A_6 = arith.constant 0 : index
    %get3A_7 = vector.load %arg2[%get3A_4, %get3A_5, %get3A_6] : memref<2x400x128xf32, #tpu.memory_space<vmem>>, vector<1x400x128xf32>
    %get3A_8 = vector.shape_cast %get3A_7 : vector<1x400x128xf32> to vector<400x128xf32>
    %concatenate3A = tpu.concatenate %get3A_3, %get3A_8 in 1 : vector<400x128xf32>, vector<400x128xf32> -> vector<400x256xf32>
    %get3A_9 = arith.constant 0 : index
    %get3A_10 = arith.constant 0 : index
    %get3A_11 = vector.load %arg1[%get3A_9, %get3A_10] : memref<400x256xf32, #tpu.memory_space<vmem>>, vector<400x256xf32>
    %add3A = arith.addf %get3A_11, %concatenate3A : vector<400x256xf32>
    %get3A_12 = arith.constant 0 : index
    %get3A_13 = arith.constant 0 : index
    %get3A_14 = vector.load %arg3[%get3A_12, %get3A_13] : memref<256x256xf32, #tpu.memory_space<vmem>>, vector<256x256xf32>
    %dot_general3A = arith.constant dense<0.000000e+00> : vector<400x256xf32>
    %dot_general3A_15 = tpu.matmul %add3A, %get3A_14, %dot_general3A {dimension_numbers = #tpu.dot_dimension_numbers<[1], [1], [0], [0], [0, 0, 1, 0], [], []>, transpose_lhs_hint = false} : vector<400x256xf32>, vector<256x256xf32>, vector<400x256xf32> -> vector<400x256xf32>
    %get3A_16 = arith.constant 0 : index
    %get3A_17 = arith.constant 0 : index
    %get3A_18 = vector.load %arg4[%get3A_16, %get3A_17] : memref<1x256xf32, #tpu.memory_space<vmem>>, vector<1x256xf32>
    %add3A_19 = vector.broadcast %get3A_18 : vector<1x256xf32> to vector<400x256xf32>
    %add3A_20 = arith.addf %dot_general3A_15, %add3A_19 : vector<400x256xf32>
    %max3A = arith.constant 0.000000e+00 : f32
    %max3A_21 = vector.broadcast %max3A : f32 to vector<400x256xf32>
    %max3A_22 = arith.maximumf %add3A_20, %max3A_21 : vector<400x256xf32>
    %get3A_23 = arith.constant 0 : index
    %get3A_24 = arith.constant 0 : index
    %get3A_25 = vector.load %arg5[%get3A_23, %get3A_24] : memref<256x256xf32, #tpu.memory_space<vmem>>, vector<256x256xf32>
    %dot_general3A_26 = arith.constant dense<0.000000e+00> : vector<400x256xf32>
    %dot_general3A_27 = tpu.matmul %max3A_22, %get3A_25, %dot_general3A_26 {dimension_numbers = #tpu.dot_dimension_numbers<[1], [1], [0], [0], [0, 0, 1, 0], [], []>, transpose_lhs_hint = false} : vector<400x256xf32>, vector<256x256xf32>, vector<400x256xf32> -> vector<400x256xf32>
    %get3A_28 = arith.constant 0 : index
    %get3A_29 = arith.constant 0 : index
    %get3A_30 = vector.load %arg6[%get3A_28, %get3A_29] : memref<1x256xf32, #tpu.memory_space<vmem>>, vector<1x256xf32>
    %add3A_31 = vector.broadcast %get3A_30 : vector<1x256xf32> to vector<400x256xf32>
    %add3A_32 = arith.addf %dot_general3A_27, %add3A_31 : vector<400x256xf32>
    %max3A_33 = arith.constant 0.000000e+00 : f32
    %max3A_34 = vector.broadcast %max3A_33 : f32 to vector<400x256xf32>
    %max3A_35 = arith.maximumf %add3A_32, %max3A_34 : vector<400x256xf32>
    %swap3A = arith.constant 0 : index
    %swap3A_36 = arith.constant 0 : index
    %swap3A_37 = vector.load %arg7[%swap3A, %swap3A_36] : memref<400x256xf32, #tpu.memory_space<vmem>>, vector<400x256xf32>
    tpu.vector_store %arg7[%swap3A, %swap3A_36], %max3A_35 {strides = array<i32>} : memref<400x256xf32, #tpu.memory_space<vmem>>, vector<400x256xf32>,
    %eq3A = arith.constant 0 : i32
    %eq3A_38 = arith.cmpi eq, %arg0, %eq3A : i32
    %convert_element_type3A = arith.extui %eq3A_38 : i1 to i32
    %cond3A = arith.constant 0 : i32
    %cond3A_39 = arith.cmpi ne, %convert_element_type3A, %cond3A : i32
    scf.if %cond3A_39 {
      %broadcast_in_dim3A_58 = arith.constant 0.000000e+00 : f32
      %broadcast_in_dim3A_59 = vector.broadcast %broadcast_in_dim3A_58 : f32 to vector<8x256xf32>
      %swap3A_60 = arith.constant 0 : index
      %swap3A_61 = arith.constant 0 : index
      %swap3A_62 = vector.load %arg8[%swap3A_60, %swap3A_61] : memref<8x256xf32, #tpu.memory_space<vmem>>, vector<8x256xf32>
      tpu.vector_store %arg8[%swap3A_60, %swap3A_61], %broadcast_in_dim3A_59 {strides = array<i32>} : memref<8x256xf32, #tpu.memory_space<vmem>>, vector<8x256xf32>,
    } else {
    }
    %get3A_40 = arith.constant 0 : index
    %get3A_41 = arith.constant 0 : index
    %get3A_42 = vector.load %arg8[%get3A_40, %get3A_41] : memref<8x256xf32, #tpu.memory_space<vmem>>, vector<1x256xf32>
    %reduce_sum3A = arith.constant dense<0.000000e+00> : vector<256xf32>
    %reduce_sum3A_43 = vector.multi_reduction <add>, %max3A_35, %reduce_sum3A [0] : vector<400x256xf32> to vector<256xf32>
    %broadcast_in_dim3A = vector.shape_cast %reduce_sum3A_43 : vector<256xf32> to vector<1x256xf32>
    %add3A_44 = arith.addf %get3A_42, %broadcast_in_dim3A : vector<1x256xf32>
    %swap3A_45 = arith.constant 0 : index
    %swap3A_46 = arith.constant 0 : index
    %swap3A_47 = vector.load %arg8[%swap3A_45, %swap3A_46] : memref<8x256xf32, #tpu.memory_space<vmem>>, vector<1x256xf32>
    tpu.vector_store %arg8[%swap3A_45, %swap3A_46], %add3A_44 {strides = array<i32>} : memref<8x256xf32, #tpu.memory_space<vmem>>, vector<1x256xf32>,
    %get3A_48 = arith.constant 1 : index
    %get3A_49 = arith.constant 0 : index
    %get3A_50 = vector.load %arg8[%get3A_48, %get3A_49] : memref<8x256xf32, #tpu.memory_space<vmem>>, vector<1x256xf32>
    %mul3A = arith.mulf %max3A_35, %max3A_35 : vector<400x256xf32>
    %reduce_sum3A_51 = arith.constant dense<0.000000e+00> : vector<256xf32>
    %reduce_sum3A_52 = vector.multi_reduction <add>, %mul3A, %reduce_sum3A_51 [0] : vector<400x256xf32> to vector<256xf32>
    %broadcast_in_dim3A_53 = vector.shape_cast %reduce_sum3A_52 : vector<256xf32> to vector<1x256xf32>
    %add3A_54 = arith.addf %get3A_50, %broadcast_in_dim3A_53 : vector<1x256xf32>
    %swap3A_55 = arith.constant 1 : index
    %swap3A_56 = arith.constant 0 : index
    %swap3A_57 = vector.load %arg8[%swap3A_55, %swap3A_56] : memref<8x256xf32, #tpu.memory_space<vmem>>, vector<1x256xf32>
    tpu.vector_store %arg8[%swap3A_55, %swap3A_56], %add3A_54 {strides = array<i32>} : memref<8x256xf32, #tpu.memory_space<vmem>>, vector<1x256xf32>,
    return
  }
  func.func @transform_0(%arg0: i32) -> (i32, i32) {
    %c0_i32 = arith.constant 0 : i32
    %c0_i32_0 = arith.constant 0 : i32
    return %arg0, %c0_i32 : i32, i32
  }
  func.func @transform_1(%arg0: i32) -> (i32, i32, i32) {
    %c0_i32 = arith.constant 0 : i32
    %c0_i32_0 = arith.constant 0 : i32
    %c0_i32_1 = arith.constant 0 : i32
    return %c0_i32, %arg0, %c0_i32_0 : i32, i32, i32
  }
  func.func @transform_2(%arg0: i32) -> (i32, i32) {
    %c0_i32 = arith.constant 0 : i32
    %c0_i32_0 = arith.constant 0 : i32
    %c0_i32_1 = arith.constant 0 : i32
    return %c0_i32, %c0_i32_0 : i32, i32
  }
  func.func @transform_3(%arg0: i32) -> (i32, i32) {
    %c0_i32 = arith.constant 0 : i32
    %c0_i32_0 = arith.constant 0 : i32
    %c0_i32_1 = arith.constant 0 : i32
    return %c0_i32, %c0_i32_0 : i32, i32
  }
  func.func @transform_4(%arg0: i32) -> (i32, i32) {
    %c0_i32 = arith.constant 0 : i32
    %c0_i32_0 = arith.constant 0 : i32
    %c0_i32_1 = arith.constant 0 : i32
    return %c0_i32, %c0_i32_0 : i32, i32
  }
  func.func @transform_5(%arg0: i32) -> (i32, i32) {
    %c0_i32 = arith.constant 0 : i32
    %c0_i32_0 = arith.constant 0 : i32
    %c0_i32_1 = arith.constant 0 : i32
    return %c0_i32, %c0_i32_0 : i32, i32
  }
  func.func @transform_6(%arg0: i32) -> (i32, i32) {
    %c0_i32 = arith.constant 0 : i32
    %c0_i32_0 = arith.constant 0 : i32
    return %arg0, %c0_i32 : i32, i32
  }
  func.func @transform_7(%arg0: i32) -> (i32, i32) {
    %c0_i32 = arith.constant 0 : i32
    %c0_i32_0 = arith.constant 0 : i32
    %c0_i32_1 = arith.constant 0 : i32
    return %c0_i32, %c0_i32_0 : i32, i32
  }
}

module attributes {stable_mosaic.version = 14 : i64} {
  func.func @_bn_body(%arg0: i32, %arg1: memref<400x256xf32, #tpu.memory_space<vmem>>, %arg2: memref<8x256xf32, #tpu.memory_space<vmem>>, %arg3: memref<1x256xf32, #tpu.memory_space<vmem>>, %arg4: memref<1x256xf32, #tpu.memory_space<vmem>>, %arg5: memref<400x256xf32, #tpu.memory_space<vmem>>, %arg6: memref<2x400x128xf32, #tpu.memory_space<vmem>>) attributes {dimension_semantics = [#tpu.dimension_semantics<arbitrary>], iteration_bounds = array<i64: 25>, scalar_prefetch = 0 : i64, scratch_operands = 0 : i64, tpu.core_type = #tpu.core_type<tc>, window_params = [{transform_indices = @transform_0, window_bounds = array<i64: 400, 256>}, {pipeline_mode = #tpu.pipeline_mode<synchronous>, transform_indices = @transform_1, window_bounds = array<i64: 8, 256>}, {pipeline_mode = #tpu.pipeline_mode<synchronous>, transform_indices = @transform_2, window_bounds = array<i64: 1, 256>}, {pipeline_mode = #tpu.pipeline_mode<synchronous>, transform_indices = @transform_3, window_bounds = array<i64: 1, 256>}, {transform_indices = @transform_4, window_bounds = array<i64: 400, 256>}, {transform_indices = @transform_5, window_bounds = array<i64: 2, 400, 128>}]} {
    %get3A = arith.constant 0 : index
    %get3A_0 = arith.constant 0 : index
    %get3A_1 = vector.load %arg2[%get3A, %get3A_0] : memref<8x256xf32, #tpu.memory_space<vmem>>, vector<1x256xf32>
    %get3A_2 = arith.constant 1 : index
    %get3A_3 = arith.constant 0 : index
    %get3A_4 = vector.load %arg2[%get3A_2, %get3A_3] : memref<8x256xf32, #tpu.memory_space<vmem>>, vector<1x256xf32>
    %mul3A = arith.constant 9.99999974E-5 : f32
    %mul3A_5 = vector.broadcast %mul3A : f32 to vector<1x256xf32>
    %mul3A_6 = arith.mulf %get3A_1, %mul3A_5 : vector<1x256xf32>
    %mul3A_7 = arith.constant 9.99999974E-5 : f32
    %mul3A_8 = vector.broadcast %mul3A_7 : f32 to vector<1x256xf32>
    %mul3A_9 = arith.mulf %get3A_4, %mul3A_8 : vector<1x256xf32>
    %mul3A_10 = arith.mulf %mul3A_6, %mul3A_6 : vector<1x256xf32>
    %sub3A = arith.subf %mul3A_9, %mul3A_10 : vector<1x256xf32>
    %add3A = arith.constant 9.99999974E-6 : f32
    %add3A_11 = vector.broadcast %add3A : f32 to vector<1x256xf32>
    %add3A_12 = arith.addf %sub3A, %add3A_11 : vector<1x256xf32>
    %rsqrt3A = math.rsqrt %add3A_12 : vector<1x256xf32>
    %get3A_13 = arith.constant 0 : index
    %get3A_14 = arith.constant 0 : index
    %get3A_15 = vector.load %arg3[%get3A_13, %get3A_14] : memref<1x256xf32, #tpu.memory_space<vmem>>, vector<1x256xf32>
    %mul3A_16 = arith.mulf %rsqrt3A, %get3A_15 : vector<1x256xf32>
    %get3A_17 = arith.constant 0 : index
    %get3A_18 = arith.constant 0 : index
    %get3A_19 = vector.load %arg1[%get3A_17, %get3A_18] : memref<400x256xf32, #tpu.memory_space<vmem>>, vector<400x256xf32>
    %sub3A_20 = vector.broadcast %mul3A_6 : vector<1x256xf32> to vector<400x256xf32>
    %sub3A_21 = arith.subf %get3A_19, %sub3A_20 : vector<400x256xf32>
    %mul3A_22 = vector.broadcast %mul3A_16 : vector<1x256xf32> to vector<400x256xf32>
    %mul3A_23 = arith.mulf %sub3A_21, %mul3A_22 : vector<400x256xf32>
    %get3A_24 = arith.constant 0 : index
    %get3A_25 = arith.constant 0 : index
    %get3A_26 = vector.load %arg4[%get3A_24, %get3A_25] : memref<1x256xf32, #tpu.memory_space<vmem>>, vector<1x256xf32>
    %add3A_27 = vector.broadcast %get3A_26 : vector<1x256xf32> to vector<400x256xf32>
    %add3A_28 = arith.addf %mul3A_23, %add3A_27 : vector<400x256xf32>
    %swap3A = arith.constant 0 : index
    %swap3A_29 = arith.constant 0 : index
    %swap3A_30 = vector.load %arg5[%swap3A, %swap3A_29] : memref<400x256xf32, #tpu.memory_space<vmem>>, vector<400x256xf32>
    tpu.vector_store %arg5[%swap3A, %swap3A_29], %add3A_28 {strides = array<i32>} : memref<400x256xf32, #tpu.memory_space<vmem>>, vector<400x256xf32>,
    %slice3A = vector.extract_strided_slice %add3A_28 {offsets = [0, 0], sizes = [400, 128], strides = [1, 1]} : vector<400x256xf32> to vector<400x128xf32>
    %swap3A_31 = arith.constant 0 : index
    %swap3A_32 = arith.constant 0 : index
    %swap3A_33 = arith.constant 0 : index
    %swap3A_34 = vector.load %arg6[%swap3A_31, %swap3A_32, %swap3A_33] : memref<2x400x128xf32, #tpu.memory_space<vmem>>, vector<1x400x128xf32>
    %swap3A_35 = vector.shape_cast %swap3A_34 : vector<1x400x128xf32> to vector<400x128xf32>
    %swap3A_36 = vector.shape_cast %slice3A : vector<400x128xf32> to vector<1x400x128xf32>
    tpu.vector_store %arg6[%swap3A_31, %swap3A_32, %swap3A_33], %swap3A_36 {strides = array<i32>} : memref<2x400x128xf32, #tpu.memory_space<vmem>>, vector<1x400x128xf32>,
    %slice3A_37 = vector.extract_strided_slice %add3A_28 {offsets = [0, 128], sizes = [400, 128], strides = [1, 1]} : vector<400x256xf32> to vector<400x128xf32>
    %swap3A_38 = arith.constant 1 : index
    %swap3A_39 = arith.constant 0 : index
    %swap3A_40 = arith.constant 0 : index
    %swap3A_41 = vector.load %arg6[%swap3A_38, %swap3A_39, %swap3A_40] : memref<2x400x128xf32, #tpu.memory_space<vmem>>, vector<1x400x128xf32>
    %swap3A_42 = vector.shape_cast %swap3A_41 : vector<1x400x128xf32> to vector<400x128xf32>
    %swap3A_43 = vector.shape_cast %slice3A_37 : vector<400x128xf32> to vector<1x400x128xf32>
    tpu.vector_store %arg6[%swap3A_38, %swap3A_39, %swap3A_40], %swap3A_43 {strides = array<i32>} : memref<2x400x128xf32, #tpu.memory_space<vmem>>, vector<1x400x128xf32>,
    return
  }
  func.func @transform_0(%arg0: i32) -> (i32, i32) {
    %c0_i32 = arith.constant 0 : i32
    %c0_i32_0 = arith.constant 0 : i32
    return %arg0, %c0_i32 : i32, i32
  }
  func.func @transform_1(%arg0: i32) -> (i32, i32) {
    %c0_i32 = arith.constant 0 : i32
    %c0_i32_0 = arith.constant 0 : i32
    %c0_i32_1 = arith.constant 0 : i32
    return %c0_i32, %c0_i32_0 : i32, i32
  }
  func.func @transform_2(%arg0: i32) -> (i32, i32) {
    %c0_i32 = arith.constant 0 : i32
    %c0_i32_0 = arith.constant 0 : i32
    %c0_i32_1 = arith.constant 0 : i32
    return %c0_i32, %c0_i32_0 : i32, i32
  }
  func.func @transform_3(%arg0: i32) -> (i32, i32) {
    %c0_i32 = arith.constant 0 : i32
    %c0_i32_0 = arith.constant 0 : i32
    %c0_i32_1 = arith.constant 0 : i32
    return %c0_i32, %c0_i32_0 : i32, i32
  }
  func.func @transform_4(%arg0: i32) -> (i32, i32) {
    %c0_i32 = arith.constant 0 : i32
    %c0_i32_0 = arith.constant 0 : i32
    return %arg0, %c0_i32 : i32, i32
  }
  func.func @transform_5(%arg0: i32) -> (i32, i32, i32) {
    %c0_i32 = arith.constant 0 : i32
    %c0_i32_0 = arith.constant 0 : i32
    %c0_i32_1 = arith.constant 0 : i32
    return %c0_i32, %arg0, %c0_i32_0 : i32, i32, i32
  }
}

module attributes {stable_mosaic.version = 14 : i64} {
  func.func @_bn_body(%arg0: i32, %arg1: memref<400x256xf32, #tpu.memory_space<vmem>>, %arg2: memref<8x256xf32, #tpu.memory_space<vmem>>, %arg3: memref<1x256xf32, #tpu.memory_space<vmem>>, %arg4: memref<1x256xf32, #tpu.memory_space<vmem>>, %arg5: memref<400x256xf32, #tpu.memory_space<vmem>>, %arg6: memref<2x400x128xf32, #tpu.memory_space<vmem>>) attributes {dimension_semantics = [#tpu.dimension_semantics<arbitrary>], iteration_bounds = array<i64: 25>, scalar_prefetch = 0 : i64, scratch_operands = 0 : i64, tpu.core_type = #tpu.core_type<tc>, window_params = [{transform_indices = @transform_0, window_bounds = array<i64: 400, 256>}, {pipeline_mode = #tpu.pipeline_mode<synchronous>, transform_indices = @transform_1, window_bounds = array<i64: 8, 256>}, {pipeline_mode = #tpu.pipeline_mode<synchronous>, transform_indices = @transform_2, window_bounds = array<i64: 1, 256>}, {pipeline_mode = #tpu.pipeline_mode<synchronous>, transform_indices = @transform_3, window_bounds = array<i64: 1, 256>}, {transform_indices = @transform_4, window_bounds = array<i64: 400, 256>}, {transform_indices = @transform_5, window_bounds = array<i64: 2, 400, 128>}]} {
    %get3A = arith.constant 0 : index
    %get3A_0 = arith.constant 0 : index
    %get3A_1 = vector.load %arg2[%get3A, %get3A_0] : memref<8x256xf32, #tpu.memory_space<vmem>>, vector<1x256xf32>
    %get3A_2 = arith.constant 1 : index
    %get3A_3 = arith.constant 0 : index
    %get3A_4 = vector.load %arg2[%get3A_2, %get3A_3] : memref<8x256xf32, #tpu.memory_space<vmem>>, vector<1x256xf32>
    %mul3A = arith.constant 9.99999974E-5 : f32
    %mul3A_5 = vector.broadcast %mul3A : f32 to vector<1x256xf32>
    %mul3A_6 = arith.mulf %get3A_1, %mul3A_5 : vector<1x256xf32>
    %mul3A_7 = arith.constant 9.99999974E-5 : f32
    %mul3A_8 = vector.broadcast %mul3A_7 : f32 to vector<1x256xf32>
    %mul3A_9 = arith.mulf %get3A_4, %mul3A_8 : vector<1x256xf32>
    %mul3A_10 = arith.mulf %mul3A_6, %mul3A_6 : vector<1x256xf32>
    %sub3A = arith.subf %mul3A_9, %mul3A_10 : vector<1x256xf32>
    %add3A = arith.constant 9.99999974E-6 : f32
    %add3A_11 = vector.broadcast %add3A : f32 to vector<1x256xf32>
    %add3A_12 = arith.addf %sub3A, %add3A_11 : vector<1x256xf32>
    %rsqrt3A = math.rsqrt %add3A_12 : vector<1x256xf32>
    %get3A_13 = arith.constant 0 : index
    %get3A_14 = arith.constant 0 : index
    %get3A_15 = vector.load %arg3[%get3A_13, %get3A_14] : memref<1x256xf32, #tpu.memory_space<vmem>>, vector<1x256xf32>
    %mul3A_16 = arith.mulf %rsqrt3A, %get3A_15 : vector<1x256xf32>
    %get3A_17 = arith.constant 0 : index
    %get3A_18 = arith.constant 0 : index
    %get3A_19 = vector.load %arg1[%get3A_17, %get3A_18] : memref<400x256xf32, #tpu.memory_space<vmem>>, vector<400x256xf32>
    %sub3A_20 = vector.broadcast %mul3A_6 : vector<1x256xf32> to vector<400x256xf32>
    %sub3A_21 = arith.subf %get3A_19, %sub3A_20 : vector<400x256xf32>
    %mul3A_22 = vector.broadcast %mul3A_16 : vector<1x256xf32> to vector<400x256xf32>
    %mul3A_23 = arith.mulf %sub3A_21, %mul3A_22 : vector<400x256xf32>
    %get3A_24 = arith.constant 0 : index
    %get3A_25 = arith.constant 0 : index
    %get3A_26 = vector.load %arg4[%get3A_24, %get3A_25] : memref<1x256xf32, #tpu.memory_space<vmem>>, vector<1x256xf32>
    %add3A_27 = vector.broadcast %get3A_26 : vector<1x256xf32> to vector<400x256xf32>
    %add3A_28 = arith.addf %mul3A_23, %add3A_27 : vector<400x256xf32>
    %swap3A = arith.constant 0 : index
    %swap3A_29 = arith.constant 0 : index
    %swap3A_30 = vector.load %arg5[%swap3A, %swap3A_29] : memref<400x256xf32, #tpu.memory_space<vmem>>, vector<400x256xf32>
    tpu.vector_store %arg5[%swap3A, %swap3A_29], %add3A_28 {strides = array<i32>} : memref<400x256xf32, #tpu.memory_space<vmem>>, vector<400x256xf32>,
    %slice3A = vector.extract_strided_slice %add3A_28 {offsets = [0, 0], sizes = [400, 128], strides = [1, 1]} : vector<400x256xf32> to vector<400x128xf32>
    %swap3A_31 = arith.constant 0 : index
    %swap3A_32 = arith.constant 0 : index
    %swap3A_33 = arith.constant 0 : index
    %swap3A_34 = vector.load %arg6[%swap3A_31, %swap3A_32, %swap3A_33] : memref<2x400x128xf32, #tpu.memory_space<vmem>>, vector<1x400x128xf32>
    %swap3A_35 = vector.shape_cast %swap3A_34 : vector<1x400x128xf32> to vector<400x128xf32>
    %swap3A_36 = vector.shape_cast %slice3A : vector<400x128xf32> to vector<1x400x128xf32>
    tpu.vector_store %arg6[%swap3A_31, %swap3A_32, %swap3A_33], %swap3A_36 {strides = array<i32>} : memref<2x400x128xf32, #tpu.memory_space<vmem>>, vector<1x400x128xf32>,
    %slice3A_37 = vector.extract_strided_slice %add3A_28 {offsets = [0, 128], sizes = [400, 128], strides = [1, 1]} : vector<400x256xf32> to vector<400x128xf32>
    %swap3A_38 = arith.constant 1 : index
    %swap3A_39 = arith.constant 0 : index
    %swap3A_40 = arith.constant 0 : index
    %swap3A_41 = vector.load %arg6[%swap3A_38, %swap3A_39, %swap3A_40] : memref<2x400x128xf32, #tpu.memory_space<vmem>>, vector<1x400x128xf32>
    %swap3A_42 = vector.shape_cast %swap3A_41 : vector<1x400x128xf32> to vector<400x128xf32>
    %swap3A_43 = vector.shape_cast %slice3A_37 : vector<400x128xf32> to vector<1x400x128xf32>
    tpu.vector_store %arg6[%swap3A_38, %swap3A_39, %swap3A_40], %swap3A_43 {strides = array<i32>} : memref<2x400x128xf32, #tpu.memory_space<vmem>>, vector<1x400x128xf32>,
    return
  }
  func.func @transform_0(%arg0: i32) -> (i32, i32) {
    %c0_i32 = arith.constant 0 : i32
    %c0_i32_0 = arith.constant 0 : i32
    return %arg0, %c0_i32 : i32, i32
  }
  func.func @transform_1(%arg0: i32) -> (i32, i32) {
    %c0_i32 = arith.constant 0 : i32
    %c0_i32_0 = arith.constant 0 : i32
    %c0_i32_1 = arith.constant 0 : i32
    return %c0_i32, %c0_i32_0 : i32, i32
  }
  func.func @transform_2(%arg0: i32) -> (i32, i32) {
    %c0_i32 = arith.constant 0 : i32
    %c0_i32_0 = arith.constant 0 : i32
    %c0_i32_1 = arith.constant 0 : i32
    return %c0_i32, %c0_i32_0 : i32, i32
  }
  func.func @transform_3(%arg0: i32) -> (i32, i32) {
    %c0_i32 = arith.constant 0 : i32
    %c0_i32_0 = arith.constant 0 : i32
    %c0_i32_1 = arith.constant 0 : i32
    return %c0_i32, %c0_i32_0 : i32, i32
  }
  func.func @transform_4(%arg0: i32) -> (i32, i32) {
    %c0_i32 = arith.constant 0 : i32
    %c0_i32_0 = arith.constant 0 : i32
    return %arg0, %c0_i32 : i32, i32
  }
  func.func @transform_5(%arg0: i32) -> (i32, i32, i32) {
    %c0_i32 = arith.constant 0 : i32
    %c0_i32_0 = arith.constant 0 : i32
    %c0_i32_1 = arith.constant 0 : i32
    return %c0_i32, %arg0, %c0_i32_0 : i32, i32, i32
  }
}

</mosaic_0001>

<sc_bundles>
// kernel: kernel.11.cloned.1.call-start
scs
__scs_entry_jumppad:
0x0: {  	(pc) =	sbr.rel $0x88, $3  }
0x1: {  	(tag) =	ssettag $0x0;
	lr =	simm.s32 $0x1  }
0x2: {  	[smem:$0x3F93] =	sst lr;
	_ =	strace $0xD0000000  }
0x3: {  	_ = 	snop  }
0x4: {  	_ = 	snop  }
0x5: {  	_ = 	snop  }
0x6: {  	_ = 	snop  }
0x7: {  	_ = 	snop  }
__scs_overlays_trampoline_lowered:
0x8: {  	[smem:$0x3FA2] =	sst s0  }
0x9: {  	[smem:$0x3FA3] =	sst s1  }
0xa: {  	[smem:$0x3FA4] =	sst s2  }
0xb: {  	[smem:$0x3FA5] =	sst s3  }
0xc: {  	[smem:$0x3FA6] =	sst s4  }
0xd: {  	[smem:$0x3FA7] =	sst s5  }
0xe: {  	[smem:$0x3FA8] =	sst s6  }
0xf: {  	[smem:$0x3FA9] =	sst s7  }
0x10: {  	[smem:$0x3FAA] =	sst s8  }
0x11: {  	[smem:$0x3FAB] =	sst s9;
	s0 =	simm.s32 @!p0 $0x0  }
0x12: {  	s1 =	sld [smem:$0x3F91];
	s0 =	simm.s32 @p0 $0x1  }
0x13: {  	[smem:$0x3FAC] =	sst s0;
	s0 =	simm.s32 @!p1 $0x0  }
0x14: {  	s2 =	sld [smem:$0x3F90];
	s0 =	simm.s32 @p1 $0x1  }
0x15: {  	[smem:$0x3FAD] =	sst s0;
	s0 =	simm.s32 @!p2 $0x0  }
0x16: {  	s3 =	sld [smem:$0x3FDB];
	s0 =	simm.s32 @p2 $0x1  }
0x17: {  	s4 =	simm.s32 $0x1BF5;
	[smem:$0x3FAF] =	sst s0  }
0x18: {  	s0 =	sld [smem:$0x3F92];
	_ =	swait.ge [sflag:s4], $0x0  }
0x19: {  	s7 =	sld [smem:$0x3F93]  }
0x1a: {  	s8 =	sadd.s32 $0xFFFFE003, lr  }
0x1b: {  	s9 =	sadd.s32 $0xFFFFFEF7, lr;
	s5 =	simm.s32 $0xFFFFFFFF;
	p2 =	slt.u32 s8, $0xFFFFF086  }
0x1c: {  	p1 =	slt.u32 s9, $0xF7A;
	s5 =	simm.s32 @!p2 $0x0  }
0x1d: {  	s5 =	simm.s32 @p1 $0x1;
	p0 =	seq.s32 s7, s2  }
0x1e: {  	s7 =	smul.u32 @!p0 $0xF7A, s2;
	p2 =	seq.s32 @!p0 s5, $0x0  }
0x1f: {  	s9 =	smul.u32 $0xF7A, s1;
	s8 =	simm.s32 @!p0 $0x1BF5;
	p2 =	por !p2, p0  }
0x20: {  	[sflag:s8] =	ssyncset.s32 @!p0 $0xFFFFF086;
	s6 =	sadd.s32 @!p0 s3, s7;
	s7 =	simm.s32 @!p0 $0x108  }
0x21: {  	s3 =	sadd.s32 s3, s9;
	s6 =	sadd.s32 @!p0 $0x88, s6;
	s7 =	simm.s32 @p2 $0x1082  }
0x22: {  	[simem:s7], [sflag:s8] =	dma.local @!p0 [hbm:s6], $0xF7A  }
0x23: {  	s9 =	sor.u32 $0xD0000000, s2;
	s6 =	simm.s32 $0x108;
	_ =	swait.ge @!p0 [sflag:s8], $0x0  }
0x24: {  	s3 =	sadd.s32 $0x88, s3;
	s6 =	simm.s32 @!p1 $0x1082;
	[sflag:s4] =	ssyncset.s32 $0xFFFFF086  }
0x25: {  	[simem:s6], [sflag:s4] =	dma.local [hbm:s3], $0xF7A  }
0x26: {  	[smem:$0x3F93] =	sst s1;
	(tag) =	ssettag s2;
	_ =	strace s9  }
0x27: {  	s1 =	sld [smem:$0x3FA3]  }
0x28: {  	s2 =	sld [smem:$0x3FA4]  }
0x29: {  	s4 =	sld [smem:$0x3FA6]  }
0x2a: {  	p0 =	seq.s32 s5, $0x0;
	s5 =	sld [smem:$0x3FA7]  }
0x2b: {  	s6 =	sld [smem:$0x3FA8]  }
0x2c: {  	s7 =	sld [smem:$0x3FA9]  }
0x2d: {  	s3 =	simm.s32 $0x108;
	s8 =	sld [smem:$0x3FAA]  }
0x2e: {  	s3 =	simm.s32 @!p0 $0x1082;
	s9 =	sld [smem:$0x3FAB]  }
0x2f: {  	lr =	sadd.s32 s0, s3;
	s0 =	sld [smem:$0x3FA2]  }
0x30: {  	s3 =	sld [smem:$0x3FA5]  }
0x31: {  	[smem:$0x3FAE] =	sst s10  }
0x32: {  	s10 =	sld [smem:$0x3FAC];
	_ =	sdelay $0x3  }
0x33: {  	p0 =	seq.s32 s10, $0x1;
	s10 =	sld [smem:$0x3FAE];
	_ =	sdelay $0x3  }
0x34: {  	[smem:$0x3FAE] =	sst s10  }
0x35: {  	s10 =	sld [smem:$0x3FAD];
	_ =	sdelay $0x3  }
0x36: {  	p1 =	seq.s32 s10, $0x1;
	s10 =	sld [smem:$0x3FAE];
	_ =	sdelay $0x3  }
0x37: {  	[smem:$0x3FAE] =	sst s10  }
0x38: {  	s10 =	sld [smem:$0x3FAF]  }
0x39: {  	_ = 	snop;
	(pc) =	sbr.ind lr, $3  }
0x3a: {  	_ = 	snop  }
0x3b: {  	_ = 	snop  }
0x3c: {  	p2 =	seq.s32 s10, $0x1;
	s10 =	sld [smem:$0x3FAE]  }
0x3d: {  	_ =	shalt  }
0x3e: {  	_ =	shalt  }
0x3f: {  	_ =	shalt  }
0x40: {  	_ =	shalt  }
0x41: {  	_ =	shalt  }
0x42: {  	_ =	shalt  }
0x43: {  	_ =	shalt  }
0x44: {  	_ =	shalt  }
0x45: {  	_ =	shalt  }
0x46: {  	_ =	shalt  }
0x47: {  	_ =	shalt  }
0x48: {  	_ =	shalt  }
0x49: {  	_ =	shalt  }
0x4a: {  	_ =	shalt  }
0x4b: {  	_ =	shalt  }
0x4c: {  	_ =	shalt  }
0x4d: {  	_ =	shalt  }
0x4e: {  	_ =	shalt  }
0x4f: {  	_ =	shalt  }
0x50: {  	_ =	shalt  }
0x51: {  	_ =	shalt  }
0x52: {  	_ =	shalt  }
0x53: {  	_ =	shalt  }
0x54: {  	_ =	shalt  }
0x55: {  	_ =	shalt  }
0x56: {  	_ =	shalt  }
0x57: {  	_ =	shalt  }
0x58: {  	_ =	shalt  }
0x59: {  	_ =	shalt  }
0x5a: {  	_ =	shalt  }
0x5b: {  	_ =	shalt  }
0x5c: {  	_ =	shalt  }
0x5d: {  	_ =	shalt  }
0x5e: {  	_ =	shalt  }
0x5f: {  	_ =	shalt  }
0x60: {  	_ =	shalt  }
0x61: {  	_ =	shalt  }
0x62: {  	_ =	shalt  }
0x63: {  	_ =	shalt  }
0x64: {  	_ =	shalt  }
0x65: {  	_ =	shalt  }
0x66: {  	_ =	shalt  }
0x67: {  	_ =	shalt  }
0x68: {  	_ =	shalt  }
0x69: {  	_ =	shalt  }
0x6a: {  	_ =	shalt  }
0x6b: {  	_ =	shalt  }
0x6c: {  	_ =	shalt  }
0x6d: {  	_ =	shalt  }
0x6e: {  	_ =	shalt  }
0x6f: {  	_ =	shalt  }
0x70: {  	_ =	shalt  }
0x71: {  	_ =	shalt  }
0x72: {  	_ =	shalt  }
0x73: {  	_ =	shalt  }
0x74: {  	_ =	shalt  }
0x75: {  	_ =	shalt  }
0x76: {  	_ =	shalt  }
0x77: {  	_ =	shalt  }
0x78: {  	_ =	shalt  }
0x79: {  	_ =	shalt  }
0x7a: {  	_ =	shalt  }
0x7b: {  	_ =	shalt  }
0x7c: {  	_ =	shalt  }
0x7d: {  	_ =	shalt  }
0x7e: {  	_ =	shalt  }
0x7f: {  	_ =	shalt  }
0x80: {  	_ =	shalt  }
0x81: {  	_ =	shalt  }
0x82: {  	_ =	shalt  }
0x83: {  	_ =	shalt  }
0x84: {  	_ =	shalt  }
0x85: {  	_ =	shalt  }
0x86: {  	_ =	shalt  }
0x87: {  	_ =	shalt  }
.Lfunc_end0:
.L_simem_size_0:
called_computation.1_lowered:
.L_overlay_start_0:
0x88: {  	s2 =	sld [smem:$0x3FD9]  }
0x89: {  	s3 =	sld [smem:$0x3FFE];
	_ =	sdelay $0x1  }
0x8a: {  	s1 =	srdreg.scid  }
0x8b: {  	s0 =	sand.u32 $0x1, s1  }
0x8c: {  	s17 =	sshll.u32 s0, $0xA;
	s2 =	sadd.s32 s3, s2  }
0x8d: {  	s2 =	sadd.s32 s2, s17  }
0x8e: {  	[smem:$0x3FBA] =	sst s2  }
0x8f: {  	_ = 	snop  }
0x90: {  	s2 =	sld [smem:$0x3FD0];
	(tm) =	ssettm $0x1  }
0x91: {  	s18 =	sld [smem:$0x3FFB];
	_ =	sdelay $0x3  }
0x92: {  	_ =	strace s18  }
0x93: {  	s3 =	sld [smem:$0x3FFC];
	_ =	sdelay $0x3  }
0x94: {  	_ =	strace s3  }
0x95: {  	s3 =	sld [smem:$0x3FFD];
	_ =	sdelay $0x3  }
0x96: {  	_ =	strace s3  }
0x97: {  	_ =	strace $0x8FFFFFFF  }
0x98: {  	s19 =	sld [smem:$0x3FDB];
	_ =	sdelay $0x1  }
0x99: {  	s4 =	simm.s32 $_scs_section_size  }
0x9a: {  	s5 =	simm.s32 $_size__tile_overlayer_lowered;
	s6 =	simm.s32 $_tile_overlayer_lowered  }
0x9b: {  	s22 =	simm.s32 $0x1BFF;
	s21 =	sshll.u32 s6, $0x1;
	s3 =	sadd.s32 s4, s19  }
0x9c: {  	s7 =	simm.s32 $0x0;
	s20 =	sshll.u32 s5, $0x1;
	s5 =	sadd.s32 s21, s3  }
0x9d: {  	[timem:s7], [sflag:s22] =	dma.local [hbm:s5], s20  }
0x9e: {  	_ =	swait.ge [sflag:s22], s20  }
0x9f: {  	s4 =	ssub.s32 $0x0, s20;
	[sflag:s22] =	ssyncset.done $0x0  }
0xa0: {  	[sflag:s22] =	ssyncadd.s32 s4;
	_ =	sdelay $0x1  }
0xa1: {  	s23 =	simm.s32 $0x1B8B  }
0xa2: {  	_ =	swait.ge [sflag:s23], $0x1  }
0xa3: {  	[sflag:s23] =	ssyncset.done $0x0  }
0xa4: {  	s25 =	simm.s32 $0x1B8E;
	s24 =	sld [smem:$0x3FFE];
	[sflag:s23] =	ssyncadd.s32 $0xFFFFFFFF  }
0xa5: {  	s26 =	simm.s32 $execute0_lowered;
	[smem:$0x3FD2] =	sst s25  }
0xa6: {  	s5 =	sshll.u32 s26, $0x1;
	_ =	strace $0x80000049;
	[dreg:$0x1] =	wrdreg $0xFFFFFFFF  }
0xa7: {  	s28 =	simm.s32 $_size_execute0_lowered;
	s3 =	sadd.s32 s3, s5;
	[dreg:$0x0] =	wrdreg $0x0  }
0xa8: {  	s5 =	sshll.u32 s28, $0x1;
	[dreg:$0x2] =	wrdreg s3  }
0xa9: {  	[dreg:$0x3] =	wrdreg s5  }
0xaa: {  	[dreg:$0x4] =	wrdreg $0xC0  }
0xab: {  	_ =	task [dreg:s7], $0x5FFFF  }
0xac: {  	[dreg:$0x1] =	wrdreg $0xFFFFFFFF  }
0xad: {  	[dreg:$0x0] =	wrdreg $0x60  }
0xae: {  	[dreg:$0x2] =	wrdreg s24  }
0xaf: {  	[dreg:$0x3] =	wrdreg s2  }
0xb0: {  	[dreg:$0x4] =	wrdreg $0x171000  }
0xb1: {  	[dreg:$0x5] =	wrdreg $0x9  }
0xb2: {  	_ =	task.clear_ibuf [dreg:s7], $0x6FFFF;
	_ =	strace $0x90000049  }
0xb3: {  	s29 =	simm.s32 $0x9;
	_ =	strace $0x8000004B  }
0xb4: {  	_ =	swait.ge [sflag:s29], $0x1  }
0xb5: {  	[sflag:s29] =	ssyncadd.s32 $0xFFFFFFFF  }
0xb6: {  	_ =	strace $0x9000004B  }
0xb7: {  	_ =	sfence  }
0xb8: {  	s30 =	sld [smem:$0x0];
	_ =	sdelay $0x2  }
0xb9: {  	s31 =	sshll.u32 s1, $0xD;
	s1 =	sshrl.u32 s1, $0x2  }
0xba: {  	s3 =	sand.u32 $0x4000, s31;
	s1 =	sadd.s32 s1, s30  }
0xbb: {  	s0 =	sor.u32 s3, s0;
	s1 =	sshll.u32 s1, $0x11  }
0xbc: {  	s0 =	sor.u32 s1, s0  }
0xbd: {  	s0 =	sadd.s32 $0x8F2B, s0  }
0xbe: {  	[sflag:s0] =	ssyncadd.remote.s32 $0x1  }
0xbf: {  	_ =	sfence.sel $0xFFFF  }
0xc0: {  	[dreg:$0x0] =	wrdreg $0xFFFFFFFF;
	(pc) =	sbr.abs _section_cstart, $3  }
0xc1: {  	[dreg:$0x1] =	wrdreg $0xFFFFFFFF  }
0xc2: {  	_ =	task.clear_ibuf [dreg:s7], $0x2FFFF;
	_ =	strace $0x9FFFFFFF  }
0xc3: {  	(tm) =	ssettm $0x7FFFFFFF  }
tec
execute0_lowered:
.L_overlay_start_1:
0x0: {  	(tag) =	ssettag $0x1  }
0x1: {  	s6 =	rddreg [dreg:$0x0]  }
0x2: {  	s1 =	rddreg [dreg:$0x1]  }
0x3: {  	s2 =	rddreg [dreg:$0x2]  }
0x4: {  	s0 =	rddreg [dreg:$0x3];
	s3 =	simm.s32 $0x0  }
0x5: {  	s7 =	srdreg.scid;
	s4 =	stileid.u32;
	s13 =	simm.s32 $0xD100  }
0x6: {  	s15 =	simm.s32 $0x8100;
	s16 =	simm.s32 $0xA900;
	s17 =	simm.s32 $0x1  }
0x7: {  	s18 =	simm.s32 $0x8000;
	s19 =	simm.s32 $0x2;
	s20 =	simm.s32 $0x8080  }
0x8: {  	s21 =	simm.s32 $0x12100;
	s22 =	simm.s32 $0x0;
	[smem:$0x7FF] =	sst s3  }
0x9: {  	s5 =	sadd.s32 $0x13400, s6;
	s8 =	sand.u32 $0x1, s7;
	s10 =	smul.u32 $0xA0, s4  }
0xa: {  	s28 =	sshll.u32 s4, $0xB;
	s11 =	smul.u32 $0x14000, s4;
	_ =	strace $0x8000004A  }
0xb: {  	s9 =	ssub.s32 $0x2, s8;
	s7 =	sadd.s32 s28, s6;
	s30 =	smul.u32 $0x2800, s8  }
0xc: {  	s14 =	smul.u32 $0x2710, s8;
	s29 =	sshrl.u32 s9, $0x1;
	s6 =	sadd.s32 $0xB400, s7  }
0xd: {  	v6 =	vlaneseq.u32;
	v1 =	vimm.f32 $0.0e+00;
	s7 =	sadd.s32 $0x3400, s7;
	s31 =	sshrl.u32 s11, $0x2;
	s11 =	simm.s32 $0x3  }
0xe: {  	v2 =	vor.u32 $0xA00, v6;
	v3 =	vor.u32 $0xA10, v6;
	v4 =	vor.u32 $0xA20, v6;
	s12 =	ssub.s32 s9, s29;
	s8 =	sadd.s32 s31, s2;
	s9 =	sadd.s32 s30, s10  }
0xf: {  	v5 =	vor.u32 $0xA30, v6;
	v6 =	vor.u32 $0xA40, v6;
	v0 =	vmov s14;
	s14 =	simm.s32 $0x50;
	s10 =	smax.u32 s12, $0x1;
	s12 =	simm.s32 $0x4000  }
.LBB2_1:
0x10: {  	[tilespmem:s3], [sflag:$0x3] =	stream.linear.gather [hbm4b:s6+s3], $0x3E80, $0x38;
	[tilespmem:$0x1C380] =	vst v63  }
0x11: {  	s23 =	smul.u32 $0xCCCD, s3  }
0x12: {  	_ =	swait.ge [sflag:s11], $0x3E80  }
0x13: {  	[sflag:s11] =	ssyncset.done $0x0;
	s23 =	sshrl.u32 s23, $0x12  }
0x14: {  	[sflag:s11] =	ssyncadd.s32 $0xFFFFC180;
	s24 =	smul.u32 $0x5, s23  }
0x15: {  	[tilespmem:s12], [sflag:$0x3] =	stream.linear.gather [hbm4b:s7+s3], $0x3E80, $0x38;
	[tilespmem:$0x1C380] =	vst v63  }
0x16: {  	s25 =	simm.s32 $0x1;
	s24 =	ssub.s32 $0x0, s24  }
0x17: {  	s25 =	smul.u32 $0xCCCD, s25;
	_ =	swait.ge [sflag:s11], $0x3E80;
	s24 =	sand.u32 $0xFFFF, s24  }
0x18: {  	s23 =	sshll.u32 s23, $0x7;
	[sflag:s11] =	ssyncset.done $0x0;
	s24 =	sshll.u32 s24, $0x4  }
0x19: {  	[sflag:s11] =	ssyncadd.s32 $0xFFFFC180;
	s24 =	sor.u32 s24, s23  }
0x1a: {  	s28 =	sshrl.u32 s25, $0x12;
	v7 =	vld [tilespmem:s24+$0x0]  }
0x1b: {  	s25 =	smul.u32 $0x5, s28;
	_ =	sdelay $0x1  }
0x1c: {  	s25 =	ssub.s32 $0x1, s25;
	s23 =	simm.s32 $0x2  }
0x1d: {  	s29 =	sand.u32 $0xFFFF, s25;
	s26 =	smul.u32 $0xCCCD, s23  }
0x1e: {  	s28 =	sshll.u32 s28, $0x7;
	s25 =	simm.s32 $0x3;
	s29 =	sshll.u32 s29, $0x4;
	v7 =	vadd.s32 v0, v7  }
.LBB2_2:
0x1f: {  	p0 =	sne.s32 s25, $0x270;
	[tilespmem:s24+$0x0] =	vst v7;
	s24 =	sor.u32 s29, s28;
	s28 =	sshrl.u32 s26, $0x12  }
0x20: {  	v7 =	vld [tilespmem:s24+$0x0];
	s26 =	smul.u32 $0x5, s28  }
.Ltmp0:
0x21: {  	(pc) =	sbr.rel @p0 .LBB2_2-.Ltmp0, $4  }
0x22: {  	_ = 	snop  }
0x23: {  	s29 =	ssub.s32 s23, s26;
	s23 =	smov.u32 s25  }
0x24: {  	s26 =	smul.u32 $0xCCCD, s25;
	s29 =	sand.u32 $0xFFFF, s29  }
0x25: {  	s28 =	sshll.u32 s28, $0x7;
	s25 =	sadd.s32 $0x1, s25;
	s29 =	sshll.u32 s29, $0x4;
	v7 =	vadd.s32 v0, v7  }
0x26: {  	s25 =	sor.u32 s29, s28;
	[tilespmem:s24+$0x0] =	vst v7  }
0x27: {  	s29 =	sshrl.u32 s26, $0x12;
	v7 =	vld [tilespmem:s25+$0x0]  }
0x28: {  	s26 =	smul.u32 $0x5, s29;
	_ =	sdelay $0x1  }
0x29: {  	s23 =	ssub.s32 s23, s26  }
0x2a: {  	s23 =	sand.u32 $0xFFFF, s23  }
0x2b: {  	s24 =	sshll.u32 s29, $0x7;
	s23 =	sshll.u32 s23, $0x4;
	v7 =	vadd.s32 v0, v7  }
0x2c: {  	s24 =	sor.u32 s23, s24;
	[tilespmem:s25+$0x0] =	vst v7  }
0x2d: {  	v7 =	vld [tilespmem:s24+$0x0];
	_ =	sdelay $0x2  }
0x2e: {  	s23 =	simm.s32 $0x0  }
0x2f: {  	s30 =	sand.u32 $0x1FE00, s23  }
0x30: {  	s31 =	sand.u32 $0x70, s23;
	s25 =	sshrl.u32 s30, $0x2;
	v7 =	vadd.s32 v0, v7  }
0x31: {  	s26 =	sor.u32 s31, s25;
	s25 =	simm.s32 $0x0;
	[tilespmem:s24+$0x0] =	vst v7;
	s24 =	simm.s32 $0x40  }
.LBB2_4:
0x32: {  	p0 =	sne.s32 s24, $0x13FC0  }
0x33: {  	[tilespmem:s26+$0xD100] =	vst v1;
	s25 =	sadd.s32 $0x10, s25;
	s26 =	smov.u32 s24;
	s24 =	sadd.s32 $0x40, s24  }
.Ltmp1:
0x34: {  	(pc) =	sbr.rel @p0 .LBB2_4-.Ltmp1, $4  }
0x35: {  	_ = 	snop  }
0x36: {  	s26 =	sand.u32 $0x1FE00, s26  }
0x37: {  	s28 =	sand.u32 $0x70, s25;
	s26 =	sshrl.u32 s26, $0x2  }
0x38: {  	s26 =	sor.u32 s28, s26  }
0x39: {  	[tilespmem:s26+$0xD100] =	vst v1  }
.LBB2_6:
0x3a: {  	[spmem:s8] =	stream.linear.scatter [tilespmem:s13], [sflag:$0x3], $0x5000, $0x38;
	[tilespmem:$0x1C380] =	vst v63  }
0x3b: {  	_ =	swait.ge [sflag:s11], $0x5000  }
0x3c: {  	[sflag:s11] =	ssyncset.done $0x0  }
0x3d: {  	[sflag:s11] =	ssyncadd.s32 $0xFFFFB000  }
0x3e: {  	s24 =	simm.s32 $0x0;
	[bflag:$0x0] =	sbarrier.arrive $0xFFFF  }
0x3f: {  	[tilespmem:s15], [sflag:$0x1] =	stream.indirect.gather [hbm4b:s5+s14], $0x80, s24, s14, $0xb8;
	[tilespmem:$0x1C380] =	vst v63  }
0x40: {  	s25 =	simm.s32 $0x0;
	s31 =	simm.s32 $0x80  }
0x41: {  	[tilespmem:s16], [sflag:$0x2] =	stream.indirect.gather [hbm4b:s5+s14], $0x80, s31, s14, $0xb8;
	[tilespmem:$0x1C380] =	vst v63  }
0x42: {  	v8 =	vld [tilespmem:s25+$0x4000];
	_ =	sdelay $0x1  }
0x43: {  	s24 =	smul.u32 $0xA00, s23;
	_ =	sdelay $0x1  }
0x44: {  	v7 =	vmov s24  }
0x45: {  	v8 =	vsub.s32 v8, v7  }
0x46: {  	vm0 =	vlt.u32 v8, $0xA00  }
0x47: {  	v8 =	vsel vm0, v8, v2  }
0x48: {  	[tilespmem:$0x8000] =	vst v8  }
0x49: {  	v8 =	vld [tilespmem:s25+$0x4010];
	_ =	sdelay $0x4  }
0x4a: {  	v8 =	vsub.s32 v8, v7  }
0x4b: {  	vm7 =	vlt.u32 v8, $0xA00  }
0x4c: {  	v8 =	vsel vm7, v8, v3  }
0x4d: {  	[tilespmem:$0x8010] =	vst v8  }
0x4e: {  	v8 =	vld [tilespmem:s25+$0x4020];
	_ =	sdelay $0x4  }
0x4f: {  	v8 =	vsub.s32 v8, v7  }
0x50: {  	vm8 =	vlt.u32 v8, $0xA00  }
0x51: {  	v8 =	vsel vm8, v8, v4  }
0x52: {  	[tilespmem:$0x8020] =	vst v8  }
0x53: {  	v8 =	vld [tilespmem:s25+$0x4030];
	_ =	sdelay $0x4  }
0x54: {  	v8 =	vsub.s32 v8, v7  }
0x55: {  	vm9 =	vlt.u32 v8, $0xA00  }
0x56: {  	v8 =	vsel vm9, v8, v5  }
0x57: {  	[tilespmem:$0x8030] =	vst v8  }
0x58: {  	v8 =	vld [tilespmem:s25+$0x4040];
	_ =	sdelay $0x4  }
0x59: {  	v8 =	vsub.s32 v8, v7  }
0x5a: {  	vm10 =	vlt.u32 v8, $0xA00  }
0x5b: {  	v8 =	vsel vm10, v8, v6  }
0x5c: {  	[tilespmem:$0x8040] =	vst v8  }
0x5d: {  	_ =	swait.ge [sflag:s17], $0x2800  }
0x5e: {  	[sflag:s17] =	ssyncset.done $0x0  }
0x5f: {  	[sflag:s17] =	ssyncadd.s32 $0xFFFFD800  }
0x60: {  	[spmem:s2] =	stream.indirect.scatter.add.f32 [tilespmem:s15], [sflag:$0x3], $0x80, s18, s14, $0xb8;
	[tilespmem:$0x1C380] =	vst v63  }
0x61: {  	_ =	swait.ge [sflag:s11], $0x2800  }
0x62: {  	[sflag:s11] =	ssyncset.done $0x0  }
0x63: {  	s26 =	simm.s32 $0x100;
	[sflag:s11] =	ssyncadd.s32 $0xFFFFD800  }
0x64: {  	[tilespmem:s15], [sflag:$0x1] =	stream.indirect.gather [hbm4b:s5+s14], $0x80, s26, s14, $0xb8;
	[tilespmem:$0x1C380] =	vst v63  }
0x65: {  	v8 =	vld [tilespmem:s25+$0x4080];
	_ =	sdelay $0x4  }
0x66: {  	v8 =	vsub.s32 v8, v7  }
0x67: {  	vm11 =	vlt.u32 v8, $0xA00  }
0x68: {  	v8 =	vsel vm11, v8, v2  }
0x69: {  	[tilespmem:$0x8080] =	vst v8  }
0x6a: {  	v8 =	vld [tilespmem:s25+$0x4090];
	_ =	sdelay $0x4  }
0x6b: {  	v8 =	vsub.s32 v8, v7  }
0x6c: {  	vm12 =	vlt.u32 v8, $0xA00  }
0x6d: {  	v8 =	vsel vm12, v8, v3  }
0x6e: {  	[tilespmem:$0x8090] =	vst v8  }
0x6f: {  	v8 =	vld [tilespmem:s25+$0x40A0];
	_ =	sdelay $0x4  }
0x70: {  	v8 =	vsub.s32 v8, v7  }
0x71: {  	vm13 =	vlt.u32 v8, $0xA00  }
0x72: {  	v8 =	vsel vm13, v8, v4  }
0x73: {  	[tilespmem:$0x80A0] =	vst v8  }
0x74: {  	v8 =	vld [tilespmem:s25+$0x40B0];
	_ =	sdelay $0x4  }
0x75: {  	v8 =	vsub.s32 v8, v7  }
0x76: {  	vm14 =	vlt.u32 v8, $0xA00  }
0x77: {  	v8 =	vsel vm14, v8, v5  }
0x78: {  	[tilespmem:$0x80B0] =	vst v8  }
0x79: {  	v8 =	vld [tilespmem:s25+$0x40C0];
	_ =	sdelay $0x4  }
0x7a: {  	v8 =	vsub.s32 v8, v7  }
0x7b: {  	vm15 =	vlt.u32 v8, $0xA00  }
0x7c: {  	v8 =	vsel vm15, v8, v6  }
0x7d: {  	[tilespmem:$0x80C0] =	vst v8  }
0x7e: {  	_ =	swait.ge [sflag:s19], $0x2800  }
0x7f: {  	[sflag:s19] =	ssyncset.done $0x0  }
0x80: {  	[sflag:s19] =	ssyncadd.s32 $0xFFFFD800  }
0x81: {  	[spmem:s2] =	stream.indirect.scatter.add.f32 [tilespmem:s16], [sflag:$0x3], $0x80, s20, s14, $0xb8;
	[tilespmem:$0x1C380] =	vst v63  }
0x82: {  	_ =	swait.ge [sflag:s11], $0x2800  }
0x83: {  	s29 =	simm.s32 $0x800;
	s25 =	simm.s32 $0x100;
	[sflag:s11] =	ssyncset.done $0x0  }
.LBB2_7:
0x84: {  	s30 =	sadd.s32 $0x80, s25  }
0x85: {  	[sflag:s11] =	ssyncadd.s32 $0xFFFFD800;
	s28 =	smov.u32 s29;
	s26 =	sadd.s32 $0x400, s29  }
0x86: {  	[tilespmem:s16], [sflag:$0x2] =	stream.indirect.gather [hbm4b:s5+s14], $0x80, s30, s14, $0xb8;
	[tilespmem:$0x1C380] =	vst v63  }
0x87: {  	p0 =	sne.s32 s29, $0xF400;
	v8 =	vld [tilespmem:s25+$0x4000];
	_ =	sdelay $0x4  }
0x88: {  	v8 =	vsub.s32 v8, v7  }
0x89: {  	vm0 =	vlt.u32 v8, $0xA00  }
0x8a: {  	v8 =	vsel vm0, v8, v2  }
0x8b: {  	[tilespmem:$0x8000] =	vst v8  }
0x8c: {  	v8 =	vld [tilespmem:s25+$0x4010];
	_ =	sdelay $0x4  }
0x8d: {  	v8 =	vsub.s32 v8, v7  }
0x8e: {  	vm0 =	vlt.u32 v8, $0xA00  }
0x8f: {  	v8 =	vsel vm0, v8, v3  }
0x90: {  	[tilespmem:$0x8010] =	vst v8  }
0x91: {  	v8 =	vld [tilespmem:s25+$0x4020];
	_ =	sdelay $0x4  }
0x92: {  	v8 =	vsub.s32 v8, v7  }
0x93: {  	vm0 =	vlt.u32 v8, $0xA00  }
0x94: {  	v8 =	vsel vm0, v8, v4  }
0x95: {  	[tilespmem:$0x8020] =	vst v8  }
0x96: {  	v8 =	vld [tilespmem:s25+$0x4030];
	_ =	sdelay $0x4  }
0x97: {  	v8 =	vsub.s32 v8, v7  }
0x98: {  	vm0 =	vlt.u32 v8, $0xA00  }
0x99: {  	v8 =	vsel vm0, v8, v5  }
0x9a: {  	[tilespmem:$0x8030] =	vst v8  }
0x9b: {  	v8 =	vld [tilespmem:s25+$0x4040];
	_ =	sdelay $0x4  }
0x9c: {  	v8 =	vsub.s32 v8, v7  }
0x9d: {  	vm0 =	vlt.u32 v8, $0xA00  }
0x9e: {  	v8 =	vsel vm0, v8, v6  }
0x9f: {  	[tilespmem:$0x8040] =	vst v8  }
0xa0: {  	_ =	swait.ge [sflag:s17], $0x2800  }
0xa1: {  	[sflag:s17] =	ssyncset.done $0x0  }
0xa2: {  	[sflag:s17] =	ssyncadd.s32 $0xFFFFD800  }
0xa3: {  	[spmem:s2] =	stream.indirect.scatter.add.f32 [tilespmem:s15], [sflag:$0x3], $0x80, s18, s14, $0xb8;
	[tilespmem:$0x1C380] =	vst v63  }
0xa4: {  	_ =	swait.ge [sflag:s11], $0x2800  }
0xa5: {  	[sflag:s11] =	ssyncset.done $0x0  }
0xa6: {  	s29 =	sadd.s32 $0x100, s25;
	[sflag:s11] =	ssyncadd.s32 $0xFFFFD800  }
0xa7: {  	[tilespmem:s15], [sflag:$0x1] =	stream.indirect.gather [hbm4b:s5+s14], $0x80, s29, s14, $0xb8;
	[tilespmem:$0x1C380] =	vst v63  }
0xa8: {  	v8 =	vld [tilespmem:s25+$0x4080];
	_ =	sdelay $0x4  }
0xa9: {  	v8 =	vsub.s32 v8, v7  }
0xaa: {  	vm0 =	vlt.u32 v8, $0xA00  }
0xab: {  	v8 =	vsel vm0, v8, v2  }
0xac: {  	[tilespmem:$0x8080] =	vst v8  }
0xad: {  	v8 =	vld [tilespmem:s25+$0x4090];
	_ =	sdelay $0x4  }
0xae: {  	v8 =	vsub.s32 v8, v7  }
0xaf: {  	vm0 =	vlt.u32 v8, $0xA00  }
0xb0: {  	v8 =	vsel vm0, v8, v3  }
0xb1: {  	[tilespmem:$0x8090] =	vst v8  }
0xb2: {  	v8 =	vld [tilespmem:s25+$0x40A0];
	_ =	sdelay $0x4  }
0xb3: {  	v8 =	vsub.s32 v8, v7  }
0xb4: {  	vm0 =	vlt.u32 v8, $0xA00  }
0xb5: {  	v8 =	vsel vm0, v8, v4  }
0xb6: {  	[tilespmem:$0x80A0] =	vst v8  }
0xb7: {  	v8 =	vld [tilespmem:s25+$0x40B0];
	_ =	sdelay $0x4  }
0xb8: {  	v8 =	vsub.s32 v8, v7  }
0xb9: {  	vm0 =	vlt.u32 v8, $0xA00  }
0xba: {  	v8 =	vsel vm0, v8, v5  }
0xbb: {  	[tilespmem:$0x80B0] =	vst v8  }
0xbc: {  	v8 =	vld [tilespmem:s25+$0x40C0];
	_ =	sdelay $0x4  }
0xbd: {  	v8 =	vsub.s32 v8, v7  }
0xbe: {  	vm0 =	vlt.u32 v8, $0xA00  }
0xbf: {  	v8 =	vsel vm0, v8, v6  }
0xc0: {  	[tilespmem:$0x80C0] =	vst v8  }
0xc1: {  	_ =	swait.ge [sflag:s19], $0x2800  }
.Ltmp2:
0xc2: {  	[sflag:s19] =	ssyncset.done $0x0;
	(pc) =	sbr.rel @p0 .LBB2_7-.Ltmp2, $4  }
0xc3: {  	[sflag:s19] =	ssyncadd.s32 $0xFFFFD800  }
0xc4: {  	[spmem:s2] =	stream.indirect.scatter.add.f32 [tilespmem:s16], [sflag:$0x3], $0x80, s20, s14, $0xb8;
	[tilespmem:$0x1C380] =	vst v63  }
0xc5: {  	_ =	swait.ge [sflag:s11], $0x2800  }
0xc6: {  	s29 =	smov.u32 s26;
	s25 =	sshra.s32 s28, $0x2;
	[sflag:s11] =	ssyncset.done $0x0  }
0xc7: {  	s26 =	sadd.s32 $0x80, s25;
	[sflag:s11] =	ssyncadd.s32 $0xFFFFD800  }
0xc8: {  	[tilespmem:s16], [sflag:$0x2] =	stream.indirect.gather [hbm4b:s5+s14], $0x80, s26, s14, $0xb8;
	[tilespmem:$0x1C380] =	vst v63  }
0xc9: {  	v8 =	vld [tilespmem:s25+$0x4000];
	_ =	sdelay $0x4  }
0xca: {  	v8 =	vsub.s32 v8, v7  }
0xcb: {  	vm0 =	vlt.u32 v8, $0xA00  }
0xcc: {  	v8 =	vsel vm0, v8, v2  }
0xcd: {  	[tilespmem:$0x8000] =	vst v8  }
0xce: {  	v8 =	vld [tilespmem:s25+$0x4010];
	_ =	sdelay $0x4  }
0xcf: {  	v8 =	vsub.s32 v8, v7  }
0xd0: {  	vm14 =	vlt.u32 v8, $0xA00  }
0xd1: {  	v8 =	vsel vm14, v8, v3  }
0xd2: {  	[tilespmem:$0x8010] =	vst v8  }
0xd3: {  	v8 =	vld [tilespmem:s25+$0x4020];
	_ =	sdelay $0x4  }
0xd4: {  	v8 =	vsub.s32 v8, v7  }
0xd5: {  	vm15 =	vlt.u32 v8, $0xA00  }
0xd6: {  	v8 =	vsel vm15, v8, v4  }
0xd7: {  	[tilespmem:$0x8020] =	vst v8  }
0xd8: {  	v8 =	vld [tilespmem:s25+$0x4030];
	_ =	sdelay $0x4  }
0xd9: {  	v8 =	vsub.s32 v8, v7  }
0xda: {  	vm4 =	vlt.u32 v8, $0xA00  }
0xdb: {  	v8 =	vsel vm4, v8, v5  }
0xdc: {  	[tilespmem:$0x8030] =	vst v8  }
0xdd: {  	v8 =	vld [tilespmem:s25+$0x4040];
	_ =	sdelay $0x4  }
0xde: {  	v8 =	vsub.s32 v8, v7  }
0xdf: {  	vm5 =	vlt.u32 v8, $0xA00  }
0xe0: {  	v8 =	vsel vm5, v8, v6  }
0xe1: {  	[tilespmem:$0x8040] =	vst v8  }
0xe2: {  	_ =	swait.ge [sflag:s17], $0x2800  }
0xe3: {  	[sflag:s17] =	ssyncset.done $0x0  }
0xe4: {  	[sflag:s17] =	ssyncadd.s32 $0xFFFFD800  }
0xe5: {  	[spmem:s2] =	stream.indirect.scatter.add.f32 [tilespmem:s15], [sflag:$0x3], $0x80, s18, s14, $0xb8;
	[tilespmem:$0x1C380] =	vst v63  }
0xe6: {  	_ =	swait.ge [sflag:s11], $0x2800  }
0xe7: {  	[sflag:s11] =	ssyncset.done $0x0  }
0xe8: {  	s31 =	sadd.s32 $0x100, s25;
	[sflag:s11] =	ssyncadd.s32 $0xFFFFD800  }
0xe9: {  	[tilespmem:s15], [sflag:$0x1] =	stream.indirect.gather [hbm4b:s5+s14], $0x80, s31, s14, $0xb8;
	[tilespmem:$0x1C380] =	vst v63  }
0xea: {  	v8 =	vld [tilespmem:s25+$0x4080];
	_ =	sdelay $0x4  }
0xeb: {  	v8 =	vsub.s32 v8, v7  }
0xec: {  	vm6 =	vlt.u32 v8, $0xA00  }
0xed: {  	v8 =	vsel vm6, v8, v2  }
0xee: {  	[tilespmem:$0x8080] =	vst v8  }
0xef: {  	v8 =	vld [tilespmem:s25+$0x4090];
	_ =	sdelay $0x4  }
0xf0: {  	v8 =	vsub.s32 v8, v7  }
0xf1: {  	vm7 =	vlt.u32 v8, $0xA00  }
0xf2: {  	v8 =	vsel vm7, v8, v3  }
0xf3: {  	[tilespmem:$0x8090] =	vst v8  }
0xf4: {  	v8 =	vld [tilespmem:s25+$0x40A0];
	_ =	sdelay $0x4  }
0xf5: {  	v8 =	vsub.s32 v8, v7  }
0xf6: {  	vm8 =	vlt.u32 v8, $0xA00  }
0xf7: {  	v8 =	vsel vm8, v8, v4  }
0xf8: {  	[tilespmem:$0x80A0] =	vst v8  }
0xf9: {  	v8 =	vld [tilespmem:s25+$0x40B0];
	_ =	sdelay $0x4  }
0xfa: {  	v8 =	vsub.s32 v8, v7  }
0xfb: {  	vm9 =	vlt.u32 v8, $0xA00  }
0xfc: {  	v8 =	vsel vm9, v8, v5  }
0xfd: {  	[tilespmem:$0x80B0] =	vst v8  }
0xfe: {  	v8 =	vld [tilespmem:s25+$0x40C0];
	_ =	sdelay $0x4  }
0xff: {  	v8 =	vsub.s32 v8, v7  }
0x100: {  	vm10 =	vlt.u32 v8, $0xA00  }
0x101: {  	v8 =	vsel vm10, v8, v6  }
0x102: {  	[tilespmem:$0x80C0] =	vst v8  }
0x103: {  	_ =	swait.ge [sflag:s19], $0x2800  }
0x104: {  	[sflag:s19] =	ssyncset.done $0x0  }
0x105: {  	[sflag:s19] =	ssyncadd.s32 $0xFFFFD800  }
0x106: {  	[spmem:s2] =	stream.indirect.scatter.add.f32 [tilespmem:s16], [sflag:$0x3], $0x80, s20, s14, $0xb8;
	[tilespmem:$0x1C380] =	vst v63  }
0x107: {  	_ =	swait.ge [sflag:s11], $0x2800  }
0x108: {  	[sflag:s11] =	ssyncset.done $0x0  }
0x109: {  	[sflag:s11] =	ssyncadd.s32 $0xFFFFD800  }
0x10a: {  	v8 =	vld [tilespmem:$0x7E00]  }
0x10b: {  	v9 =	vld [tilespmem:$0x7E10]  }
0x10c: {  	v10 =	vld [tilespmem:$0x7E20]  }
0x10d: {  	v11 =	vld [tilespmem:$0x7E30]  }
0x10e: {  	v12 =	vld [tilespmem:$0x7E40];
	_ =	sdelay $0x3  }
0x10f: {  	v8 =	vsub.s32 v8, v7;
	v9 =	vsub.s32 v9, v7;
	v10 =	vsub.s32 v10, v7  }
0x110: {  	v63 =	vsub.s32 v11, v7;
	v7 =	vsub.s32 v12, v7;
	vm11 =	vlt.u32 v8, $0xA00  }
0x111: {  	vm15 =	vlt.u32 v7, $0xA00;
	v8 =	vsel vm11, v8, v2  }
0x112: {  	vm12 =	vlt.u32 v9, $0xA00;
	v7 =	vsel vm15, v7, v6;
	[tilespmem:$0x8000] =	vst v8  }
0x113: {  	vm13 =	vlt.u32 v10, $0xA00;
	v8 =	vsel vm12, v9, v3;
	[tilespmem:$0x8040] =	vst v7  }
0x114: {  	vm14 =	vlt.u32 v63, $0xA00;
	[tilespmem:$0x8010] =	vst v8;
	v8 =	vsel vm13, v10, v4  }
0x115: {  	[tilespmem:$0x8020] =	vst v8;
	v8 =	vsel vm14, v63, v5  }
0x116: {  	[tilespmem:$0x8030] =	vst v8  }
0x117: {  	_ =	swait.ge [sflag:s17], $0x2800  }
0x118: {  	[sflag:s17] =	ssyncset.done $0x0  }
0x119: {  	[sflag:s17] =	ssyncadd.s32 $0xFFFFD800  }
0x11a: {  	[spmem:s2] =	stream.indirect.scatter.add.f32 [tilespmem:s15], [sflag:$0x3], $0x80, s18, s14, $0xb8;
	[tilespmem:$0x1C380] =	vst v63  }
0x11b: {  	_ =	swait.ge [sflag:s11], $0x2800  }
0x11c: {  	[sflag:s11] =	ssyncset.done $0x0  }
0x11d: {  	[sflag:s11] =	ssyncadd.s32 $0xFFFFD800  }
0x11e: {  	[bflag:$0x0] =	sbarrier.arrive $0xFFFF  }
0x11f: {  	[tilespmem:s21], [sflag:$0x3] =	stream.linear.gather [spmem:s8], $0x5000, $0x38;
	[tilespmem:$0x1C380] =	vst v63  }
0x120: {  	s24 =	sadd.s32 s24, s9;
	_ =	swait.ge [sflag:s11], $0x5000  }
0x121: {  	s23 =	sadd.s32 $0x1, s23;
	s24 =	sshll.u32 s24, $0x4;
	[sflag:s11] =	ssyncset.done $0x0  }
0x122: {  	p0 =	sne.s32 s23, $0x4;
	s24 =	sadd.s32 s1, s24;
	[sflag:s11] =	ssyncadd.s32 $0xFFFFB000  }
0x123: {  	[hbm4b:s24+s3] =	stream.linear.scatter [tilespmem:s21], [sflag:$0x3], $0x5000, $0x38;
	[tilespmem:$0x1C380] =	vst v63  }
.Ltmp3:
0x124: {  	_ =	swait.ge [sflag:s11], $0x5000;
	(pc) =	sbr.rel @p0 .LBB2_6-.Ltmp3, $3  }
0x125: {  	[sflag:s11] =	ssyncset.done $0x0  }
0x126: {  	[sflag:s11] =	ssyncadd.s32 $0xFFFFB000  }
0x127: {  	[bflag:$0x0] =	sbarrier.arrive $0xFFFF;
	_ =	sdelay $0x1  }
0x128: {  	s22 =	sadd.s32 $0x1, s22  }
0x129: {  	p0 =	sne.s32 s22, s10  }
.Ltmp4:
0x12a: {  	_ = 	snop;
	(pc) =	sbr.rel @p0 .LBB2_1-.Ltmp4, $1  }
0x12b: {  	_ =	sdelay $0x3  }
0x12c: {  	_ =	sfence.sel $0x180000  }
0x12d: {  	[bflag:$0x0] =	sbarrier.arrive $0xFFFF  }
0x12e: {  	p0 =	sne.s32 s4, $0x0;
	_ =	strace $0x9000004A  }
0x12f: {  	s0 =	sadd.s32 @!p0 $0x100000, s0;
	[bflag:$0x2] =	sbarrier.arrive $0xFFFF  }
0x130: {  	[sflag:s0] =	ssyncadd.tile.s32 @!p0 $0x1;
	_ =	shalt  }
.Lfunc_end2:
_tile_overlayer_lowered:
.L_overlay_start_2:
0x131: {  	(tag) =	ssettag $0x2  }
0x132: {  	s0 =	rddreg [dreg:$0x0];
	s2 =	stileid.u32  }
0x133: {  	s1 =	rddreg [dreg:$0x1];
	p0 =	sne.s32 s2, $0x0  }
0x134: {  	s3 =	rddreg [dreg:$0x2];
	[bflag:$0x3] =	sbarrier.arrive $0xFFFF;
	s2 =	simm.s32 @!p0 $0x1C03  }
0x135: {  	[timem:s3], [sflag:s2] =	dma.local @!p0 [hbm:s0], s1  }
0x136: {  	s0 =	simm.s32 @!p0 $0x3  }
0x137: {  	_ =	swait.ge @!p0 [sflag:s0], s1  }
0x138: {  	s1 =	ssub.s32 @!p0 $0x0, s1;
	[sflag:s0] =	ssyncset.done @!p0 $0x0  }
0x139: {  	[sflag:s0] =	ssyncadd.s32 @!p0 s1  }
0x13a: {  	[bflag:$0x3] =	sbarrier.arrive $0xFFFF  }
0x13b: {  	_ =	shalt  }

// kernel: kernel.8.cloned.1.call-start
scs
__scs_entry_jumppad:
0x0: {  	(pc) =	sbr.rel $0x88, $3  }
0x1: {  	(tag) =	ssettag $0x0;
	lr =	simm.s32 $0x1  }
0x2: {  	[smem:$0x3F93] =	sst lr;
	_ =	strace $0xD0000000  }
0x3: {  	_ = 	snop  }
0x4: {  	_ = 	snop  }
0x5: {  	_ = 	snop  }
0x6: {  	_ = 	snop  }
0x7: {  	_ = 	snop  }
__scs_overlays_trampoline_lowered:
0x8: {  	[smem:$0x3FA2] =	sst s0  }
0x9: {  	[smem:$0x3FA3] =	sst s1  }
0xa: {  	[smem:$0x3FA4] =	sst s2  }
0xb: {  	[smem:$0x3FA5] =	sst s3  }
0xc: {  	[smem:$0x3FA6] =	sst s4  }
0xd: {  	[smem:$0x3FA7] =	sst s5  }
0xe: {  	[smem:$0x3FA8] =	sst s6  }
0xf: {  	[smem:$0x3FA9] =	sst s7  }
0x10: {  	[smem:$0x3FAA] =	sst s8  }
0x11: {  	[smem:$0x3FAB] =	sst s9;
	s0 =	simm.s32 @!p0 $0x0  }
0x12: {  	s1 =	sld [smem:$0x3F91];
	s0 =	simm.s32 @p0 $0x1  }
0x13: {  	[smem:$0x3FAC] =	sst s0;
	s0 =	simm.s32 @!p1 $0x0  }
0x14: {  	s2 =	sld [smem:$0x3F90];
	s0 =	simm.s32 @p1 $0x1  }
0x15: {  	[smem:$0x3FAD] =	sst s0;
	s0 =	simm.s32 @!p2 $0x0  }
0x16: {  	s3 =	sld [smem:$0x3FDB];
	s0 =	simm.s32 @p2 $0x1  }
0x17: {  	s4 =	simm.s32 $0x1BF5;
	[smem:$0x3FAF] =	sst s0  }
0x18: {  	s0 =	sld [smem:$0x3F92];
	_ =	swait.ge [sflag:s4], $0x0  }
0x19: {  	s7 =	sld [smem:$0x3F93]  }
0x1a: {  	s8 =	sadd.s32 $0xFFFFE003, lr  }
0x1b: {  	s9 =	sadd.s32 $0xFFFFFEF7, lr;
	s5 =	simm.s32 $0xFFFFFFFF;
	p2 =	slt.u32 s8, $0xFFFFF086  }
0x1c: {  	p1 =	slt.u32 s9, $0xF7A;
	s5 =	simm.s32 @!p2 $0x0  }
0x1d: {  	s5 =	simm.s32 @p1 $0x1;
	p0 =	seq.s32 s7, s2  }
0x1e: {  	s7 =	smul.u32 @!p0 $0xF7A, s2;
	p2 =	seq.s32 @!p0 s5, $0x0  }
0x1f: {  	s9 =	smul.u32 $0xF7A, s1;
	s8 =	simm.s32 @!p0 $0x1BF5;
	p2 =	por !p2, p0  }
0x20: {  	[sflag:s8] =	ssyncset.s32 @!p0 $0xFFFFF086;
	s6 =	sadd.s32 @!p0 s3, s7;
	s7 =	simm.s32 @!p0 $0x108  }
0x21: {  	s3 =	sadd.s32 s3, s9;
	s6 =	sadd.s32 @!p0 $0x88, s6;
	s7 =	simm.s32 @p2 $0x1082  }
0x22: {  	[simem:s7], [sflag:s8] =	dma.local @!p0 [hbm:s6], $0xF7A  }
0x23: {  	s9 =	sor.u32 $0xD0000000, s2;
	s6 =	simm.s32 $0x108;
	_ =	swait.ge @!p0 [sflag:s8], $0x0  }
0x24: {  	s3 =	sadd.s32 $0x88, s3;
	s6 =	simm.s32 @!p1 $0x1082;
	[sflag:s4] =	ssyncset.s32 $0xFFFFF086  }
0x25: {  	[simem:s6], [sflag:s4] =	dma.local [hbm:s3], $0xF7A  }
0x26: {  	[smem:$0x3F93] =	sst s1;
	(tag) =	ssettag s2;
	_ =	strace s9  }
0x27: {  	s1 =	sld [smem:$0x3FA3]  }
0x28: {  	s2 =	sld [smem:$0x3FA4]  }
0x29: {  	s4 =	sld [smem:$0x3FA6]  }
0x2a: {  	p0 =	seq.s32 s5, $0x0;
	s5 =	sld [smem:$0x3FA7]  }
0x2b: {  	s6 =	sld [smem:$0x3FA8]  }
0x2c: {  	s7 =	sld [smem:$0x3FA9]  }
0x2d: {  	s3 =	simm.s32 $0x108;
	s8 =	sld [smem:$0x3FAA]  }
0x2e: {  	s3 =	simm.s32 @!p0 $0x1082;
	s9 =	sld [smem:$0x3FAB]  }
0x2f: {  	lr =	sadd.s32 s0, s3;
	s0 =	sld [smem:$0x3FA2]  }
0x30: {  	s3 =	sld [smem:$0x3FA5]  }
0x31: {  	[smem:$0x3FAE] =	sst s10  }
0x32: {  	s10 =	sld [smem:$0x3FAC];
	_ =	sdelay $0x3  }
0x33: {  	p0 =	seq.s32 s10, $0x1;
	s10 =	sld [smem:$0x3FAE];
	_ =	sdelay $0x3  }
0x34: {  	[smem:$0x3FAE] =	sst s10  }
0x35: {  	s10 =	sld [smem:$0x3FAD];
	_ =	sdelay $0x3  }
0x36: {  	p1 =	seq.s32 s10, $0x1;
	s10 =	sld [smem:$0x3FAE];
	_ =	sdelay $0x3  }
0x37: {  	[smem:$0x3FAE] =	sst s10  }
0x38: {  	s10 =	sld [smem:$0x3FAF]  }
0x39: {  	_ = 	snop;
	(pc) =	sbr.ind lr, $3  }
0x3a: {  	_ = 	snop  }
0x3b: {  	_ = 	snop  }
0x3c: {  	p2 =	seq.s32 s10, $0x1;
	s10 =	sld [smem:$0x3FAE]  }
0x3d: {  	_ =	shalt  }
0x3e: {  	_ =	shalt  }
0x3f: {  	_ =	shalt  }
0x40: {  	_ =	shalt  }
0x41: {  	_ =	shalt  }
0x42: {  	_ =	shalt  }
0x43: {  	_ =	shalt  }
0x44: {  	_ =	shalt  }
0x45: {  	_ =	shalt  }
0x46: {  	_ =	shalt  }
0x47: {  	_ =	shalt  }
0x48: {  	_ =	shalt  }
0x49: {  	_ =	shalt  }
0x4a: {  	_ =	shalt  }
0x4b: {  	_ =	shalt  }
0x4c: {  	_ =	shalt  }
0x4d: {  	_ =	shalt  }
0x4e: {  	_ =	shalt  }
0x4f: {  	_ =	shalt  }
0x50: {  	_ =	shalt  }
0x51: {  	_ =	shalt  }
0x52: {  	_ =	shalt  }
0x53: {  	_ =	shalt  }
0x54: {  	_ =	shalt  }
0x55: {  	_ =	shalt  }
0x56: {  	_ =	shalt  }
0x57: {  	_ =	shalt  }
0x58: {  	_ =	shalt  }
0x59: {  	_ =	shalt  }
0x5a: {  	_ =	shalt  }
0x5b: {  	_ =	shalt  }
0x5c: {  	_ =	shalt  }
0x5d: {  	_ =	shalt  }
0x5e: {  	_ =	shalt  }
0x5f: {  	_ =	shalt  }
0x60: {  	_ =	shalt  }
0x61: {  	_ =	shalt  }
0x62: {  	_ =	shalt  }
0x63: {  	_ =	shalt  }
0x64: {  	_ =	shalt  }
0x65: {  	_ =	shalt  }
0x66: {  	_ =	shalt  }
0x67: {  	_ =	shalt  }
0x68: {  	_ =	shalt  }
0x69: {  	_ =	shalt  }
0x6a: {  	_ =	shalt  }
0x6b: {  	_ =	shalt  }
0x6c: {  	_ =	shalt  }
0x6d: {  	_ =	shalt  }
0x6e: {  	_ =	shalt  }
0x6f: {  	_ =	shalt  }
0x70: {  	_ =	shalt  }
0x71: {  	_ =	shalt  }
0x72: {  	_ =	shalt  }
0x73: {  	_ =	shalt  }
0x74: {  	_ =	shalt  }
0x75: {  	_ =	shalt  }
0x76: {  	_ =	shalt  }
0x77: {  	_ =	shalt  }
0x78: {  	_ =	shalt  }
0x79: {  	_ =	shalt  }
0x7a: {  	_ =	shalt  }
0x7b: {  	_ =	shalt  }
0x7c: {  	_ =	shalt  }
0x7d: {  	_ =	shalt  }
0x7e: {  	_ =	shalt  }
0x7f: {  	_ =	shalt  }
0x80: {  	_ =	shalt  }
0x81: {  	_ =	shalt  }
0x82: {  	_ =	shalt  }
0x83: {  	_ =	shalt  }
0x84: {  	_ =	shalt  }
0x85: {  	_ =	shalt  }
0x86: {  	_ =	shalt  }
0x87: {  	_ =	shalt  }
.Lfunc_end0:
.L_simem_size_0:
called_computation_lowered:
.L_overlay_start_0:
0x88: {  	s2 =	sld [smem:$0x3FD9]  }
0x89: {  	s3 =	sld [smem:$0x3FFE];
	_ =	sdelay $0x1  }
0x8a: {  	s1 =	srdreg.scid  }
0x8b: {  	s0 =	sand.u32 $0x1, s1  }
0x8c: {  	s17 =	sshll.u32 s0, $0xA;
	s2 =	sadd.s32 s3, s2  }
0x8d: {  	s2 =	sadd.s32 s2, s17  }
0x8e: {  	[smem:$0x3FBA] =	sst s2  }
0x8f: {  	_ = 	snop  }
0x90: {  	s2 =	sld [smem:$0x3FD0];
	(tm) =	ssettm $0x1  }
0x91: {  	s18 =	sld [smem:$0x3FFB];
	_ =	sdelay $0x3  }
0x92: {  	_ =	strace s18  }
0x93: {  	s3 =	sld [smem:$0x3FFC];
	_ =	sdelay $0x3  }
0x94: {  	_ =	strace s3  }
0x95: {  	s3 =	sld [smem:$0x3FFD];
	_ =	sdelay $0x3  }
0x96: {  	_ =	strace s3  }
0x97: {  	_ =	strace $0x8FFFFFFF  }
0x98: {  	s19 =	sld [smem:$0x3FDB];
	_ =	sdelay $0x1  }
0x99: {  	s4 =	simm.s32 $_scs_section_size  }
0x9a: {  	s5 =	simm.s32 $_size__tile_overlayer_lowered;
	s6 =	simm.s32 $_tile_overlayer_lowered  }
0x9b: {  	s22 =	simm.s32 $0x1BFF;
	s21 =	sshll.u32 s6, $0x1;
	s3 =	sadd.s32 s4, s19  }
0x9c: {  	s7 =	simm.s32 $0x0;
	s20 =	sshll.u32 s5, $0x1;
	s5 =	sadd.s32 s21, s3  }
0x9d: {  	[timem:s7], [sflag:s22] =	dma.local [hbm:s5], s20  }
0x9e: {  	_ =	swait.ge [sflag:s22], s20  }
0x9f: {  	s4 =	ssub.s32 $0x0, s20;
	[sflag:s22] =	ssyncset.done $0x0  }
0xa0: {  	[sflag:s22] =	ssyncadd.s32 s4;
	_ =	sdelay $0x1  }
0xa1: {  	s23 =	simm.s32 $0x1B8B  }
0xa2: {  	_ =	swait.ge [sflag:s23], $0x1  }
0xa3: {  	[sflag:s23] =	ssyncset.done $0x0  }
0xa4: {  	s25 =	simm.s32 $0x1B8E;
	s24 =	sld [smem:$0x3FFE];
	[sflag:s23] =	ssyncadd.s32 $0xFFFFFFFF  }
0xa5: {  	s26 =	simm.s32 $execute0_lowered;
	[smem:$0x3FD2] =	sst s25  }
0xa6: {  	s5 =	sshll.u32 s26, $0x1;
	_ =	strace $0x80000046;
	[dreg:$0x1] =	wrdreg $0xFFFFFFFF  }
0xa7: {  	s28 =	simm.s32 $_size_execute0_lowered;
	s3 =	sadd.s32 s3, s5;
	[dreg:$0x0] =	wrdreg $0x0  }
0xa8: {  	s5 =	sshll.u32 s28, $0x1;
	[dreg:$0x2] =	wrdreg s3  }
0xa9: {  	[dreg:$0x3] =	wrdreg s5  }
0xaa: {  	[dreg:$0x4] =	wrdreg $0xC0  }
0xab: {  	_ =	task [dreg:s7], $0x5FFFF  }
0xac: {  	[dreg:$0x1] =	wrdreg $0xFFFFFFFF  }
0xad: {  	[dreg:$0x0] =	wrdreg $0x60  }
0xae: {  	[dreg:$0x2] =	wrdreg s24  }
0xaf: {  	[dreg:$0x3] =	wrdreg s2  }
0xb0: {  	[dreg:$0x4] =	wrdreg $0x171000  }
0xb1: {  	[dreg:$0x5] =	wrdreg $0x9  }
0xb2: {  	_ =	task.clear_ibuf [dreg:s7], $0x6FFFF;
	_ =	strace $0x90000046  }
0xb3: {  	s29 =	simm.s32 $0x9;
	_ =	strace $0x80000048  }
0xb4: {  	_ =	swait.ge [sflag:s29], $0x1  }
0xb5: {  	[sflag:s29] =	ssyncadd.s32 $0xFFFFFFFF  }
0xb6: {  	_ =	strace $0x90000048  }
0xb7: {  	_ =	sfence  }
0xb8: {  	s30 =	sld [smem:$0x0];
	_ =	sdelay $0x2  }
0xb9: {  	s31 =	sshll.u32 s1, $0xD;
	s1 =	sshrl.u32 s1, $0x2  }
0xba: {  	s3 =	sand.u32 $0x4000, s31;
	s1 =	sadd.s32 s1, s30  }
0xbb: {  	s0 =	sor.u32 s3, s0;
	s1 =	sshll.u32 s1, $0x11  }
0xbc: {  	s0 =	sor.u32 s1, s0  }
0xbd: {  	s0 =	sadd.s32 $0x8F2B, s0  }
0xbe: {  	[sflag:s0] =	ssyncadd.remote.s32 $0x1  }
0xbf: {  	_ =	sfence.sel $0xFFFF  }
0xc0: {  	[dreg:$0x0] =	wrdreg $0xFFFFFFFF;
	(pc) =	sbr.abs _section_cstart, $3  }
0xc1: {  	[dreg:$0x1] =	wrdreg $0xFFFFFFFF  }
0xc2: {  	_ =	task.clear_ibuf [dreg:s7], $0x2FFFF;
	_ =	strace $0x9FFFFFFF  }
0xc3: {  	(tm) =	ssettm $0x7FFFFFFF  }
tec
execute0_lowered:
.L_overlay_start_1:
0x0: {  	(tag) =	ssettag $0x1  }
0x1: {  	s6 =	rddreg [dreg:$0x0]  }
0x2: {  	s1 =	rddreg [dreg:$0x1]  }
0x3: {  	s2 =	rddreg [dreg:$0x2]  }
0x4: {  	s0 =	rddreg [dreg:$0x3];
	s3 =	simm.s32 $0x0  }
0x5: {  	s7 =	srdreg.scid;
	s4 =	stileid.u32;
	s13 =	simm.s32 $0xD100  }
0x6: {  	s15 =	simm.s32 $0x8100;
	s16 =	simm.s32 $0xA900;
	s17 =	simm.s32 $0x1  }
0x7: {  	s18 =	simm.s32 $0x8000;
	s19 =	simm.s32 $0x2;
	s20 =	simm.s32 $0x8080  }
0x8: {  	s21 =	simm.s32 $0x12100;
	s22 =	simm.s32 $0x0;
	[smem:$0x7FF] =	sst s3  }
0x9: {  	s5 =	sadd.s32 $0x13400, s6;
	s8 =	sand.u32 $0x1, s7;
	s10 =	smul.u32 $0xA0, s4  }
0xa: {  	s28 =	sshll.u32 s4, $0xB;
	s11 =	smul.u32 $0x14000, s4;
	_ =	strace $0x80000047  }
0xb: {  	s9 =	ssub.s32 $0x2, s8;
	s7 =	sadd.s32 s28, s6;
	s30 =	smul.u32 $0x2800, s8  }
0xc: {  	s14 =	smul.u32 $0x2710, s8;
	s29 =	sshrl.u32 s9, $0x1;
	s6 =	sadd.s32 $0xB400, s7  }
0xd: {  	v6 =	vlaneseq.u32;
	v1 =	vimm.f32 $0.0e+00;
	s7 =	sadd.s32 $0x3400, s7;
	s31 =	sshrl.u32 s11, $0x2;
	s11 =	simm.s32 $0x3  }
0xe: {  	v2 =	vor.u32 $0xA00, v6;
	v3 =	vor.u32 $0xA10, v6;
	v4 =	vor.u32 $0xA20, v6;
	s12 =	ssub.s32 s9, s29;
	s8 =	sadd.s32 s31, s2;
	s9 =	sadd.s32 s30, s10  }
0xf: {  	v5 =	vor.u32 $0xA30, v6;
	v6 =	vor.u32 $0xA40, v6;
	v0 =	vmov s14;
	s14 =	simm.s32 $0x50;
	s10 =	smax.u32 s12, $0x1;
	s12 =	simm.s32 $0x4000  }
.LBB2_1:
0x10: {  	[tilespmem:s3], [sflag:$0x3] =	stream.linear.gather [hbm4b:s6+s3], $0x3E80, $0x38;
	[tilespmem:$0x1C380] =	vst v63  }
0x11: {  	s23 =	smul.u32 $0xCCCD, s3  }
0x12: {  	_ =	swait.ge [sflag:s11], $0x3E80  }
0x13: {  	[sflag:s11] =	ssyncset.done $0x0;
	s23 =	sshrl.u32 s23, $0x12  }
0x14: {  	[sflag:s11] =	ssyncadd.s32 $0xFFFFC180;
	s24 =	smul.u32 $0x5, s23  }
0x15: {  	[tilespmem:s12], [sflag:$0x3] =	stream.linear.gather [hbm4b:s7+s3], $0x3E80, $0x38;
	[tilespmem:$0x1C380] =	vst v63  }
0x16: {  	s25 =	simm.s32 $0x1;
	s24 =	ssub.s32 $0x0, s24  }
0x17: {  	s25 =	smul.u32 $0xCCCD, s25;
	_ =	swait.ge [sflag:s11], $0x3E80;
	s24 =	sand.u32 $0xFFFF, s24  }
0x18: {  	s23 =	sshll.u32 s23, $0x7;
	[sflag:s11] =	ssyncset.done $0x0;
	s24 =	sshll.u32 s24, $0x4  }
0x19: {  	[sflag:s11] =	ssyncadd.s32 $0xFFFFC180;
	s24 =	sor.u32 s24, s23  }
0x1a: {  	s28 =	sshrl.u32 s25, $0x12;
	v7 =	vld [tilespmem:s24+$0x0]  }
0x1b: {  	s25 =	smul.u32 $0x5, s28;
	_ =	sdelay $0x1  }
0x1c: {  	s25 =	ssub.s32 $0x1, s25;
	s23 =	simm.s32 $0x2  }
0x1d: {  	s29 =	sand.u32 $0xFFFF, s25;
	s26 =	smul.u32 $0xCCCD, s23  }
0x1e: {  	s28 =	sshll.u32 s28, $0x7;
	s25 =	simm.s32 $0x3;
	s29 =	sshll.u32 s29, $0x4;
	v7 =	vadd.s32 v0, v7  }
.LBB2_2:
0x1f: {  	p0 =	sne.s32 s25, $0x270;
	[tilespmem:s24+$0x0] =	vst v7;
	s24 =	sor.u32 s29, s28;
	s28 =	sshrl.u32 s26, $0x12  }
0x20: {  	v7 =	vld [tilespmem:s24+$0x0];
	s26 =	smul.u32 $0x5, s28  }
.Ltmp0:
0x21: {  	(pc) =	sbr.rel @p0 .LBB2_2-.Ltmp0, $4  }
0x22: {  	_ = 	snop  }
0x23: {  	s29 =	ssub.s32 s23, s26;
	s23 =	smov.u32 s25  }
0x24: {  	s26 =	smul.u32 $0xCCCD, s25;
	s29 =	sand.u32 $0xFFFF, s29  }
0x25: {  	s28 =	sshll.u32 s28, $0x7;
	s25 =	sadd.s32 $0x1, s25;
	s29 =	sshll.u32 s29, $0x4;
	v7 =	vadd.s32 v0, v7  }
0x26: {  	s25 =	sor.u32 s29, s28;
	[tilespmem:s24+$0x0] =	vst v7  }
0x27: {  	s29 =	sshrl.u32 s26, $0x12;
	v7 =	vld [tilespmem:s25+$0x0]  }
0x28: {  	s26 =	smul.u32 $0x5, s29;
	_ =	sdelay $0x1  }
0x29: {  	s23 =	ssub.s32 s23, s26  }
0x2a: {  	s23 =	sand.u32 $0xFFFF, s23  }
0x2b: {  	s24 =	sshll.u32 s29, $0x7;
	s23 =	sshll.u32 s23, $0x4;
	v7 =	vadd.s32 v0, v7  }
0x2c: {  	s24 =	sor.u32 s23, s24;
	[tilespmem:s25+$0x0] =	vst v7  }
0x2d: {  	v7 =	vld [tilespmem:s24+$0x0];
	_ =	sdelay $0x2  }
0x2e: {  	s23 =	simm.s32 $0x0  }
0x2f: {  	s30 =	sand.u32 $0x1FE00, s23  }
0x30: {  	s31 =	sand.u32 $0x70, s23;
	s25 =	sshrl.u32 s30, $0x2;
	v7 =	vadd.s32 v0, v7  }
0x31: {  	s26 =	sor.u32 s31, s25;
	s25 =	simm.s32 $0x0;
	[tilespmem:s24+$0x0] =	vst v7;
	s24 =	simm.s32 $0x40  }
.LBB2_4:
0x32: {  	p0 =	sne.s32 s24, $0x13FC0  }
0x33: {  	[tilespmem:s26+$0xD100] =	vst v1;
	s25 =	sadd.s32 $0x10, s25;
	s26 =	smov.u32 s24;
	s24 =	sadd.s32 $0x40, s24  }
.Ltmp1:
0x34: {  	(pc) =	sbr.rel @p0 .LBB2_4-.Ltmp1, $4  }
0x35: {  	_ = 	snop  }
0x36: {  	s26 =	sand.u32 $0x1FE00, s26  }
0x37: {  	s28 =	sand.u32 $0x70, s25;
	s26 =	sshrl.u32 s26, $0x2  }
0x38: {  	s26 =	sor.u32 s28, s26  }
0x39: {  	[tilespmem:s26+$0xD100] =	vst v1  }
.LBB2_6:
0x3a: {  	[spmem:s8] =	stream.linear.scatter [tilespmem:s13], [sflag:$0x3], $0x5000, $0x38;
	[tilespmem:$0x1C380] =	vst v63  }
0x3b: {  	_ =	swait.ge [sflag:s11], $0x5000  }
0x3c: {  	[sflag:s11] =	ssyncset.done $0x0  }
0x3d: {  	[sflag:s11] =	ssyncadd.s32 $0xFFFFB000  }
0x3e: {  	s24 =	simm.s32 $0x0;
	[bflag:$0x0] =	sbarrier.arrive $0xFFFF  }
0x3f: {  	[tilespmem:s15], [sflag:$0x1] =	stream.indirect.gather [hbm4b:s5+s14], $0x80, s24, s14, $0xb8;
	[tilespmem:$0x1C380] =	vst v63  }
0x40: {  	s25 =	simm.s32 $0x0;
	s31 =	simm.s32 $0x80  }
0x41: {  	[tilespmem:s16], [sflag:$0x2] =	stream.indirect.gather [hbm4b:s5+s14], $0x80, s31, s14, $0xb8;
	[tilespmem:$0x1C380] =	vst v63  }
0x42: {  	v8 =	vld [tilespmem:s25+$0x4000];
	_ =	sdelay $0x1  }
0x43: {  	s24 =	smul.u32 $0xA00, s23;
	_ =	sdelay $0x1  }
0x44: {  	v7 =	vmov s24  }
0x45: {  	v8 =	vsub.s32 v8, v7  }
0x46: {  	vm0 =	vlt.u32 v8, $0xA00  }
0x47: {  	v8 =	vsel vm0, v8, v2  }
0x48: {  	[tilespmem:$0x8000] =	vst v8  }
0x49: {  	v8 =	vld [tilespmem:s25+$0x4010];
	_ =	sdelay $0x4  }
0x4a: {  	v8 =	vsub.s32 v8, v7  }
0x4b: {  	vm7 =	vlt.u32 v8, $0xA00  }
0x4c: {  	v8 =	vsel vm7, v8, v3  }
0x4d: {  	[tilespmem:$0x8010] =	vst v8  }
0x4e: {  	v8 =	vld [tilespmem:s25+$0x4020];
	_ =	sdelay $0x4  }
0x4f: {  	v8 =	vsub.s32 v8, v7  }
0x50: {  	vm8 =	vlt.u32 v8, $0xA00  }
0x51: {  	v8 =	vsel vm8, v8, v4  }
0x52: {  	[tilespmem:$0x8020] =	vst v8  }
0x53: {  	v8 =	vld [tilespmem:s25+$0x4030];
	_ =	sdelay $0x4  }
0x54: {  	v8 =	vsub.s32 v8, v7  }
0x55: {  	vm9 =	vlt.u32 v8, $0xA00  }
0x56: {  	v8 =	vsel vm9, v8, v5  }
0x57: {  	[tilespmem:$0x8030] =	vst v8  }
0x58: {  	v8 =	vld [tilespmem:s25+$0x4040];
	_ =	sdelay $0x4  }
0x59: {  	v8 =	vsub.s32 v8, v7  }
0x5a: {  	vm10 =	vlt.u32 v8, $0xA00  }
0x5b: {  	v8 =	vsel vm10, v8, v6  }
0x5c: {  	[tilespmem:$0x8040] =	vst v8  }
0x5d: {  	_ =	swait.ge [sflag:s17], $0x2800  }
0x5e: {  	[sflag:s17] =	ssyncset.done $0x0  }
0x5f: {  	[sflag:s17] =	ssyncadd.s32 $0xFFFFD800  }
0x60: {  	[spmem:s2] =	stream.indirect.scatter.add.f32 [tilespmem:s15], [sflag:$0x3], $0x80, s18, s14, $0xb8;
	[tilespmem:$0x1C380] =	vst v63  }
0x61: {  	_ =	swait.ge [sflag:s11], $0x2800  }
0x62: {  	[sflag:s11] =	ssyncset.done $0x0  }
0x63: {  	s26 =	simm.s32 $0x100;
	[sflag:s11] =	ssyncadd.s32 $0xFFFFD800  }
0x64: {  	[tilespmem:s15], [sflag:$0x1] =	stream.indirect.gather [hbm4b:s5+s14], $0x80, s26, s14, $0xb8;
	[tilespmem:$0x1C380] =	vst v63  }
0x65: {  	v8 =	vld [tilespmem:s25+$0x4080];
	_ =	sdelay $0x4  }
0x66: {  	v8 =	vsub.s32 v8, v7  }
0x67: {  	vm11 =	vlt.u32 v8, $0xA00  }
0x68: {  	v8 =	vsel vm11, v8, v2  }
0x69: {  	[tilespmem:$0x8080] =	vst v8  }
0x6a: {  	v8 =	vld [tilespmem:s25+$0x4090];
	_ =	sdelay $0x4  }
0x6b: {  	v8 =	vsub.s32 v8, v7  }
0x6c: {  	vm12 =	vlt.u32 v8, $0xA00  }
0x6d: {  	v8 =	vsel vm12, v8, v3  }
0x6e: {  	[tilespmem:$0x8090] =	vst v8  }
0x6f: {  	v8 =	vld [tilespmem:s25+$0x40A0];
	_ =	sdelay $0x4  }
0x70: {  	v8 =	vsub.s32 v8, v7  }
0x71: {  	vm13 =	vlt.u32 v8, $0xA00  }
0x72: {  	v8 =	vsel vm13, v8, v4  }
0x73: {  	[tilespmem:$0x80A0] =	vst v8  }
0x74: {  	v8 =	vld [tilespmem:s25+$0x40B0];
	_ =	sdelay $0x4  }
0x75: {  	v8 =	vsub.s32 v8, v7  }
0x76: {  	vm14 =	vlt.u32 v8, $0xA00  }
0x77: {  	v8 =	vsel vm14, v8, v5  }
0x78: {  	[tilespmem:$0x80B0] =	vst v8  }
0x79: {  	v8 =	vld [tilespmem:s25+$0x40C0];
	_ =	sdelay $0x4  }
0x7a: {  	v8 =	vsub.s32 v8, v7  }
0x7b: {  	vm15 =	vlt.u32 v8, $0xA00  }
0x7c: {  	v8 =	vsel vm15, v8, v6  }
0x7d: {  	[tilespmem:$0x80C0] =	vst v8  }
0x7e: {  	_ =	swait.ge [sflag:s19], $0x2800  }
0x7f: {  	[sflag:s19] =	ssyncset.done $0x0  }
0x80: {  	[sflag:s19] =	ssyncadd.s32 $0xFFFFD800  }
0x81: {  	[spmem:s2] =	stream.indirect.scatter.add.f32 [tilespmem:s16], [sflag:$0x3], $0x80, s20, s14, $0xb8;
	[tilespmem:$0x1C380] =	vst v63  }
0x82: {  	_ =	swait.ge [sflag:s11], $0x2800  }
0x83: {  	s29 =	simm.s32 $0x800;
	s25 =	simm.s32 $0x100;
	[sflag:s11] =	ssyncset.done $0x0  }
.LBB2_7:
0x84: {  	s30 =	sadd.s32 $0x80, s25  }
0x85: {  	[sflag:s11] =	ssyncadd.s32 $0xFFFFD800;
	s28 =	smov.u32 s29;
	s26 =	sadd.s32 $0x400, s29  }
0x86: {  	[tilespmem:s16], [sflag:$0x2] =	stream.indirect.gather [hbm4b:s5+s14], $0x80, s30, s14, $0xb8;
	[tilespmem:$0x1C380] =	vst v63  }
0x87: {  	p0 =	sne.s32 s29, $0xF400;
	v8 =	vld [tilespmem:s25+$0x4000];
	_ =	sdelay $0x4  }
0x88: {  	v8 =	vsub.s32 v8, v7  }
0x89: {  	vm0 =	vlt.u32 v8, $0xA00  }
0x8a: {  	v8 =	vsel vm0, v8, v2  }
0x8b: {  	[tilespmem:$0x8000] =	vst v8  }
0x8c: {  	v8 =	vld [tilespmem:s25+$0x4010];
	_ =	sdelay $0x4  }
0x8d: {  	v8 =	vsub.s32 v8, v7  }
0x8e: {  	vm0 =	vlt.u32 v8, $0xA00  }
0x8f: {  	v8 =	vsel vm0, v8, v3  }
0x90: {  	[tilespmem:$0x8010] =	vst v8  }
0x91: {  	v8 =	vld [tilespmem:s25+$0x4020];
	_ =	sdelay $0x4  }
0x92: {  	v8 =	vsub.s32 v8, v7  }
0x93: {  	vm0 =	vlt.u32 v8, $0xA00  }
0x94: {  	v8 =	vsel vm0, v8, v4  }
0x95: {  	[tilespmem:$0x8020] =	vst v8  }
0x96: {  	v8 =	vld [tilespmem:s25+$0x4030];
	_ =	sdelay $0x4  }
0x97: {  	v8 =	vsub.s32 v8, v7  }
0x98: {  	vm0 =	vlt.u32 v8, $0xA00  }
0x99: {  	v8 =	vsel vm0, v8, v5  }
0x9a: {  	[tilespmem:$0x8030] =	vst v8  }
0x9b: {  	v8 =	vld [tilespmem:s25+$0x4040];
	_ =	sdelay $0x4  }
0x9c: {  	v8 =	vsub.s32 v8, v7  }
0x9d: {  	vm0 =	vlt.u32 v8, $0xA00  }
0x9e: {  	v8 =	vsel vm0, v8, v6  }
0x9f: {  	[tilespmem:$0x8040] =	vst v8  }
0xa0: {  	_ =	swait.ge [sflag:s17], $0x2800  }
0xa1: {  	[sflag:s17] =	ssyncset.done $0x0  }
0xa2: {  	[sflag:s17] =	ssyncadd.s32 $0xFFFFD800  }
0xa3: {  	[spmem:s2] =	stream.indirect.scatter.add.f32 [tilespmem:s15], [sflag:$0x3], $0x80, s18, s14, $0xb8;
	[tilespmem:$0x1C380] =	vst v63  }
0xa4: {  	_ =	swait.ge [sflag:s11], $0x2800  }
0xa5: {  	[sflag:s11] =	ssyncset.done $0x0  }
0xa6: {  	s29 =	sadd.s32 $0x100, s25;
	[sflag:s11] =	ssyncadd.s32 $0xFFFFD800  }
0xa7: {  	[tilespmem:s15], [sflag:$0x1] =	stream.indirect.gather [hbm4b:s5+s14], $0x80, s29, s14, $0xb8;
	[tilespmem:$0x1C380] =	vst v63  }
0xa8: {  	v8 =	vld [tilespmem:s25+$0x4080];
	_ =	sdelay $0x4  }
0xa9: {  	v8 =	vsub.s32 v8, v7  }
0xaa: {  	vm0 =	vlt.u32 v8, $0xA00  }
0xab: {  	v8 =	vsel vm0, v8, v2  }
0xac: {  	[tilespmem:$0x8080] =	vst v8  }
0xad: {  	v8 =	vld [tilespmem:s25+$0x4090];
	_ =	sdelay $0x4  }
0xae: {  	v8 =	vsub.s32 v8, v7  }
0xaf: {  	vm0 =	vlt.u32 v8, $0xA00  }
0xb0: {  	v8 =	vsel vm0, v8, v3  }
0xb1: {  	[tilespmem:$0x8090] =	vst v8  }
0xb2: {  	v8 =	vld [tilespmem:s25+$0x40A0];
	_ =	sdelay $0x4  }
0xb3: {  	v8 =	vsub.s32 v8, v7  }
0xb4: {  	vm0 =	vlt.u32 v8, $0xA00  }
0xb5: {  	v8 =	vsel vm0, v8, v4  }
0xb6: {  	[tilespmem:$0x80A0] =	vst v8  }
0xb7: {  	v8 =	vld [tilespmem:s25+$0x40B0];
	_ =	sdelay $0x4  }
0xb8: {  	v8 =	vsub.s32 v8, v7  }
0xb9: {  	vm0 =	vlt.u32 v8, $0xA00  }
0xba: {  	v8 =	vsel vm0, v8, v5  }
0xbb: {  	[tilespmem:$0x80B0] =	vst v8  }
0xbc: {  	v8 =	vld [tilespmem:s25+$0x40C0];
	_ =	sdelay $0x4  }
0xbd: {  	v8 =	vsub.s32 v8, v7  }
0xbe: {  	vm0 =	vlt.u32 v8, $0xA00  }
0xbf: {  	v8 =	vsel vm0, v8, v6  }
0xc0: {  	[tilespmem:$0x80C0] =	vst v8  }
0xc1: {  	_ =	swait.ge [sflag:s19], $0x2800  }
.Ltmp2:
0xc2: {  	[sflag:s19] =	ssyncset.done $0x0;
	(pc) =	sbr.rel @p0 .LBB2_7-.Ltmp2, $4  }
0xc3: {  	[sflag:s19] =	ssyncadd.s32 $0xFFFFD800  }
0xc4: {  	[spmem:s2] =	stream.indirect.scatter.add.f32 [tilespmem:s16], [sflag:$0x3], $0x80, s20, s14, $0xb8;
	[tilespmem:$0x1C380] =	vst v63  }
0xc5: {  	_ =	swait.ge [sflag:s11], $0x2800  }
0xc6: {  	s29 =	smov.u32 s26;
	s25 =	sshra.s32 s28, $0x2;
	[sflag:s11] =	ssyncset.done $0x0  }
0xc7: {  	s26 =	sadd.s32 $0x80, s25;
	[sflag:s11] =	ssyncadd.s32 $0xFFFFD800  }
0xc8: {  	[tilespmem:s16], [sflag:$0x2] =	stream.indirect.gather [hbm4b:s5+s14], $0x80, s26, s14, $0xb8;
	[tilespmem:$0x1C380] =	vst v63  }
0xc9: {  	v8 =	vld [tilespmem:s25+$0x4000];
	_ =	sdelay $0x4  }
0xca: {  	v8 =	vsub.s32 v8, v7  }
0xcb: {  	vm0 =	vlt.u32 v8, $0xA00  }
0xcc: {  	v8 =	vsel vm0, v8, v2  }
0xcd: {  	[tilespmem:$0x8000] =	vst v8  }
0xce: {  	v8 =	vld [tilespmem:s25+$0x4010];
	_ =	sdelay $0x4  }
0xcf: {  	v8 =	vsub.s32 v8, v7  }
0xd0: {  	vm14 =	vlt.u32 v8, $0xA00  }
0xd1: {  	v8 =	vsel vm14, v8, v3  }
0xd2: {  	[tilespmem:$0x8010] =	vst v8  }
0xd3: {  	v8 =	vld [tilespmem:s25+$0x4020];
	_ =	sdelay $0x4  }
0xd4: {  	v8 =	vsub.s32 v8, v7  }
0xd5: {  	vm15 =	vlt.u32 v8, $0xA00  }
0xd6: {  	v8 =	vsel vm15, v8, v4  }
0xd7: {  	[tilespmem:$0x8020] =	vst v8  }
0xd8: {  	v8 =	vld [tilespmem:s25+$0x4030];
	_ =	sdelay $0x4  }
0xd9: {  	v8 =	vsub.s32 v8, v7  }
0xda: {  	vm4 =	vlt.u32 v8, $0xA00  }
0xdb: {  	v8 =	vsel vm4, v8, v5  }
0xdc: {  	[tilespmem:$0x8030] =	vst v8  }
0xdd: {  	v8 =	vld [tilespmem:s25+$0x4040];
	_ =	sdelay $0x4  }
0xde: {  	v8 =	vsub.s32 v8, v7  }
0xdf: {  	vm5 =	vlt.u32 v8, $0xA00  }
0xe0: {  	v8 =	vsel vm5, v8, v6  }
0xe1: {  	[tilespmem:$0x8040] =	vst v8  }
0xe2: {  	_ =	swait.ge [sflag:s17], $0x2800  }
0xe3: {  	[sflag:s17] =	ssyncset.done $0x0  }
0xe4: {  	[sflag:s17] =	ssyncadd.s32 $0xFFFFD800  }
0xe5: {  	[spmem:s2] =	stream.indirect.scatter.add.f32 [tilespmem:s15], [sflag:$0x3], $0x80, s18, s14, $0xb8;
	[tilespmem:$0x1C380] =	vst v63  }
0xe6: {  	_ =	swait.ge [sflag:s11], $0x2800  }
0xe7: {  	[sflag:s11] =	ssyncset.done $0x0  }
0xe8: {  	s31 =	sadd.s32 $0x100, s25;
	[sflag:s11] =	ssyncadd.s32 $0xFFFFD800  }
0xe9: {  	[tilespmem:s15], [sflag:$0x1] =	stream.indirect.gather [hbm4b:s5+s14], $0x80, s31, s14, $0xb8;
	[tilespmem:$0x1C380] =	vst v63  }
0xea: {  	v8 =	vld [tilespmem:s25+$0x4080];
	_ =	sdelay $0x4  }
0xeb: {  	v8 =	vsub.s32 v8, v7  }
0xec: {  	vm6 =	vlt.u32 v8, $0xA00  }
0xed: {  	v8 =	vsel vm6, v8, v2  }
0xee: {  	[tilespmem:$0x8080] =	vst v8  }
0xef: {  	v8 =	vld [tilespmem:s25+$0x4090];
	_ =	sdelay $0x4  }
0xf0: {  	v8 =	vsub.s32 v8, v7  }
0xf1: {  	vm7 =	vlt.u32 v8, $0xA00  }
0xf2: {  	v8 =	vsel vm7, v8, v3  }
0xf3: {  	[tilespmem:$0x8090] =	vst v8  }
0xf4: {  	v8 =	vld [tilespmem:s25+$0x40A0];
	_ =	sdelay $0x4  }
0xf5: {  	v8 =	vsub.s32 v8, v7  }
0xf6: {  	vm8 =	vlt.u32 v8, $0xA00  }
0xf7: {  	v8 =	vsel vm8, v8, v4  }
0xf8: {  	[tilespmem:$0x80A0] =	vst v8  }
0xf9: {  	v8 =	vld [tilespmem:s25+$0x40B0];
	_ =	sdelay $0x4  }
0xfa: {  	v8 =	vsub.s32 v8, v7  }
0xfb: {  	vm9 =	vlt.u32 v8, $0xA00  }
0xfc: {  	v8 =	vsel vm9, v8, v5  }
0xfd: {  	[tilespmem:$0x80B0] =	vst v8  }
0xfe: {  	v8 =	vld [tilespmem:s25+$0x40C0];
	_ =	sdelay $0x4  }
0xff: {  	v8 =	vsub.s32 v8, v7  }
0x100: {  	vm10 =	vlt.u32 v8, $0xA00  }
0x101: {  	v8 =	vsel vm10, v8, v6  }
0x102: {  	[tilespmem:$0x80C0] =	vst v8  }
0x103: {  	_ =	swait.ge [sflag:s19], $0x2800  }
0x104: {  	[sflag:s19] =	ssyncset.done $0x0  }
0x105: {  	[sflag:s19] =	ssyncadd.s32 $0xFFFFD800  }
0x106: {  	[spmem:s2] =	stream.indirect.scatter.add.f32 [tilespmem:s16], [sflag:$0x3], $0x80, s20, s14, $0xb8;
	[tilespmem:$0x1C380] =	vst v63  }
0x107: {  	_ =	swait.ge [sflag:s11], $0x2800  }
0x108: {  	[sflag:s11] =	ssyncset.done $0x0  }
0x109: {  	[sflag:s11] =	ssyncadd.s32 $0xFFFFD800  }
0x10a: {  	v8 =	vld [tilespmem:$0x7E00]  }
0x10b: {  	v9 =	vld [tilespmem:$0x7E10]  }
0x10c: {  	v10 =	vld [tilespmem:$0x7E20]  }
0x10d: {  	v11 =	vld [tilespmem:$0x7E30]  }
0x10e: {  	v12 =	vld [tilespmem:$0x7E40];
	_ =	sdelay $0x3  }
0x10f: {  	v8 =	vsub.s32 v8, v7;
	v9 =	vsub.s32 v9, v7;
	v10 =	vsub.s32 v10, v7  }
0x110: {  	v63 =	vsub.s32 v11, v7;
	v7 =	vsub.s32 v12, v7;
	vm11 =	vlt.u32 v8, $0xA00  }
0x111: {  	vm15 =	vlt.u32 v7, $0xA00;
	v8 =	vsel vm11, v8, v2  }
0x112: {  	vm12 =	vlt.u32 v9, $0xA00;
	v7 =	vsel vm15, v7, v6;
	[tilespmem:$0x8000] =	vst v8  }
0x113: {  	vm13 =	vlt.u32 v10, $0xA00;
	v8 =	vsel vm12, v9, v3;
	[tilespmem:$0x8040] =	vst v7  }
0x114: {  	vm14 =	vlt.u32 v63, $0xA00;
	[tilespmem:$0x8010] =	vst v8;
	v8 =	vsel vm13, v10, v4  }
0x115: {  	[tilespmem:$0x8020] =	vst v8;
	v8 =	vsel vm14, v63, v5  }
0x116: {  	[tilespmem:$0x8030] =	vst v8  }
0x117: {  	_ =	swait.ge [sflag:s17], $0x2800  }
0x118: {  	[sflag:s17] =	ssyncset.done $0x0  }
0x119: {  	[sflag:s17] =	ssyncadd.s32 $0xFFFFD800  }
0x11a: {  	[spmem:s2] =	stream.indirect.scatter.add.f32 [tilespmem:s15], [sflag:$0x3], $0x80, s18, s14, $0xb8;
	[tilespmem:$0x1C380] =	vst v63  }
0x11b: {  	_ =	swait.ge [sflag:s11], $0x2800  }
0x11c: {  	[sflag:s11] =	ssyncset.done $0x0  }
0x11d: {  	[sflag:s11] =	ssyncadd.s32 $0xFFFFD800  }
0x11e: {  	[bflag:$0x0] =	sbarrier.arrive $0xFFFF  }
0x11f: {  	[tilespmem:s21], [sflag:$0x3] =	stream.linear.gather [spmem:s8], $0x5000, $0x38;
	[tilespmem:$0x1C380] =	vst v63  }
0x120: {  	s24 =	sadd.s32 s24, s9;
	_ =	swait.ge [sflag:s11], $0x5000  }
0x121: {  	s23 =	sadd.s32 $0x1, s23;
	s24 =	sshll.u32 s24, $0x4;
	[sflag:s11] =	ssyncset.done $0x0  }
0x122: {  	p0 =	sne.s32 s23, $0x4;
	s24 =	sadd.s32 s1, s24;
	[sflag:s11] =	ssyncadd.s32 $0xFFFFB000  }
0x123: {  	[hbm4b:s24+s3] =	stream.linear.scatter [tilespmem:s21], [sflag:$0x3], $0x5000, $0x38;
	[tilespmem:$0x1C380] =	vst v63  }
.Ltmp3:
0x124: {  	_ =	swait.ge [sflag:s11], $0x5000;
	(pc) =	sbr.rel @p0 .LBB2_6-.Ltmp3, $3  }
0x125: {  	[sflag:s11] =	ssyncset.done $0x0  }
0x126: {  	[sflag:s11] =	ssyncadd.s32 $0xFFFFB000  }
0x127: {  	[bflag:$0x0] =	sbarrier.arrive $0xFFFF;
	_ =	sdelay $0x1  }
0x128: {  	s22 =	sadd.s32 $0x1, s22  }
0x129: {  	p0 =	sne.s32 s22, s10  }
.Ltmp4:
0x12a: {  	_ = 	snop;
	(pc) =	sbr.rel @p0 .LBB2_1-.Ltmp4, $1  }
0x12b: {  	_ =	sdelay $0x3  }
0x12c: {  	_ =	sfence.sel $0x180000  }
0x12d: {  	[bflag:$0x0] =	sbarrier.arrive $0xFFFF  }
0x12e: {  	p0 =	sne.s32 s4, $0x0;
	_ =	strace $0x90000047  }
0x12f: {  	s0 =	sadd.s32 @!p0 $0x100000, s0;
	[bflag:$0x2] =	sbarrier.arrive $0xFFFF  }
0x130: {  	[sflag:s0] =	ssyncadd.tile.s32 @!p0 $0x1;
	_ =	shalt  }
.Lfunc_end2:
_tile_overlayer_lowered:
.L_overlay_start_2:
0x131: {  	(tag) =	ssettag $0x2  }
0x132: {  	s0 =	rddreg [dreg:$0x0];
	s2 =	stileid.u32  }
0x133: {  	s1 =	rddreg [dreg:$0x1];
	p0 =	sne.s32 s2, $0x0  }
0x134: {  	s3 =	rddreg [dreg:$0x2];
	[bflag:$0x3] =	sbarrier.arrive $0xFFFF;
	s2 =	simm.s32 @!p0 $0x1C03  }
0x135: {  	[timem:s3], [sflag:s2] =	dma.local @!p0 [hbm:s0], s1  }
0x136: {  	s0 =	simm.s32 @!p0 $0x3  }
0x137: {  	_ =	swait.ge @!p0 [sflag:s0], s1  }
0x138: {  	s1 =	ssub.s32 @!p0 $0x0, s1;
	[sflag:s0] =	ssyncset.done @!p0 $0x0  }
0x139: {  	[sflag:s0] =	ssyncadd.s32 @!p0 s1  }
0x13a: {  	[bflag:$0x3] =	sbarrier.arrive $0xFFFF  }
0x13b: {  	_ =	shalt  }

</sc_bundles>
